<compile_context>
chip_gen: v7x
topology: tpu7x:2x2x1
jax: 0.10.2.dev20260603
libtpu: 0.0.44.dev20260713+nightly
codegen_flags: <defaults>
</compile_context>

<pallas_src>
import functools

import jax
import jax.numpy as jnp
from jax import lax
from jax.experimental import pallas as pl
from jax.experimental.pallas import tpu as pltpu
from jax.experimental.pallas import tpu_sc as plsc

_VOCAB = 1000
_NC = 2
_NS = 16
_NW = _NC * _NS
_LANES = 16
_NBUF = 4


def _make_sc_embed(B, S, D):
    BW = B // _NW
    NV = D // _LANES

    mesh = plsc.VectorSubcoreMesh(core_axis_name="c", subcore_axis_name="s")

    scratch = (
        [pltpu.VMEM((S * D,), jnp.float32)]
        + [pltpu.VMEM((BW,), jnp.int32)] * _NBUF
        + [pltpu.VMEM((BW, 1, D), jnp.float32)] * _NBUF
        + [pltpu.SemaphoreType.DMA] * (3 * _NBUF)
    )

    @functools.partial(
        pl.kernel,
        mesh=mesh,
        out_type=jax.ShapeDtypeStruct((B, S, D), jnp.float32),
        scratch_types=scratch,
    )
    def sc_embed(xgT_hbm, emb_hbm, pos_hbm, out_hbm, pos_v, *bufs_sems):
        idx = bufs_sems[:_NBUF]
        rows = bufs_sems[_NBUF:2 * _NBUF]
        isem = bufs_sems[2 * _NBUF:3 * _NBUF]
        gsem = bufs_sems[3 * _NBUF:4 * _NBUF]
        ssem = bufs_sems[4 * _NBUF:]
        cid = lax.axis_index("c")
        sid = lax.axis_index("s")
        w = sid * _NC + cid
        b0 = w * BW

        pltpu.sync_copy(pos_hbm, pos_v)

        def idx_copy(j, p):
            j = jnp.asarray(j, jnp.int32)
            return pltpu.make_async_copy(
                xgT_hbm.at[pl.ds(j * B + b0, BW)], idx[p], isem[p]
            )

        def gather(j, p):
            return pltpu.make_async_copy(emb_hbm.at[idx[p]], rows[p].at[:, 0], gsem[p])

        def store(j, p):
            j = jnp.asarray(j, jnp.int32)
            return pltpu.make_async_copy(
                rows[p], out_hbm.at[pl.ds(b0, BW), pl.ds(j, 1), :], ssem[p]
            )

        def add_pos(j, p):
            j = jnp.asarray(j, jnp.int32)
            pv = [pos_v[pl.ds(j * D + v * _LANES, _LANES)] for v in range(NV)]

            def add_row(i, pv):
                for v in range(NV):
                    sl = pl.ds(v * _LANES, _LANES)
                    rows[p][i, 0, sl] = rows[p][i, 0, sl] + pv[v]
                return pv

            lax.fori_loop(0, BW, add_row, pv, unroll=2)

        idx_copy(0, 0).start()
        idx_copy(1, 1).start()
        idx_copy(0, 0).wait()
        gather(0, 0).start()
        idx_copy(1, 1).wait()
        gather(1, 1).start()
        idx_copy(2, 2).start()

        def step(j, p):
            @pl.when(j + 2 < S)
            def _():
                pn = (p + 2) % _NBUF
                idx_copy(j + 2, pn).wait()

                @pl.when(j >= 2)
                def _():
                    store(j - 2, pn).wait()

                gather(j + 2, pn).start()

            @pl.when(j + 3 < S)
            def _():
                pn = (p + 3) % _NBUF
                idx_copy(j + 3, pn).start()

            gather(j, p).wait()
            add_pos(j, p)
            store(j, p).start()

        def body(i, carry):
            j = i * _NBUF
            for q in range(_NBUF):
                step(j + q, q)
            return carry

        lax.fori_loop(0, S // _NBUF, body, 0)
        for q in range(S % _NBUF):
            jt = jnp.int32(S - (S % _NBUF) + q)
            step(jt, q)

        for j in range(S - _NBUF, S):
            store(jnp.int32(j), j % _NBUF).wait()

    return sc_embed


def kernel(x, emb_table, pos_table, pos_ids):
    B, S = x.shape
    Sg = S + 1
    D = emb_table.shape[1]
    xgT = jnp.concatenate(
        [jnp.full((1, B), _VOCAB, x.dtype), x.T.astype(jnp.int32)], axis=0
    ).reshape(Sg * B)
    pos_eff = jnp.take(pos_table, pos_ids[0], axis=0).astype(jnp.float32)
    pos_flat = pos_eff.reshape(Sg * D)
    return _make_sc_embed(B, Sg, D)(xgT, emb_table, pos_flat)

# --- scband reference (transcript-rebuilt; emitter-appended) ---
"""Pipeline reference for scband-chess-transformer-embeddings-48601849921943 (READ-ONLY COPY).

The authoritative reference and input builder live on the scoring server;
editing this copy changes nothing except your own understanding.
"""

import jax, jax.numpy as jnp
import numpy as np
import math

VOCAB = 1000
D_MODEL = 128
BATCH = 4096
SEQ_LEN = 64


def get_sinusoidal_embeddings(d_model):
    max_len = 64
    position = np.array([[y, x] for y in range(8) for x in range(8)])
    embeddings = np.zeros((max_len, d_model))
    for dim in range(d_model):
        div_term = np.exp(dim // 2 * -math.log(10000.0) / (d_model // 2))
        if dim % 2 == 0:
            embeddings[:, dim] = np.sin(position[:, dim % 2] * div_term)
        else:
            embeddings[:, dim] = np.cos(position[:, dim % 2] * div_term)
    return embeddings


def setup_inputs(seed: int = 0) -> dict:
    key = jax.random.key(seed)
    k1, k2 = jax.random.split(key)
    x = jax.random.randint(k1, (BATCH, SEQ_LEN), 0, VOCAB, dtype=jnp.int32)
    # learned token embedding table (vocab_size + 1 for global token)
    emb_table = jax.random.normal(k2, (VOCAB + 1, D_MODEL), dtype=jnp.float32)
    # positional table: zero row for global token + sinusoidal board embeddings
    pos_np = get_sinusoidal_embeddings(D_MODEL).astype(np.float32)
    pos_table = jnp.concatenate([jnp.zeros((1, D_MODEL), dtype=jnp.float32), jnp.asarray(pos_np)], axis=0)
    pos_ids = jnp.arange(SEQ_LEN + 1, dtype=jnp.int32)[None, :]
    return {"x": x, "emb_table": emb_table, "pos_table": pos_table, "pos_ids": pos_ids}


def reference(x, emb_table, pos_table, pos_ids):
    # prepend global token id == VOCAB
    global_tok = jnp.full((x.shape[0], 1), VOCAB, dtype=x.dtype)
    xg = jnp.concatenate([global_tok, x], axis=1)  # [B, 65]
    tok_emb = jnp.take(emb_table, xg, axis=0)      # [B, 65, D]
    pos_emb = jnp.take(pos_table, pos_ids, axis=0)  # [1, 65, D]
    return tok_emb + pos_emb

if __name__ == "__main__":
    import jax
    _d = setup_inputs()
    print(jax.jit(kernel)(*tuple(_d.values())))

</pallas_src>

<mosaic_0001>
#map = affine_map<(d0, d1) -> (0)>
#map1 = affine_map<(d0, d1) -> (0, 0)>
#map2 = affine_map<(d0, d1) -> (0, 0, 0)>
module attributes {stable_mosaic.version = 14 : i64} {
  func.func @sc_embed(%arg0: i32, %arg1: i32, %arg2: memref<266240xi32, #tpu.memory_space<hbm>>, %arg3: memref<1001x128xf32, #tpu.memory_space<hbm>>, %arg4: memref<8320xf32, #tpu.memory_space<hbm>>, %arg5: memref<4096x65x128xf32, #tpu.memory_space<hbm>>, %arg6: memref<8320xf32, #tpu.memory_space<vmem>>, %arg7: memref<128xi32, #tpu.memory_space<vmem>>, %arg8: memref<128xi32, #tpu.memory_space<vmem>>, %arg9: memref<128xi32, #tpu.memory_space<vmem>>, %arg10: memref<128xi32, #tpu.memory_space<vmem>>, %arg11: memref<128x1x128xf32, #tpu.memory_space<vmem>>, %arg12: memref<128x1x128xf32, #tpu.memory_space<vmem>>, %arg13: memref<128x1x128xf32, #tpu.memory_space<vmem>>, %arg14: memref<128x1x128xf32, #tpu.memory_space<vmem>>, %arg15: memref<!tpu.dma_semaphore, #tpu.memory_space<semaphore_mem>>, %arg16: memref<!tpu.dma_semaphore, #tpu.memory_space<semaphore_mem>>, %arg17: memref<!tpu.dma_semaphore, #tpu.memory_space<semaphore_mem>>, %arg18: memref<!tpu.dma_semaphore, #tpu.memory_space<semaphore_mem>>, %arg19: memref<!tpu.dma_semaphore, #tpu.memory_space<semaphore_mem>>, %arg20: memref<!tpu.dma_semaphore, #tpu.memory_space<semaphore_mem>>, %arg21: memref<!tpu.dma_semaphore, #tpu.memory_space<semaphore_mem>>, %arg22: memref<!tpu.dma_semaphore, #tpu.memory_space<semaphore_mem>>, %arg23: memref<!tpu.dma_semaphore, #tpu.memory_space<semaphore_mem>>, %arg24: memref<!tpu.dma_semaphore, #tpu.memory_space<semaphore_mem>>, %arg25: memref<!tpu.dma_semaphore, #tpu.memory_space<semaphore_mem>>, %arg26: memref<!tpu.dma_semaphore, #tpu.memory_space<semaphore_mem>>) attributes {dimension_semantics = [#tpu.dimension_semantics<core_parallel>, #tpu.dimension_semantics<subcore_parallel>], iteration_bounds = array<i64: 2, 16>, scalar_prefetch = 0 : i64, scratch_operands = 21 : i64, tpu.core_type = #tpu.core_type<sc_vector_subcore>, window_params = [{transform_indices = #map}, {transform_indices = #map1}, {transform_indices = #map}, {transform_indices = #map2}]} {
    %mul3A = arith.constant 2 : i32
    %mul3A_0 = arith.muli %arg1, %mul3A : i32
    %add3A = arith.addi %mul3A_0, %arg0 : i32
    %mul3A_1 = arith.constant 128 : i32
    %mul3A_2 = arith.muli %add3A, %mul3A_1 : i32
    "tpu.region"() ({
      %run_scoped3A = tpu.sem_alloc : memref<!tpu.dma_semaphore, #tpu.memory_space<semaphore_mem>>
      tpu.enqueue_dma source(%arg4 : memref<8320xf32, #tpu.memory_space<hbm>>) target(%arg6 : memref<8320xf32, #tpu.memory_space<vmem>>) target_semaphore(%run_scoped3A : memref<!tpu.dma_semaphore, #tpu.memory_space<semaphore_mem>>)
      tpu.wait_dma2 semaphore(%run_scoped3A : memref<!tpu.dma_semaphore, #tpu.memory_space<semaphore_mem>>) src(%arg4 : memref<8320xf32, #tpu.memory_space<hbm>>) dst(%arg6 : memref<8320xf32, #tpu.memory_space<vmem>>)
      tpu.yield
    }) : () -> ()
    %mul3A_3 = arith.constant 0 : i32
    %mul3A_4 = arith.constant 4096 : i32
    %mul3A_5 = arith.muli %mul3A_3, %mul3A_4 : i32
    %add3A_6 = arith.addi %mul3A_5, %mul3A_2 : i32
    %dma_start3A = tpu.memref_slice %arg2[%add3A_6] : memref<266240xi32, #tpu.memory_space<hbm>> -> memref<128xi32, #tpu.memory_space<hbm>>
    %dma_start3A_7 = tpu.memref_slice %arg2[%add3A_6] : memref<266240xi32, #tpu.memory_space<hbm>> -> memref<128xi32, #tpu.memory_space<hbm>>
    tpu.enqueue_dma source(%dma_start3A_7 : memref<128xi32, #tpu.memory_space<hbm>>) target(%arg7 : memref<128xi32, #tpu.memory_space<vmem>>) target_semaphore(%arg15 : memref<!tpu.dma_semaphore, #tpu.memory_space<semaphore_mem>>)
    %mul3A_8 = arith.constant 1 : i32
    %mul3A_9 = arith.constant 4096 : i32
    %mul3A_10 = arith.muli %mul3A_8, %mul3A_9 : i32
    %add3A_11 = arith.addi %mul3A_10, %mul3A_2 : i32
    %dma_start3A_12 = tpu.memref_slice %arg2[%add3A_11] : memref<266240xi32, #tpu.memory_space<hbm>> -> memref<128xi32, #tpu.memory_space<hbm>>
    %dma_start3A_13 = tpu.memref_slice %arg2[%add3A_11] : memref<266240xi32, #tpu.memory_space<hbm>> -> memref<128xi32, #tpu.memory_space<hbm>>
    tpu.enqueue_dma source(%dma_start3A_13 : memref<128xi32, #tpu.memory_space<hbm>>) target(%arg8 : memref<128xi32, #tpu.memory_space<vmem>>) target_semaphore(%arg16 : memref<!tpu.dma_semaphore, #tpu.memory_space<semaphore_mem>>)
    %mul3A_14 = arith.constant 0 : i32
    %mul3A_15 = arith.constant 4096 : i32
    %mul3A_16 = arith.muli %mul3A_14, %mul3A_15 : i32
    %add3A_17 = arith.addi %mul3A_16, %mul3A_2 : i32
    %dma_wait3A = tpu.memref_slice %arg2[%add3A_17] : memref<266240xi32, #tpu.memory_space<hbm>> -> memref<128xi32, #tpu.memory_space<hbm>>
    %dma_wait3A_18 = tpu.memref_slice %arg2[%add3A_17] : memref<266240xi32, #tpu.memory_space<hbm>> -> memref<128xi32, #tpu.memory_space<hbm>>
    tpu.wait_dma2 semaphore(%arg15 : memref<!tpu.dma_semaphore, #tpu.memory_space<semaphore_mem>>) src(%dma_wait3A_18 : memref<128xi32, #tpu.memory_space<hbm>>) dst(%arg7 : memref<128xi32, #tpu.memory_space<vmem>>)
    %dma_start3A_19 = arith.constant 0 : i32
    %dma_start3A_20 = arith.constant 0 : i32
    %dma_start3A_21 = arith.constant 0 : i32
    %dma_start3A_22 = tpu.memref_slice %arg11[%dma_start3A_20, %dma_start3A_19, %dma_start3A_21] : memref<128x1x128xf32, #tpu.memory_space<vmem>> -> memref<128x1x128xf32, #tpu.memory_space<vmem>>
    %dma_start3A_23 = tpu.memref_squeeze %dma_start3A_22 : memref<128x1x128xf32, #tpu.memory_space<vmem>> -> memref<128x128xf32, #tpu.memory_space<vmem>>
    %dma_start3A_24 = arith.constant 0 : i32
    %dma_start3A_25 = arith.constant 0 : i32
    %dma_start3A_26 = tpu.memref_slice %arg3[%dma_start3A_24, %dma_start3A_25] : memref<1001x128xf32, #tpu.memory_space<hbm>> -> memref<1001x128xf32, #tpu.memory_space<hbm>>
    tpu.enqueue_indirect_dma source(%dma_start3A_26 : memref<1001x128xf32, #tpu.memory_space<hbm>>) target(%dma_start3A_23 : memref<128x128xf32, #tpu.memory_space<vmem>>) offsets(%arg7 : memref<128xi32, #tpu.memory_space<vmem>>) semaphore(%arg19 : memref<!tpu.dma_semaphore, #tpu.memory_space<semaphore_mem>>)
    %mul3A_27 = arith.constant 1 : i32
    %mul3A_28 = arith.constant 4096 : i32
    %mul3A_29 = arith.muli %mul3A_27, %mul3A_28 : i32
    %add3A_30 = arith.addi %mul3A_29, %mul3A_2 : i32
    %dma_wait3A_31 = tpu.memref_slice %arg2[%add3A_30] : memref<266240xi32, #tpu.memory_space<hbm>> -> memref<128xi32, #tpu.memory_space<hbm>>
    %dma_wait3A_32 = tpu.memref_slice %arg2[%add3A_30] : memref<266240xi32, #tpu.memory_space<hbm>> -> memref<128xi32, #tpu.memory_space<hbm>>
    tpu.wait_dma2 semaphore(%arg16 : memref<!tpu.dma_semaphore, #tpu.memory_space<semaphore_mem>>) src(%dma_wait3A_32 : memref<128xi32, #tpu.memory_space<hbm>>) dst(%arg8 : memref<128xi32, #tpu.memory_space<vmem>>)
    %dma_start3A_33 = arith.constant 0 : i32
    %dma_start3A_34 = arith.constant 0 : i32
    %dma_start3A_35 = arith.constant 0 : i32
    %dma_start3A_36 = tpu.memref_slice %arg12[%dma_start3A_34, %dma_start3A_33, %dma_start3A_35] : memref<128x1x128xf32, #tpu.memory_space<vmem>> -> memref<128x1x128xf32, #tpu.memory_space<vmem>>
    %dma_start3A_37 = tpu.memref_squeeze %dma_start3A_36 : memref<128x1x128xf32, #tpu.memory_space<vmem>> -> memref<128x128xf32, #tpu.memory_space<vmem>>
    %dma_start3A_38 = arith.constant 0 : i32
    %dma_start3A_39 = arith.constant 0 : i32
    %dma_start3A_40 = tpu.memref_slice %arg3[%dma_start3A_38, %dma_start3A_39] : memref<1001x128xf32, #tpu.memory_space<hbm>> -> memref<1001x128xf32, #tpu.memory_space<hbm>>
    tpu.enqueue_indirect_dma source(%dma_start3A_40 : memref<1001x128xf32, #tpu.memory_space<hbm>>) target(%dma_start3A_37 : memref<128x128xf32, #tpu.memory_space<vmem>>) offsets(%arg8 : memref<128xi32, #tpu.memory_space<vmem>>) semaphore(%arg20 : memref<!tpu.dma_semaphore, #tpu.memory_space<semaphore_mem>>)
    %mul3A_41 = arith.constant 2 : i32
    %mul3A_42 = arith.constant 4096 : i32
    %mul3A_43 = arith.muli %mul3A_41, %mul3A_42 : i32
    %add3A_44 = arith.addi %mul3A_43, %mul3A_2 : i32
    %dma_start3A_45 = tpu.memref_slice %arg2[%add3A_44] : memref<266240xi32, #tpu.memory_space<hbm>> -> memref<128xi32, #tpu.memory_space<hbm>>
    %dma_start3A_46 = tpu.memref_slice %arg2[%add3A_44] : memref<266240xi32, #tpu.memory_space<hbm>> -> memref<128xi32, #tpu.memory_space<hbm>>
    tpu.enqueue_dma source(%dma_start3A_46 : memref<128xi32, #tpu.memory_space<hbm>>) target(%arg9 : memref<128xi32, #tpu.memory_space<vmem>>) target_semaphore(%arg17 : memref<!tpu.dma_semaphore, #tpu.memory_space<semaphore_mem>>)
    %scan3A = arith.constant 0 : i32
    %scan3A_47 = arith.constant 0 : i32
    %scan3A_48 = arith.constant 16 : i32
    %scan3A_49 = arith.addi %scan3A_47, %scan3A_48 : i32
    %scan3A_50 = arith.constant 1 : i32
    scf.for %scan3A_168 = %scan3A_47 to %scan3A_49 step %scan3A_50  : i32 {
      %mul3A_169 = arith.constant 4 : i32
      %mul3A_170 = arith.muli %scan3A_168, %mul3A_169 : i32
      %add3A_171 = arith.constant 0 : i32
      %add3A_172 = arith.addi %mul3A_170, %add3A_171 : i32
      %add3A_173 = arith.constant 2 : i32
      %add3A_174 = arith.addi %add3A_172, %add3A_173 : i32
      %lt3A_175 = arith.constant 65 : i32
      %lt3A_176 = arith.cmpi slt, %add3A_174, %lt3A_175 : i32
      %convert_element_type3A_177 = arith.extui %lt3A_176 : i1 to i32
      %cond3A_178 = arith.constant 0 : i32
      %cond3A_179 = arith.cmpi ne, %convert_element_type3A_177, %cond3A_178 : i32
      scf.if %cond3A_179 {
        %add3A_527 = arith.constant 2 : i32
        %add3A_528 = arith.addi %add3A_172, %add3A_527 : i32
        %mul3A_529 = arith.constant 4096 : i32
        %mul3A_530 = arith.muli %add3A_528, %mul3A_529 : i32
        %add3A_531 = arith.addi %mul3A_530, %mul3A_2 : i32
        %dma_wait3A_532 = tpu.memref_slice %arg2[%add3A_531] : memref<266240xi32, #tpu.memory_space<hbm>> -> memref<128xi32, #tpu.memory_space<hbm>>
        %dma_wait3A_533 = tpu.memref_slice %arg2[%add3A_531] : memref<266240xi32, #tpu.memory_space<hbm>> -> memref<128xi32, #tpu.memory_space<hbm>>
        tpu.wait_dma2 semaphore(%arg17 : memref<!tpu.dma_semaphore, #tpu.memory_space<semaphore_mem>>) src(%dma_wait3A_533 : memref<128xi32, #tpu.memory_space<hbm>>) dst(%arg9 : memref<128xi32, #tpu.memory_space<vmem>>)
        %ge3A = arith.constant 2 : i32
        %ge3A_534 = arith.cmpi sge, %add3A_172, %ge3A : i32
        %convert_element_type3A_535 = arith.extui %ge3A_534 : i1 to i32
        %cond3A_536 = arith.constant 0 : i32
        %cond3A_537 = arith.cmpi ne, %convert_element_type3A_535, %cond3A_536 : i32
        scf.if %cond3A_537 {
          %sub3A = arith.constant 2 : i32
          %sub3A_548 = arith.subi %add3A_172, %sub3A : i32
          %dma_wait3A_549 = arith.constant 0 : i32
          %dma_wait3A_550 = tpu.memref_slice %arg5[%mul3A_2, %sub3A_548, %dma_wait3A_549] : memref<4096x65x128xf32, #tpu.memory_space<hbm>> -> memref<128x1x128xf32, #tpu.memory_space<hbm>>
          %dma_wait3A_551 = arith.constant 0 : i32
          %dma_wait3A_552 = tpu.memref_slice %arg5[%mul3A_2, %sub3A_548, %dma_wait3A_551] : memref<4096x65x128xf32, #tpu.memory_space<hbm>> -> memref<128x1x128xf32, #tpu.memory_space<hbm>>
          tpu.wait_dma2 semaphore(%arg25 : memref<!tpu.dma_semaphore, #tpu.memory_space<semaphore_mem>>) src(%arg13 : memref<128x1x128xf32, #tpu.memory_space<vmem>>) dst(%dma_wait3A_552 : memref<128x1x128xf32, #tpu.memory_space<hbm>>)
        } else {
        }
        %add3A_538 = arith.constant 2 : i32
        %add3A_539 = arith.addi %add3A_172, %add3A_538 : i32
        %dma_start3A_540 = arith.constant 0 : i32
        %dma_start3A_541 = arith.constant 0 : i32
        %dma_start3A_542 = arith.constant 0 : i32
        %dma_start3A_543 = tpu.memref_slice %arg13[%dma_start3A_541, %dma_start3A_540, %dma_start3A_542] : memref<128x1x128xf32, #tpu.memory_space<vmem>> -> memref<128x1x128xf32, #tpu.memory_space<vmem>>
        %dma_start3A_544 = tpu.memref_squeeze %dma_start3A_543 : memref<128x1x128xf32, #tpu.memory_space<vmem>> -> memref<128x128xf32, #tpu.memory_space<vmem>>
        %dma_start3A_545 = arith.constant 0 : i32
        %dma_start3A_546 = arith.constant 0 : i32
        %dma_start3A_547 = tpu.memref_slice %arg3[%dma_start3A_545, %dma_start3A_546] : memref<1001x128xf32, #tpu.memory_space<hbm>> -> memref<1001x128xf32, #tpu.memory_space<hbm>>
        tpu.enqueue_indirect_dma source(%dma_start3A_547 : memref<1001x128xf32, #tpu.memory_space<hbm>>) target(%dma_start3A_544 : memref<128x128xf32, #tpu.memory_space<vmem>>) offsets(%arg9 : memref<128xi32, #tpu.memory_space<vmem>>) semaphore(%arg21 : memref<!tpu.dma_semaphore, #tpu.memory_space<semaphore_mem>>)
      } else {
      }
      %add3A_180 = arith.constant 3 : i32
      %add3A_181 = arith.addi %add3A_172, %add3A_180 : i32
      %lt3A_182 = arith.constant 65 : i32
      %lt3A_183 = arith.cmpi slt, %add3A_181, %lt3A_182 : i32
      %convert_element_type3A_184 = arith.extui %lt3A_183 : i1 to i32
      %cond3A_185 = arith.constant 0 : i32
      %cond3A_186 = arith.cmpi ne, %convert_element_type3A_184, %cond3A_185 : i32
      scf.if %cond3A_186 {
        %add3A_527 = arith.constant 3 : i32
        %add3A_528 = arith.addi %add3A_172, %add3A_527 : i32
        %mul3A_529 = arith.constant 4096 : i32
        %mul3A_530 = arith.muli %add3A_528, %mul3A_529 : i32
        %add3A_531 = arith.addi %mul3A_530, %mul3A_2 : i32
        %dma_start3A_532 = tpu.memref_slice %arg2[%add3A_531] : memref<266240xi32, #tpu.memory_space<hbm>> -> memref<128xi32, #tpu.memory_space<hbm>>
        %dma_start3A_533 = tpu.memref_slice %arg2[%add3A_531] : memref<266240xi32, #tpu.memory_space<hbm>> -> memref<128xi32, #tpu.memory_space<hbm>>
        tpu.enqueue_dma source(%dma_start3A_533 : memref<128xi32, #tpu.memory_space<hbm>>) target(%arg10 : memref<128xi32, #tpu.memory_space<vmem>>) target_semaphore(%arg18 : memref<!tpu.dma_semaphore, #tpu.memory_space<semaphore_mem>>)
      } else {
      }
      %dma_wait3A_187 = arith.constant 0 : i32
      %dma_wait3A_188 = arith.constant 0 : i32
      %dma_wait3A_189 = arith.constant 0 : i32
      %dma_wait3A_190 = tpu.memref_slice %arg11[%dma_wait3A_188, %dma_wait3A_187, %dma_wait3A_189] : memref<128x1x128xf32, #tpu.memory_space<vmem>> -> memref<128x1x128xf32, #tpu.memory_space<vmem>>
      %dma_wait3A_191 = tpu.memref_squeeze %dma_wait3A_190 : memref<128x1x128xf32, #tpu.memory_space<vmem>> -> memref<128x128xf32, #tpu.memory_space<vmem>>
      %dma_wait3A_192 = arith.constant 0 : i32
      %dma_wait3A_193 = arith.constant 0 : i32
      %dma_wait3A_194 = tpu.memref_slice %arg3[%dma_wait3A_192, %dma_wait3A_193] : memref<1001x128xf32, #tpu.memory_space<hbm>> -> memref<1001x128xf32, #tpu.memory_space<hbm>>
      tpu.wait_indirect_dma semaphore(%arg19 : memref<!tpu.dma_semaphore, #tpu.memory_space<semaphore_mem>>) src(%dma_wait3A_194 : memref<1001x128xf32, #tpu.memory_space<hbm>>) dst(%dma_wait3A_191 : memref<128x128xf32, #tpu.memory_space<vmem>>)
      %mul3A_195 = arith.constant 128 : i32
      %mul3A_196 = arith.muli %add3A_172, %mul3A_195 : i32
      %add3A_197 = arith.constant 0 : i32
      %add3A_198 = arith.addi %mul3A_196, %add3A_197 : i32
      %get3A_199 = arith.index_cast %add3A_198 : i32 to index
      %get3A_200 = tpu.vector_load %arg6[%get3A_199] {strides = array<i32>} : memref<8320xf32, #tpu.memory_space<vmem>>, vector<16xf32>,
      %get3A_201 = vector.shape_cast %get3A_200 : vector<16xf32> to vector<16xf32>
      %mul3A_202 = arith.constant 128 : i32
      %mul3A_203 = arith.muli %add3A_172, %mul3A_202 : i32
      %add3A_204 = arith.constant 16 : i32
      %add3A_205 = arith.addi %mul3A_203, %add3A_204 : i32
      %get3A_206 = arith.index_cast %add3A_205 : i32 to index
      %get3A_207 = tpu.vector_load %arg6[%get3A_206] {strides = array<i32>} : memref<8320xf32, #tpu.memory_space<vmem>>, vector<16xf32>,
      %get3A_208 = vector.shape_cast %get3A_207 : vector<16xf32> to vector<16xf32>
      %mul3A_209 = arith.constant 128 : i32
      %mul3A_210 = arith.muli %add3A_172, %mul3A_209 : i32
      %add3A_211 = arith.constant 32 : i32
      %add3A_212 = arith.addi %mul3A_210, %add3A_211 : i32
      %get3A_213 = arith.index_cast %add3A_212 : i32 to index
      %get3A_214 = tpu.vector_load %arg6[%get3A_213] {strides = array<i32>} : memref<8320xf32, #tpu.memory_space<vmem>>, vector<16xf32>,
      %get3A_215 = vector.shape_cast %get3A_214 : vector<16xf32> to vector<16xf32>
      %mul3A_216 = arith.constant 128 : i32
      %mul3A_217 = arith.muli %add3A_172, %mul3A_216 : i32
      %add3A_218 = arith.constant 48 : i32
      %add3A_219 = arith.addi %mul3A_217, %add3A_218 : i32
      %get3A_220 = arith.index_cast %add3A_219 : i32 to index
      %get3A_221 = tpu.vector_load %arg6[%get3A_220] {strides = array<i32>} : memref<8320xf32, #tpu.memory_space<vmem>>, vector<16xf32>,
      %get3A_222 = vector.shape_cast %get3A_221 : vector<16xf32> to vector<16xf32>
      %mul3A_223 = arith.constant 128 : i32
      %mul3A_224 = arith.muli %add3A_172, %mul3A_223 : i32
      %add3A_225 = arith.constant 64 : i32
      %add3A_226 = arith.addi %mul3A_224, %add3A_225 : i32
      %get3A_227 = arith.index_cast %add3A_226 : i32 to index
      %get3A_228 = tpu.vector_load %arg6[%get3A_227] {strides = array<i32>} : memref<8320xf32, #tpu.memory_space<vmem>>, vector<16xf32>,
      %get3A_229 = vector.shape_cast %get3A_228 : vector<16xf32> to vector<16xf32>
      %mul3A_230 = arith.constant 128 : i32
      %mul3A_231 = arith.muli %add3A_172, %mul3A_230 : i32
      %add3A_232 = arith.constant 80 : i32
      %add3A_233 = arith.addi %mul3A_231, %add3A_232 : i32
      %get3A_234 = arith.index_cast %add3A_233 : i32 to index
      %get3A_235 = tpu.vector_load %arg6[%get3A_234] {strides = array<i32>} : memref<8320xf32, #tpu.memory_space<vmem>>, vector<16xf32>,
      %get3A_236 = vector.shape_cast %get3A_235 : vector<16xf32> to vector<16xf32>
      %mul3A_237 = arith.constant 128 : i32
      %mul3A_238 = arith.muli %add3A_172, %mul3A_237 : i32
      %add3A_239 = arith.constant 96 : i32
      %add3A_240 = arith.addi %mul3A_238, %add3A_239 : i32
      %get3A_241 = arith.index_cast %add3A_240 : i32 to index
      %get3A_242 = tpu.vector_load %arg6[%get3A_241] {strides = array<i32>} : memref<8320xf32, #tpu.memory_space<vmem>>, vector<16xf32>,
      %get3A_243 = vector.shape_cast %get3A_242 : vector<16xf32> to vector<16xf32>
      %mul3A_244 = arith.constant 128 : i32
      %mul3A_245 = arith.muli %add3A_172, %mul3A_244 : i32
      %add3A_246 = arith.constant 112 : i32
      %add3A_247 = arith.addi %mul3A_245, %add3A_246 : i32
      %get3A_248 = arith.index_cast %add3A_247 : i32 to index
      %get3A_249 = tpu.vector_load %arg6[%get3A_248] {strides = array<i32>} : memref<8320xf32, #tpu.memory_space<vmem>>, vector<16xf32>,
      %get3A_250 = vector.shape_cast %get3A_249 : vector<16xf32> to vector<16xf32>
      %scan3A_251 = arith.constant 0 : i32
      %scan3A_252 = arith.constant 128 : i32
      %scan3A_253 = arith.addi %scan3A_251, %scan3A_252 : i32
      %scan3A_254 = arith.constant 2 : i32
      scf.for %scan3A_527 = %scan3A_251 to %scan3A_253 step %scan3A_254  : i32 {
        %get3A_528 = arith.constant 0 : i32
        %get3A_529 = arith.index_cast %scan3A_527 : i32 to index
        %get3A_530 = arith.index_cast %get3A_528 : i32 to index
        %get3A_531 = arith.constant 0 : index
        %get3A_532 = tpu.vector_load %arg11[%get3A_529, %get3A_530, %get3A_531] {strides = array<i32>} : memref<128x1x128xf32, #tpu.memory_space<vmem>>, vector<1x1x16xf32>,
        %get3A_533 = vector.shape_cast %get3A_532 : vector<1x1x16xf32> to vector<16xf32>
        %add3A_534 = arith.addf %get3A_533, %get3A_201 : vector<16xf32>
        %swap3A = arith.constant 0 : i32
        %swap3A_535 = arith.index_cast %scan3A_527 : i32 to index
        %swap3A_536 = arith.index_cast %swap3A : i32 to index
        %swap3A_537 = arith.constant 0 : index
        %swap3A_538 = tpu.vector_load %arg11[%swap3A_535, %swap3A_536, %swap3A_537] {strides = array<i32>} : memref<128x1x128xf32, #tpu.memory_space<vmem>>, vector<1x1x16xf32>,
        %swap3A_539 = vector.shape_cast %swap3A_538 : vector<1x1x16xf32> to vector<16xf32>
        %swap3A_540 = vector.shape_cast %add3A_534 : vector<16xf32> to vector<1x1x16xf32>
        tpu.vector_store %arg11[%swap3A_535, %swap3A_536, %swap3A_537], %swap3A_540 {strides = array<i32>} : memref<128x1x128xf32, #tpu.memory_space<vmem>>, vector<1x1x16xf32>,
        %get3A_541 = arith.constant 0 : i32
        %get3A_542 = arith.index_cast %scan3A_527 : i32 to index
        %get3A_543 = arith.index_cast %get3A_541 : i32 to index
        %get3A_544 = arith.constant 16 : index
        %get3A_545 = tpu.vector_load %arg11[%get3A_542, %get3A_543, %get3A_544] {strides = array<i32>} : memref<128x1x128xf32, #tpu.memory_space<vmem>>, vector<1x1x16xf32>,
        %get3A_546 = vector.shape_cast %get3A_545 : vector<1x1x16xf32> to vector<16xf32>
        %add3A_547 = arith.addf %get3A_546, %get3A_208 : vector<16xf32>
        %swap3A_548 = arith.constant 0 : i32
        %swap3A_549 = arith.index_cast %scan3A_527 : i32 to index
        %swap3A_550 = arith.index_cast %swap3A_548 : i32 to index
        %swap3A_551 = arith.constant 16 : index
        %swap3A_552 = tpu.vector_load %arg11[%swap3A_549, %swap3A_550, %swap3A_551] {strides = array<i32>} : memref<128x1x128xf32, #tpu.memory_space<vmem>>, vector<1x1x16xf32>,
        %swap3A_553 = vector.shape_cast %swap3A_552 : vector<1x1x16xf32> to vector<16xf32>
        %swap3A_554 = vector.shape_cast %add3A_547 : vector<16xf32> to vector<1x1x16xf32>
        tpu.vector_store %arg11[%swap3A_549, %swap3A_550, %swap3A_551], %swap3A_554 {strides = array<i32>} : memref<128x1x128xf32, #tpu.memory_space<vmem>>, vector<1x1x16xf32>,
        %get3A_555 = arith.constant 0 : i32
        %get3A_556 = arith.index_cast %scan3A_527 : i32 to index
        %get3A_557 = arith.index_cast %get3A_555 : i32 to index
        %get3A_558 = arith.constant 32 : index
        %get3A_559 = tpu.vector_load %arg11[%get3A_556, %get3A_557, %get3A_558] {strides = array<i32>} : memref<128x1x128xf32, #tpu.memory_space<vmem>>, vector<1x1x16xf32>,
        %get3A_560 = vector.shape_cast %get3A_559 : vector<1x1x16xf32> to vector<16xf32>
        %add3A_561 = arith.addf %get3A_560, %get3A_215 : vector<16xf32>
        %swap3A_562 = arith.constant 0 : i32
        %swap3A_563 = arith.index_cast %scan3A_527 : i32 to index
        %swap3A_564 = arith.index_cast %swap3A_562 : i32 to index
        %swap3A_565 = arith.constant 32 : index
        %swap3A_566 = tpu.vector_load %arg11[%swap3A_563, %swap3A_564, %swap3A_565] {strides = array<i32>} : memref<128x1x128xf32, #tpu.memory_space<vmem>>, vector<1x1x16xf32>,
        %swap3A_567 = vector.shape_cast %swap3A_566 : vector<1x1x16xf32> to vector<16xf32>
        %swap3A_568 = vector.shape_cast %add3A_561 : vector<16xf32> to vector<1x1x16xf32>
        tpu.vector_store %arg11[%swap3A_563, %swap3A_564, %swap3A_565], %swap3A_568 {strides = array<i32>} : memref<128x1x128xf32, #tpu.memory_space<vmem>>, vector<1x1x16xf32>,
        %get3A_569 = arith.constant 0 : i32
        %get3A_570 = arith.index_cast %scan3A_527 : i32 to index
        %get3A_571 = arith.index_cast %get3A_569 : i32 to index
        %get3A_572 = arith.constant 48 : index
        %get3A_573 = tpu.vector_load %arg11[%get3A_570, %get3A_571, %get3A_572] {strides = array<i32>} : memref<128x1x128xf32, #tpu.memory_space<vmem>>, vector<1x1x16xf32>,
        %get3A_574 = vector.shape_cast %get3A_573 : vector<1x1x16xf32> to vector<16xf32>
        %add3A_575 = arith.addf %get3A_574, %get3A_222 : vector<16xf32>
        %swap3A_576 = arith.constant 0 : i32
        %swap3A_577 = arith.index_cast %scan3A_527 : i32 to index
        %swap3A_578 = arith.index_cast %swap3A_576 : i32 to index
        %swap3A_579 = arith.constant 48 : index
        %swap3A_580 = tpu.vector_load %arg11[%swap3A_577, %swap3A_578, %swap3A_579] {strides = array<i32>} : memref<128x1x128xf32, #tpu.memory_space<vmem>>, vector<1x1x16xf32>,
        %swap3A_581 = vector.shape_cast %swap3A_580 : vector<1x1x16xf32> to vector<16xf32>
        %swap3A_582 = vector.shape_cast %add3A_575 : vector<16xf32> to vector<1x1x16xf32>
        tpu.vector_store %arg11[%swap3A_577, %swap3A_578, %swap3A_579], %swap3A_582 {strides = array<i32>} : memref<128x1x128xf32, #tpu.memory_space<vmem>>, vector<1x1x16xf32>,
        %get3A_583 = arith.constant 0 : i32
        %get3A_584 = arith.index_cast %scan3A_527 : i32 to index
        %get3A_585 = arith.index_cast %get3A_583 : i32 to index
        %get3A_586 = arith.constant 64 : index
        %get3A_587 = tpu.vector_load %arg11[%get3A_584, %get3A_585, %get3A_586] {strides = array<i32>} : memref<128x1x128xf32, #tpu.memory_space<vmem>>, vector<1x1x16xf32>,
        %get3A_588 = vector.shape_cast %get3A_587 : vector<1x1x16xf32> to vector<16xf32>
        %add3A_589 = arith.addf %get3A_588, %get3A_229 : vector<16xf32>
        %swap3A_590 = arith.constant 0 : i32
        %swap3A_591 = arith.index_cast %scan3A_527 : i32 to index
        %swap3A_592 = arith.index_cast %swap3A_590 : i32 to index
        %swap3A_593 = arith.constant 64 : index
        %swap3A_594 = tpu.vector_load %arg11[%swap3A_591, %swap3A_592, %swap3A_593] {strides = array<i32>} : memref<128x1x128xf32, #tpu.memory_space<vmem>>, vector<1x1x16xf32>,
        %swap3A_595 = vector.shape_cast %swap3A_594 : vector<1x1x16xf32> to vector<16xf32>
        %swap3A_596 = vector.shape_cast %add3A_589 : vector<16xf32> to vector<1x1x16xf32>
        tpu.vector_store %arg11[%swap3A_591, %swap3A_592, %swap3A_593], %swap3A_596 {strides = array<i32>} : memref<128x1x128xf32, #tpu.memory_space<vmem>>, vector<1x1x16xf32>,
        %get3A_597 = arith.constant 0 : i32
        %get3A_598 = arith.index_cast %scan3A_527 : i32 to index
        %get3A_599 = arith.index_cast %get3A_597 : i32 to index
        %get3A_600 = arith.constant 80 : index
        %get3A_601 = tpu.vector_load %arg11[%get3A_598, %get3A_599, %get3A_600] {strides = array<i32>} : memref<128x1x128xf32, #tpu.memory_space<vmem>>, vector<1x1x16xf32>,
        %get3A_602 = vector.shape_cast %get3A_601 : vector<1x1x16xf32> to vector<16xf32>
        %add3A_603 = arith.addf %get3A_602, %get3A_236 : vector<16xf32>
        %swap3A_604 = arith.constant 0 : i32
        %swap3A_605 = arith.index_cast %scan3A_527 : i32 to index
        %swap3A_606 = arith.index_cast %swap3A_604 : i32 to index
        %swap3A_607 = arith.constant 80 : index
        %swap3A_608 = tpu.vector_load %arg11[%swap3A_605, %swap3A_606, %swap3A_607] {strides = array<i32>} : memref<128x1x128xf32, #tpu.memory_space<vmem>>, vector<1x1x16xf32>,
        %swap3A_609 = vector.shape_cast %swap3A_608 : vector<1x1x16xf32> to vector<16xf32>
        %swap3A_610 = vector.shape_cast %add3A_603 : vector<16xf32> to vector<1x1x16xf32>
        tpu.vector_store %arg11[%swap3A_605, %swap3A_606, %swap3A_607], %swap3A_610 {strides = array<i32>} : memref<128x1x128xf32, #tpu.memory_space<vmem>>, vector<1x1x16xf32>,
        %get3A_611 = arith.constant 0 : i32
        %get3A_612 = arith.index_cast %scan3A_527 : i32 to index
        %get3A_613 = arith.index_cast %get3A_611 : i32 to index
        %get3A_614 = arith.constant 96 : index
        %get3A_615 = tpu.vector_load %arg11[%get3A_612, %get3A_613, %get3A_614] {strides = array<i32>} : memref<128x1x128xf32, #tpu.memory_space<vmem>>, vector<1x1x16xf32>,
        %get3A_616 = vector.shape_cast %get3A_615 : vector<1x1x16xf32> to vector<16xf32>
        %add3A_617 = arith.addf %get3A_616, %get3A_243 : vector<16xf32>
        %swap3A_618 = arith.constant 0 : i32
        %swap3A_619 = arith.index_cast %scan3A_527 : i32 to index
        %swap3A_620 = arith.index_cast %swap3A_618 : i32 to index
        %swap3A_621 = arith.constant 96 : index
        %swap3A_622 = tpu.vector_load %arg11[%swap3A_619, %swap3A_620, %swap3A_621] {strides = array<i32>} : memref<128x1x128xf32, #tpu.memory_space<vmem>>, vector<1x1x16xf32>,
        %swap3A_623 = vector.shape_cast %swap3A_622 : vector<1x1x16xf32> to vector<16xf32>
        %swap3A_624 = vector.shape_cast %add3A_617 : vector<16xf32> to vector<1x1x16xf32>
        tpu.vector_store %arg11[%swap3A_619, %swap3A_620, %swap3A_621], %swap3A_624 {strides = array<i32>} : memref<128x1x128xf32, #tpu.memory_space<vmem>>, vector<1x1x16xf32>,
        %get3A_625 = arith.constant 0 : i32
        %get3A_626 = arith.index_cast %scan3A_527 : i32 to index
        %get3A_627 = arith.index_cast %get3A_625 : i32 to index
        %get3A_628 = arith.constant 112 : index
        %get3A_629 = tpu.vector_load %arg11[%get3A_626, %get3A_627, %get3A_628] {strides = array<i32>} : memref<128x1x128xf32, #tpu.memory_space<vmem>>, vector<1x1x16xf32>,
        %get3A_630 = vector.shape_cast %get3A_629 : vector<1x1x16xf32> to vector<16xf32>
        %add3A_631 = arith.addf %get3A_630, %get3A_250 : vector<16xf32>
        %swap3A_632 = arith.constant 0 : i32
        %swap3A_633 = arith.index_cast %scan3A_527 : i32 to index
        %swap3A_634 = arith.index_cast %swap3A_632 : i32 to index
        %swap3A_635 = arith.constant 112 : index
        %swap3A_636 = tpu.vector_load %arg11[%swap3A_633, %swap3A_634, %swap3A_635] {strides = array<i32>} : memref<128x1x128xf32, #tpu.memory_space<vmem>>, vector<1x1x16xf32>,
        %swap3A_637 = vector.shape_cast %swap3A_636 : vector<1x1x16xf32> to vector<16xf32>
        %swap3A_638 = vector.shape_cast %add3A_631 : vector<16xf32> to vector<1x1x16xf32>
        tpu.vector_store %arg11[%swap3A_633, %swap3A_634, %swap3A_635], %swap3A_638 {strides = array<i32>} : memref<128x1x128xf32, #tpu.memory_space<vmem>>, vector<1x1x16xf32>,
        %scan3A_639 = arith.constant 1 : i32
        %scan3A_640 = arith.addi %scan3A_527, %scan3A_639 : i32
        %get3A_641 = arith.constant 0 : i32
        %get3A_642 = arith.index_cast %scan3A_640 : i32 to index
        %get3A_643 = arith.index_cast %get3A_641 : i32 to index
        %get3A_644 = arith.constant 0 : index
        %get3A_645 = tpu.vector_load %arg11[%get3A_642, %get3A_643, %get3A_644] {strides = array<i32>} : memref<128x1x128xf32, #tpu.memory_space<vmem>>, vector<1x1x16xf32>,
        %get3A_646 = vector.shape_cast %get3A_645 : vector<1x1x16xf32> to vector<16xf32>
        %add3A_647 = arith.addf %get3A_646, %get3A_201 : vector<16xf32>
        %swap3A_648 = arith.constant 0 : i32
        %swap3A_649 = arith.index_cast %scan3A_640 : i32 to index
        %swap3A_650 = arith.index_cast %swap3A_648 : i32 to index
        %swap3A_651 = arith.constant 0 : index
        %swap3A_652 = tpu.vector_load %arg11[%swap3A_649, %swap3A_650, %swap3A_651] {strides = array<i32>} : memref<128x1x128xf32, #tpu.memory_space<vmem>>, vector<1x1x16xf32>,
        %swap3A_653 = vector.shape_cast %swap3A_652 : vector<1x1x16xf32> to vector<16xf32>
        %swap3A_654 = vector.shape_cast %add3A_647 : vector<16xf32> to vector<1x1x16xf32>
        tpu.vector_store %arg11[%swap3A_649, %swap3A_650, %swap3A_651], %swap3A_654 {strides = array<i32>} : memref<128x1x128xf32, #tpu.memory_space<vmem>>, vector<1x1x16xf32>,
        %get3A_655 = arith.constant 0 : i32
        %get3A_656 = arith.index_cast %scan3A_640 : i32 to index
        %get3A_657 = arith.index_cast %get3A_655 : i32 to index
        %get3A_658 = arith.constant 16 : index
        %get3A_659 = tpu.vector_load %arg11[%get3A_656, %get3A_657, %get3A_658] {strides = array<i32>} : memref<128x1x128xf32, #tpu.memory_space<vmem>>, vector<1x1x16xf32>,
        %get3A_660 = vector.shape_cast %get3A_659 : vector<1x1x16xf32> to vector<16xf32>
        %add3A_661 = arith.addf %get3A_660, %get3A_208 : vector<16xf32>
        %swap3A_662 = arith.constant 0 : i32
        %swap3A_663 = arith.index_cast %scan3A_640 : i32 to index
        %swap3A_664 = arith.index_cast %swap3A_662 : i32 to index
        %swap3A_665 = arith.constant 16 : index
        %swap3A_666 = tpu.vector_load %arg11[%swap3A_663, %swap3A_664, %swap3A_665] {strides = array<i32>} : memref<128x1x128xf32, #tpu.memory_space<vmem>>, vector<1x1x16xf32>,
        %swap3A_667 = vector.shape_cast %swap3A_666 : vector<1x1x16xf32> to vector<16xf32>
        %swap3A_668 = vector.shape_cast %add3A_661 : vector<16xf32> to vector<1x1x16xf32>
        tpu.vector_store %arg11[%swap3A_663, %swap3A_664, %swap3A_665], %swap3A_668 {strides = array<i32>} : memref<128x1x128xf32, #tpu.memory_space<vmem>>, vector<1x1x16xf32>,
        %get3A_669 = arith.constant 0 : i32
        %get3A_670 = arith.index_cast %scan3A_640 : i32 to index
        %get3A_671 = arith.index_cast %get3A_669 : i32 to index
        %get3A_672 = arith.constant 32 : index
        %get3A_673 = tpu.vector_load %arg11[%get3A_670, %get3A_671, %get3A_672] {strides = array<i32>} : memref<128x1x128xf32, #tpu.memory_space<vmem>>, vector<1x1x16xf32>,
        %get3A_674 = vector.shape_cast %get3A_673 : vector<1x1x16xf32> to vector<16xf32>
        %add3A_675 = arith.addf %get3A_674, %get3A_215 : vector<16xf32>
        %swap3A_676 = arith.constant 0 : i32
        %swap3A_677 = arith.index_cast %scan3A_640 : i32 to index
        %swap3A_678 = arith.index_cast %swap3A_676 : i32 to index
        %swap3A_679 = arith.constant 32 : index
        %swap3A_680 = tpu.vector_load %arg11[%swap3A_677, %swap3A_678, %swap3A_679] {strides = array<i32>} : memref<128x1x128xf32, #tpu.memory_space<vmem>>, vector<1x1x16xf32>,
        %swap3A_681 = vector.shape_cast %swap3A_680 : vector<1x1x16xf32> to vector<16xf32>
        %swap3A_682 = vector.shape_cast %add3A_675 : vector<16xf32> to vector<1x1x16xf32>
        tpu.vector_store %arg11[%swap3A_677, %swap3A_678, %swap3A_679], %swap3A_682 {strides = array<i32>} : memref<128x1x128xf32, #tpu.memory_space<vmem>>, vector<1x1x16xf32>,
        %get3A_683 = arith.constant 0 : i32
        %get3A_684 = arith.index_cast %scan3A_640 : i32 to index
        %get3A_685 = arith.index_cast %get3A_683 : i32 to index
        %get3A_686 = arith.constant 48 : index
        %get3A_687 = tpu.vector_load %arg11[%get3A_684, %get3A_685, %get3A_686] {strides = array<i32>} : memref<128x1x128xf32, #tpu.memory_space<vmem>>, vector<1x1x16xf32>,
        %get3A_688 = vector.shape_cast %get3A_687 : vector<1x1x16xf32> to vector<16xf32>
        %add3A_689 = arith.addf %get3A_688, %get3A_222 : vector<16xf32>
        %swap3A_690 = arith.constant 0 : i32
        %swap3A_691 = arith.index_cast %scan3A_640 : i32 to index
        %swap3A_692 = arith.index_cast %swap3A_690 : i32 to index
        %swap3A_693 = arith.constant 48 : index
        %swap3A_694 = tpu.vector_load %arg11[%swap3A_691, %swap3A_692, %swap3A_693] {strides = array<i32>} : memref<128x1x128xf32, #tpu.memory_space<vmem>>, vector<1x1x16xf32>,
        %swap3A_695 = vector.shape_cast %swap3A_694 : vector<1x1x16xf32> to vector<16xf32>
        %swap3A_696 = vector.shape_cast %add3A_689 : vector<16xf32> to vector<1x1x16xf32>
        tpu.vector_store %arg11[%swap3A_691, %swap3A_692, %swap3A_693], %swap3A_696 {strides = array<i32>} : memref<128x1x128xf32, #tpu.memory_space<vmem>>, vector<1x1x16xf32>,
        %get3A_697 = arith.constant 0 : i32
        %get3A_698 = arith.index_cast %scan3A_640 : i32 to index
        %get3A_699 = arith.index_cast %get3A_697 : i32 to index
        %get3A_700 = arith.constant 64 : index
        %get3A_701 = tpu.vector_load %arg11[%get3A_698, %get3A_699, %get3A_700] {strides = array<i32>} : memref<128x1x128xf32, #tpu.memory_space<vmem>>, vector<1x1x16xf32>,
        %get3A_702 = vector.shape_cast %get3A_701 : vector<1x1x16xf32> to vector<16xf32>
        %add3A_703 = arith.addf %get3A_702, %get3A_229 : vector<16xf32>
        %swap3A_704 = arith.constant 0 : i32
        %swap3A_705 = arith.index_cast %scan3A_640 : i32 to index
        %swap3A_706 = arith.index_cast %swap3A_704 : i32 to index
        %swap3A_707 = arith.constant 64 : index
        %swap3A_708 = tpu.vector_load %arg11[%swap3A_705, %swap3A_706, %swap3A_707] {strides = array<i32>} : memref<128x1x128xf32, #tpu.memory_space<vmem>>, vector<1x1x16xf32>,
        %swap3A_709 = vector.shape_cast %swap3A_708 : vector<1x1x16xf32> to vector<16xf32>
        %swap3A_710 = vector.shape_cast %add3A_703 : vector<16xf32> to vector<1x1x16xf32>
        tpu.vector_store %arg11[%swap3A_705, %swap3A_706, %swap3A_707], %swap3A_710 {strides = array<i32>} : memref<128x1x128xf32, #tpu.memory_space<vmem>>, vector<1x1x16xf32>,
        %get3A_711 = arith.constant 0 : i32
        %get3A_712 = arith.index_cast %scan3A_640 : i32 to index
        %get3A_713 = arith.index_cast %get3A_711 : i32 to index
        %get3A_714 = arith.constant 80 : index
        %get3A_715 = tpu.vector_load %arg11[%get3A_712, %get3A_713, %get3A_714] {strides = array<i32>} : memref<128x1x128xf32, #tpu.memory_space<vmem>>, vector<1x1x16xf32>,
        %get3A_716 = vector.shape_cast %get3A_715 : vector<1x1x16xf32> to vector<16xf32>
        %add3A_717 = arith.addf %get3A_716, %get3A_236 : vector<16xf32>
        %swap3A_718 = arith.constant 0 : i32
        %swap3A_719 = arith.index_cast %scan3A_640 : i32 to index
        %swap3A_720 = arith.index_cast %swap3A_718 : i32 to index
        %swap3A_721 = arith.constant 80 : index
        %swap3A_722 = tpu.vector_load %arg11[%swap3A_719, %swap3A_720, %swap3A_721] {strides = array<i32>} : memref<128x1x128xf32, #tpu.memory_space<vmem>>, vector<1x1x16xf32>,
        %swap3A_723 = vector.shape_cast %swap3A_722 : vector<1x1x16xf32> to vector<16xf32>
        %swap3A_724 = vector.shape_cast %add3A_717 : vector<16xf32> to vector<1x1x16xf32>
        tpu.vector_store %arg11[%swap3A_719, %swap3A_720, %swap3A_721], %swap3A_724 {strides = array<i32>} : memref<128x1x128xf32, #tpu.memory_space<vmem>>, vector<1x1x16xf32>,
        %get3A_725 = arith.constant 0 : i32
        %get3A_726 = arith.index_cast %scan3A_640 : i32 to index
        %get3A_727 = arith.index_cast %get3A_725 : i32 to index
        %get3A_728 = arith.constant 96 : index
        %get3A_729 = tpu.vector_load %arg11[%get3A_726, %get3A_727, %get3A_728] {strides = array<i32>} : memref<128x1x128xf32, #tpu.memory_space<vmem>>, vector<1x1x16xf32>,
        %get3A_730 = vector.shape_cast %get3A_729 : vector<1x1x16xf32> to vector<16xf32>
        %add3A_731 = arith.addf %get3A_730, %get3A_243 : vector<16xf32>
        %swap3A_732 = arith.constant 0 : i32
        %swap3A_733 = arith.index_cast %scan3A_640 : i32 to index
        %swap3A_734 = arith.index_cast %swap3A_732 : i32 to index
        %swap3A_735 = arith.constant 96 : index
        %swap3A_736 = tpu.vector_load %arg11[%swap3A_733, %swap3A_734, %swap3A_735] {strides = array<i32>} : memref<128x1x128xf32, #tpu.memory_space<vmem>>, vector<1x1x16xf32>,
        %swap3A_737 = vector.shape_cast %swap3A_736 : vector<1x1x16xf32> to vector<16xf32>
        %swap3A_738 = vector.shape_cast %add3A_731 : vector<16xf32> to vector<1x1x16xf32>
        tpu.vector_store %arg11[%swap3A_733, %swap3A_734, %swap3A_735], %swap3A_738 {strides = array<i32>} : memref<128x1x128xf32, #tpu.memory_space<vmem>>, vector<1x1x16xf32>,
        %get3A_739 = arith.constant 0 : i32
        %get3A_740 = arith.index_cast %scan3A_640 : i32 to index
        %get3A_741 = arith.index_cast %get3A_739 : i32 to index
        %get3A_742 = arith.constant 112 : index
        %get3A_743 = tpu.vector_load %arg11[%get3A_740, %get3A_741, %get3A_742] {strides = array<i32>} : memref<128x1x128xf32, #tpu.memory_space<vmem>>, vector<1x1x16xf32>,
        %get3A_744 = vector.shape_cast %get3A_743 : vector<1x1x16xf32> to vector<16xf32>
        %add3A_745 = arith.addf %get3A_744, %get3A_250 : vector<16xf32>
        %swap3A_746 = arith.constant 0 : i32
        %swap3A_747 = arith.index_cast %scan3A_640 : i32 to index
        %swap3A_748 = arith.index_cast %swap3A_746 : i32 to index
        %swap3A_749 = arith.constant 112 : index
        %swap3A_750 = tpu.vector_load %arg11[%swap3A_747, %swap3A_748, %swap3A_749] {strides = array<i32>} : memref<128x1x128xf32, #tpu.memory_space<vmem>>, vector<1x1x16xf32>,
        %swap3A_751 = vector.shape_cast %swap3A_750 : vector<1x1x16xf32> to vector<16xf32>
        %swap3A_752 = vector.shape_cast %add3A_745 : vector<16xf32> to vector<1x1x16xf32>
        tpu.vector_store %arg11[%swap3A_747, %swap3A_748, %swap3A_749], %swap3A_752 {strides = array<i32>} : memref<128x1x128xf32, #tpu.memory_space<vmem>>, vector<1x1x16xf32>,
      }
      %scan3A_255 = arith.constant 128 : i32
      %dma_start3A_256 = arith.constant 0 : i32
      %dma_start3A_257 = tpu.memref_slice %arg5[%mul3A_2, %add3A_172, %dma_start3A_256] : memref<4096x65x128xf32, #tpu.memory_space<hbm>> -> memref<128x1x128xf32, #tpu.memory_space<hbm>>
      %dma_start3A_258 = arith.constant 0 : i32
      %dma_start3A_259 = tpu.memref_slice %arg5[%mul3A_2, %add3A_172, %dma_start3A_258] : memref<4096x65x128xf32, #tpu.memory_space<hbm>> -> memref<128x1x128xf32, #tpu.memory_space<hbm>>
      tpu.enqueue_dma source(%arg11 : memref<128x1x128xf32, #tpu.memory_space<vmem>>) target(%dma_start3A_259 : memref<128x1x128xf32, #tpu.memory_space<hbm>>) target_semaphore(%arg23 : memref<!tpu.dma_semaphore, #tpu.memory_space<semaphore_mem>>)
      %add3A_260 = arith.constant 1 : i32
      %add3A_261 = arith.addi %mul3A_170, %add3A_260 : i32
      %add3A_262 = arith.constant 2 : i32
      %add3A_263 = arith.addi %add3A_261, %add3A_262 : i32
      %lt3A_264 = arith.constant 65 : i32
      %lt3A_265 = arith.cmpi slt, %add3A_263, %lt3A_264 : i32
      %convert_element_type3A_266 = arith.extui %lt3A_265 : i1 to i32
      %cond3A_267 = arith.constant 0 : i32
      %cond3A_268 = arith.cmpi ne, %convert_element_type3A_266, %cond3A_267 : i32
      scf.if %cond3A_268 {
        %add3A_527 = arith.constant 2 : i32
        %add3A_528 = arith.addi %add3A_261, %add3A_527 : i32
        %mul3A_529 = arith.constant 4096 : i32
        %mul3A_530 = arith.muli %add3A_528, %mul3A_529 : i32
        %add3A_531 = arith.addi %mul3A_530, %mul3A_2 : i32
        %dma_wait3A_532 = tpu.memref_slice %arg2[%add3A_531] : memref<266240xi32, #tpu.memory_space<hbm>> -> memref<128xi32, #tpu.memory_space<hbm>>
        %dma_wait3A_533 = tpu.memref_slice %arg2[%add3A_531] : memref<266240xi32, #tpu.memory_space<hbm>> -> memref<128xi32, #tpu.memory_space<hbm>>
        tpu.wait_dma2 semaphore(%arg18 : memref<!tpu.dma_semaphore, #tpu.memory_space<semaphore_mem>>) src(%dma_wait3A_533 : memref<128xi32, #tpu.memory_space<hbm>>) dst(%arg10 : memref<128xi32, #tpu.memory_space<vmem>>)
        %ge3A = arith.constant 2 : i32
        %ge3A_534 = arith.cmpi sge, %add3A_261, %ge3A : i32
        %convert_element_type3A_535 = arith.extui %ge3A_534 : i1 to i32
        %cond3A_536 = arith.constant 0 : i32
        %cond3A_537 = arith.cmpi ne, %convert_element_type3A_535, %cond3A_536 : i32
        scf.if %cond3A_537 {
          %sub3A = arith.constant 2 : i32
          %sub3A_548 = arith.subi %add3A_261, %sub3A : i32
          %dma_wait3A_549 = arith.constant 0 : i32
          %dma_wait3A_550 = tpu.memref_slice %arg5[%mul3A_2, %sub3A_548, %dma_wait3A_549] : memref<4096x65x128xf32, #tpu.memory_space<hbm>> -> memref<128x1x128xf32, #tpu.memory_space<hbm>>
          %dma_wait3A_551 = arith.constant 0 : i32
          %dma_wait3A_552 = tpu.memref_slice %arg5[%mul3A_2, %sub3A_548, %dma_wait3A_551] : memref<4096x65x128xf32, #tpu.memory_space<hbm>> -> memref<128x1x128xf32, #tpu.memory_space<hbm>>
          tpu.wait_dma2 semaphore(%arg26 : memref<!tpu.dma_semaphore, #tpu.memory_space<semaphore_mem>>) src(%arg14 : memref<128x1x128xf32, #tpu.memory_space<vmem>>) dst(%dma_wait3A_552 : memref<128x1x128xf32, #tpu.memory_space<hbm>>)
        } else {
        }
        %add3A_538 = arith.constant 2 : i32
        %add3A_539 = arith.addi %add3A_261, %add3A_538 : i32
        %dma_start3A_540 = arith.constant 0 : i32
        %dma_start3A_541 = arith.constant 0 : i32
        %dma_start3A_542 = arith.constant 0 : i32
        %dma_start3A_543 = tpu.memref_slice %arg14[%dma_start3A_541, %dma_start3A_540, %dma_start3A_542] : memref<128x1x128xf32, #tpu.memory_space<vmem>> -> memref<128x1x128xf32, #tpu.memory_space<vmem>>
        %dma_start3A_544 = tpu.memref_squeeze %dma_start3A_543 : memref<128x1x128xf32, #tpu.memory_space<vmem>> -> memref<128x128xf32, #tpu.memory_space<vmem>>
        %dma_start3A_545 = arith.constant 0 : i32
        %dma_start3A_546 = arith.constant 0 : i32
        %dma_start3A_547 = tpu.memref_slice %arg3[%dma_start3A_545, %dma_start3A_546] : memref<1001x128xf32, #tpu.memory_space<hbm>> -> memref<1001x128xf32, #tpu.memory_space<hbm>>
        tpu.enqueue_indirect_dma source(%dma_start3A_547 : memref<1001x128xf32, #tpu.memory_space<hbm>>) target(%dma_start3A_544 : memref<128x128xf32, #tpu.memory_space<vmem>>) offsets(%arg10 : memref<128xi32, #tpu.memory_space<vmem>>) semaphore(%arg22 : memref<!tpu.dma_semaphore, #tpu.memory_space<semaphore_mem>>)
      } else {
      }
      %add3A_269 = arith.constant 3 : i32
      %add3A_270 = arith.addi %add3A_261, %add3A_269 : i32
      %lt3A_271 = arith.constant 65 : i32
      %lt3A_272 = arith.cmpi slt, %add3A_270, %lt3A_271 : i32
      %convert_element_type3A_273 = arith.extui %lt3A_272 : i1 to i32
      %cond3A_274 = arith.constant 0 : i32
      %cond3A_275 = arith.cmpi ne, %convert_element_type3A_273, %cond3A_274 : i32
      scf.if %cond3A_275 {
        %add3A_527 = arith.constant 3 : i32
        %add3A_528 = arith.addi %add3A_261, %add3A_527 : i32
        %mul3A_529 = arith.constant 4096 : i32
        %mul3A_530 = arith.muli %add3A_528, %mul3A_529 : i32
        %add3A_531 = arith.addi %mul3A_530, %mul3A_2 : i32
        %dma_start3A_532 = tpu.memref_slice %arg2[%add3A_531] : memref<266240xi32, #tpu.memory_space<hbm>> -> memref<128xi32, #tpu.memory_space<hbm>>
        %dma_start3A_533 = tpu.memref_slice %arg2[%add3A_531] : memref<266240xi32, #tpu.memory_space<hbm>> -> memref<128xi32, #tpu.memory_space<hbm>>
        tpu.enqueue_dma source(%dma_start3A_533 : memref<128xi32, #tpu.memory_space<hbm>>) target(%arg7 : memref<128xi32, #tpu.memory_space<vmem>>) target_semaphore(%arg15 : memref<!tpu.dma_semaphore, #tpu.memory_space<semaphore_mem>>)
      } else {
      }
      %dma_wait3A_276 = arith.constant 0 : i32
      %dma_wait3A_277 = arith.constant 0 : i32
      %dma_wait3A_278 = arith.constant 0 : i32
      %dma_wait3A_279 = tpu.memref_slice %arg12[%dma_wait3A_277, %dma_wait3A_276, %dma_wait3A_278] : memref<128x1x128xf32, #tpu.memory_space<vmem>> -> memref<128x1x128xf32, #tpu.memory_space<vmem>>
      %dma_wait3A_280 = tpu.memref_squeeze %dma_wait3A_279 : memref<128x1x128xf32, #tpu.memory_space<vmem>> -> memref<128x128xf32, #tpu.memory_space<vmem>>
      %dma_wait3A_281 = arith.constant 0 : i32
      %dma_wait3A_282 = arith.constant 0 : i32
      %dma_wait3A_283 = tpu.memref_slice %arg3[%dma_wait3A_281, %dma_wait3A_282] : memref<1001x128xf32, #tpu.memory_space<hbm>> -> memref<1001x128xf32, #tpu.memory_space<hbm>>
      tpu.wait_indirect_dma semaphore(%arg20 : memref<!tpu.dma_semaphore, #tpu.memory_space<semaphore_mem>>) src(%dma_wait3A_283 : memref<1001x128xf32, #tpu.memory_space<hbm>>) dst(%dma_wait3A_280 : memref<128x128xf32, #tpu.memory_space<vmem>>)
      %mul3A_284 = arith.constant 128 : i32
      %mul3A_285 = arith.muli %add3A_261, %mul3A_284 : i32
      %add3A_286 = arith.constant 0 : i32
      %add3A_287 = arith.addi %mul3A_285, %add3A_286 : i32
      %get3A_288 = arith.index_cast %add3A_287 : i32 to index
      %get3A_289 = tpu.vector_load %arg6[%get3A_288] {strides = array<i32>} : memref<8320xf32, #tpu.memory_space<vmem>>, vector<16xf32>,
      %get3A_290 = vector.shape_cast %get3A_289 : vector<16xf32> to vector<16xf32>
      %mul3A_291 = arith.constant 128 : i32
      %mul3A_292 = arith.muli %add3A_261, %mul3A_291 : i32
      %add3A_293 = arith.constant 16 : i32
      %add3A_294 = arith.addi %mul3A_292, %add3A_293 : i32
      %get3A_295 = arith.index_cast %add3A_294 : i32 to index
      %get3A_296 = tpu.vector_load %arg6[%get3A_295] {strides = array<i32>} : memref<8320xf32, #tpu.memory_space<vmem>>, vector<16xf32>,
      %get3A_297 = vector.shape_cast %get3A_296 : vector<16xf32> to vector<16xf32>
      %mul3A_298 = arith.constant 128 : i32
      %mul3A_299 = arith.muli %add3A_261, %mul3A_298 : i32
      %add3A_300 = arith.constant 32 : i32
      %add3A_301 = arith.addi %mul3A_299, %add3A_300 : i32
      %get3A_302 = arith.index_cast %add3A_301 : i32 to index
      %get3A_303 = tpu.vector_load %arg6[%get3A_302] {strides = array<i32>} : memref<8320xf32, #tpu.memory_space<vmem>>, vector<16xf32>,
      %get3A_304 = vector.shape_cast %get3A_303 : vector<16xf32> to vector<16xf32>
      %mul3A_305 = arith.constant 128 : i32
      %mul3A_306 = arith.muli %add3A_261, %mul3A_305 : i32
      %add3A_307 = arith.constant 48 : i32
      %add3A_308 = arith.addi %mul3A_306, %add3A_307 : i32
      %get3A_309 = arith.index_cast %add3A_308 : i32 to index
      %get3A_310 = tpu.vector_load %arg6[%get3A_309] {strides = array<i32>} : memref<8320xf32, #tpu.memory_space<vmem>>, vector<16xf32>,
      %get3A_311 = vector.shape_cast %get3A_310 : vector<16xf32> to vector<16xf32>
      %mul3A_312 = arith.constant 128 : i32
      %mul3A_313 = arith.muli %add3A_261, %mul3A_312 : i32
      %add3A_314 = arith.constant 64 : i32
      %add3A_315 = arith.addi %mul3A_313, %add3A_314 : i32
      %get3A_316 = arith.index_cast %add3A_315 : i32 to index
      %get3A_317 = tpu.vector_load %arg6[%get3A_316] {strides = array<i32>} : memref<8320xf32, #tpu.memory_space<vmem>>, vector<16xf32>,
      %get3A_318 = vector.shape_cast %get3A_317 : vector<16xf32> to vector<16xf32>
      %mul3A_319 = arith.constant 128 : i32
      %mul3A_320 = arith.muli %add3A_261, %mul3A_319 : i32
      %add3A_321 = arith.constant 80 : i32
      %add3A_322 = arith.addi %mul3A_320, %add3A_321 : i32
      %get3A_323 = arith.index_cast %add3A_322 : i32 to index
      %get3A_324 = tpu.vector_load %arg6[%get3A_323] {strides = array<i32>} : memref<8320xf32, #tpu.memory_space<vmem>>, vector<16xf32>,
      %get3A_325 = vector.shape_cast %get3A_324 : vector<16xf32> to vector<16xf32>
      %mul3A_326 = arith.constant 128 : i32
      %mul3A_327 = arith.muli %add3A_261, %mul3A_326 : i32
      %add3A_328 = arith.constant 96 : i32
      %add3A_329 = arith.addi %mul3A_327, %add3A_328 : i32
      %get3A_330 = arith.index_cast %add3A_329 : i32 to index
      %get3A_331 = tpu.vector_load %arg6[%get3A_330] {strides = array<i32>} : memref<8320xf32, #tpu.memory_space<vmem>>, vector<16xf32>,
      %get3A_332 = vector.shape_cast %get3A_331 : vector<16xf32> to vector<16xf32>
      %mul3A_333 = arith.constant 128 : i32
      %mul3A_334 = arith.muli %add3A_261, %mul3A_333 : i32
      %add3A_335 = arith.constant 112 : i32
      %add3A_336 = arith.addi %mul3A_334, %add3A_335 : i32
      %get3A_337 = arith.index_cast %add3A_336 : i32 to index
      %get3A_338 = tpu.vector_load %arg6[%get3A_337] {strides = array<i32>} : memref<8320xf32, #tpu.memory_space<vmem>>, vector<16xf32>,
      %get3A_339 = vector.shape_cast %get3A_338 : vector<16xf32> to vector<16xf32>
      %scan3A_340 = arith.constant 0 : i32
      %scan3A_341 = arith.constant 128 : i32
      %scan3A_342 = arith.addi %scan3A_340, %scan3A_341 : i32
      %scan3A_343 = arith.constant 2 : i32
      scf.for %scan3A_527 = %scan3A_340 to %scan3A_342 step %scan3A_343  : i32 {
        %get3A_528 = arith.constant 0 : i32
        %get3A_529 = arith.index_cast %scan3A_527 : i32 to index
        %get3A_530 = arith.index_cast %get3A_528 : i32 to index
        %get3A_531 = arith.constant 0 : index
        %get3A_532 = tpu.vector_load %arg12[%get3A_529, %get3A_530, %get3A_531] {strides = array<i32>} : memref<128x1x128xf32, #tpu.memory_space<vmem>>, vector<1x1x16xf32>,
        %get3A_533 = vector.shape_cast %get3A_532 : vector<1x1x16xf32> to vector<16xf32>
        %add3A_534 = arith.addf %get3A_533, %get3A_290 : vector<16xf32>
        %swap3A = arith.constant 0 : i32
        %swap3A_535 = arith.index_cast %scan3A_527 : i32 to index
        %swap3A_536 = arith.index_cast %swap3A : i32 to index
        %swap3A_537 = arith.constant 0 : index
        %swap3A_538 = tpu.vector_load %arg12[%swap3A_535, %swap3A_536, %swap3A_537] {strides = array<i32>} : memref<128x1x128xf32, #tpu.memory_space<vmem>>, vector<1x1x16xf32>,
        %swap3A_539 = vector.shape_cast %swap3A_538 : vector<1x1x16xf32> to vector<16xf32>
        %swap3A_540 = vector.shape_cast %add3A_534 : vector<16xf32> to vector<1x1x16xf32>
        tpu.vector_store %arg12[%swap3A_535, %swap3A_536, %swap3A_537], %swap3A_540 {strides = array<i32>} : memref<128x1x128xf32, #tpu.memory_space<vmem>>, vector<1x1x16xf32>,
        %get3A_541 = arith.constant 0 : i32
        %get3A_542 = arith.index_cast %scan3A_527 : i32 to index
        %get3A_543 = arith.index_cast %get3A_541 : i32 to index
        %get3A_544 = arith.constant 16 : index
        %get3A_545 = tpu.vector_load %arg12[%get3A_542, %get3A_543, %get3A_544] {strides = array<i32>} : memref<128x1x128xf32, #tpu.memory_space<vmem>>, vector<1x1x16xf32>,
        %get3A_546 = vector.shape_cast %get3A_545 : vector<1x1x16xf32> to vector<16xf32>
        %add3A_547 = arith.addf %get3A_546, %get3A_297 : vector<16xf32>
        %swap3A_548 = arith.constant 0 : i32
        %swap3A_549 = arith.index_cast %scan3A_527 : i32 to index
        %swap3A_550 = arith.index_cast %swap3A_548 : i32 to index
        %swap3A_551 = arith.constant 16 : index
        %swap3A_552 = tpu.vector_load %arg12[%swap3A_549, %swap3A_550, %swap3A_551] {strides = array<i32>} : memref<128x1x128xf32, #tpu.memory_space<vmem>>, vector<1x1x16xf32>,
        %swap3A_553 = vector.shape_cast %swap3A_552 : vector<1x1x16xf32> to vector<16xf32>
        %swap3A_554 = vector.shape_cast %add3A_547 : vector<16xf32> to vector<1x1x16xf32>
        tpu.vector_store %arg12[%swap3A_549, %swap3A_550, %swap3A_551], %swap3A_554 {strides = array<i32>} : memref<128x1x128xf32, #tpu.memory_space<vmem>>, vector<1x1x16xf32>,
        %get3A_555 = arith.constant 0 : i32
        %get3A_556 = arith.index_cast %scan3A_527 : i32 to index
        %get3A_557 = arith.index_cast %get3A_555 : i32 to index
        %get3A_558 = arith.constant 32 : index
        %get3A_559 = tpu.vector_load %arg12[%get3A_556, %get3A_557, %get3A_558] {strides = array<i32>} : memref<128x1x128xf32, #tpu.memory_space<vmem>>, vector<1x1x16xf32>,
        %get3A_560 = vector.shape_cast %get3A_559 : vector<1x1x16xf32> to vector<16xf32>
        %add3A_561 = arith.addf %get3A_560, %get3A_304 : vector<16xf32>
        %swap3A_562 = arith.constant 0 : i32
        %swap3A_563 = arith.index_cast %scan3A_527 : i32 to index
        %swap3A_564 = arith.index_cast %swap3A_562 : i32 to index
        %swap3A_565 = arith.constant 32 : index
        %swap3A_566 = tpu.vector_load %arg12[%swap3A_563, %swap3A_564, %swap3A_565] {strides = array<i32>} : memref<128x1x128xf32, #tpu.memory_space<vmem>>, vector<1x1x16xf32>,
        %swap3A_567 = vector.shape_cast %swap3A_566 : vector<1x1x16xf32> to vector<16xf32>
        %swap3A_568 = vector.shape_cast %add3A_561 : vector<16xf32> to vector<1x1x16xf32>
        tpu.vector_store %arg12[%swap3A_563, %swap3A_564, %swap3A_565], %swap3A_568 {strides = array<i32>} : memref<128x1x128xf32, #tpu.memory_space<vmem>>, vector<1x1x16xf32>,
        %get3A_569 = arith.constant 0 : i32
        %get3A_570 = arith.index_cast %scan3A_527 : i32 to index
        %get3A_571 = arith.index_cast %get3A_569 : i32 to index
        %get3A_572 = arith.constant 48 : index
        %get3A_573 = tpu.vector_load %arg12[%get3A_570, %get3A_571, %get3A_572] {strides = array<i32>} : memref<128x1x128xf32, #tpu.memory_space<vmem>>, vector<1x1x16xf32>,
        %get3A_574 = vector.shape_cast %get3A_573 : vector<1x1x16xf32> to vector<16xf32>
        %add3A_575 = arith.addf %get3A_574, %get3A_311 : vector<16xf32>
        %swap3A_576 = arith.constant 0 : i32
        %swap3A_577 = arith.index_cast %scan3A_527 : i32 to index
        %swap3A_578 = arith.index_cast %swap3A_576 : i32 to index
        %swap3A_579 = arith.constant 48 : index
        %swap3A_580 = tpu.vector_load %arg12[%swap3A_577, %swap3A_578, %swap3A_579] {strides = array<i32>} : memref<128x1x128xf32, #tpu.memory_space<vmem>>, vector<1x1x16xf32>,
        %swap3A_581 = vector.shape_cast %swap3A_580 : vector<1x1x16xf32> to vector<16xf32>
        %swap3A_582 = vector.shape_cast %add3A_575 : vector<16xf32> to vector<1x1x16xf32>
        tpu.vector_store %arg12[%swap3A_577, %swap3A_578, %swap3A_579], %swap3A_582 {strides = array<i32>} : memref<128x1x128xf32, #tpu.memory_space<vmem>>, vector<1x1x16xf32>,
        %get3A_583 = arith.constant 0 : i32
        %get3A_584 = arith.index_cast %scan3A_527 : i32 to index
        %get3A_585 = arith.index_cast %get3A_583 : i32 to index
        %get3A_586 = arith.constant 64 : index
        %get3A_587 = tpu.vector_load %arg12[%get3A_584, %get3A_585, %get3A_586] {strides = array<i32>} : memref<128x1x128xf32, #tpu.memory_space<vmem>>, vector<1x1x16xf32>,
        %get3A_588 = vector.shape_cast %get3A_587 : vector<1x1x16xf32> to vector<16xf32>
        %add3A_589 = arith.addf %get3A_588, %get3A_318 : vector<16xf32>
        %swap3A_590 = arith.constant 0 : i32
        %swap3A_591 = arith.index_cast %scan3A_527 : i32 to index
        %swap3A_592 = arith.index_cast %swap3A_590 : i32 to index
        %swap3A_593 = arith.constant 64 : index
        %swap3A_594 = tpu.vector_load %arg12[%swap3A_591, %swap3A_592, %swap3A_593] {strides = array<i32>} : memref<128x1x128xf32, #tpu.memory_space<vmem>>, vector<1x1x16xf32>,
        %swap3A_595 = vector.shape_cast %swap3A_594 : vector<1x1x16xf32> to vector<16xf32>
        %swap3A_596 = vector.shape_cast %add3A_589 : vector<16xf32> to vector<1x1x16xf32>
        tpu.vector_store %arg12[%swap3A_591, %swap3A_592, %swap3A_593], %swap3A_596 {strides = array<i32>} : memref<128x1x128xf32, #tpu.memory_space<vmem>>, vector<1x1x16xf32>,
        %get3A_597 = arith.constant 0 : i32
        %get3A_598 = arith.index_cast %scan3A_527 : i32 to index
        %get3A_599 = arith.index_cast %get3A_597 : i32 to index
        %get3A_600 = arith.constant 80 : index
        %get3A_601 = tpu.vector_load %arg12[%get3A_598, %get3A_599, %get3A_600] {strides = array<i32>} : memref<128x1x128xf32, #tpu.memory_space<vmem>>, vector<1x1x16xf32>,
        %get3A_602 = vector.shape_cast %get3A_601 : vector<1x1x16xf32> to vector<16xf32>
        %add3A_603 = arith.addf %get3A_602, %get3A_325 : vector<16xf32>
        %swap3A_604 = arith.constant 0 : i32
        %swap3A_605 = arith.index_cast %scan3A_527 : i32 to index
        %swap3A_606 = arith.index_cast %swap3A_604 : i32 to index
        %swap3A_607 = arith.constant 80 : index
        %swap3A_608 = tpu.vector_load %arg12[%swap3A_605, %swap3A_606, %swap3A_607] {strides = array<i32>} : memref<128x1x128xf32, #tpu.memory_space<vmem>>, vector<1x1x16xf32>,
        %swap3A_609 = vector.shape_cast %swap3A_608 : vector<1x1x16xf32> to vector<16xf32>
        %swap3A_610 = vector.shape_cast %add3A_603 : vector<16xf32> to vector<1x1x16xf32>
        tpu.vector_store %arg12[%swap3A_605, %swap3A_606, %swap3A_607], %swap3A_610 {strides = array<i32>} : memref<128x1x128xf32, #tpu.memory_space<vmem>>, vector<1x1x16xf32>,
        %get3A_611 = arith.constant 0 : i32
        %get3A_612 = arith.index_cast %scan3A_527 : i32 to index
        %get3A_613 = arith.index_cast %get3A_611 : i32 to index
        %get3A_614 = arith.constant 96 : index
        %get3A_615 = tpu.vector_load %arg12[%get3A_612, %get3A_613, %get3A_614] {strides = array<i32>} : memref<128x1x128xf32, #tpu.memory_space<vmem>>, vector<1x1x16xf32>,
        %get3A_616 = vector.shape_cast %get3A_615 : vector<1x1x16xf32> to vector<16xf32>
        %add3A_617 = arith.addf %get3A_616, %get3A_332 : vector<16xf32>
        %swap3A_618 = arith.constant 0 : i32
        %swap3A_619 = arith.index_cast %scan3A_527 : i32 to index
        %swap3A_620 = arith.index_cast %swap3A_618 : i32 to index
        %swap3A_621 = arith.constant 96 : index
        %swap3A_622 = tpu.vector_load %arg12[%swap3A_619, %swap3A_620, %swap3A_621] {strides = array<i32>} : memref<128x1x128xf32, #tpu.memory_space<vmem>>, vector<1x1x16xf32>,
        %swap3A_623 = vector.shape_cast %swap3A_622 : vector<1x1x16xf32> to vector<16xf32>
        %swap3A_624 = vector.shape_cast %add3A_617 : vector<16xf32> to vector<1x1x16xf32>
        tpu.vector_store %arg12[%swap3A_619, %swap3A_620, %swap3A_621], %swap3A_624 {strides = array<i32>} : memref<128x1x128xf32, #tpu.memory_space<vmem>>, vector<1x1x16xf32>,
        %get3A_625 = arith.constant 0 : i32
        %get3A_626 = arith.index_cast %scan3A_527 : i32 to index
        %get3A_627 = arith.index_cast %get3A_625 : i32 to index
        %get3A_628 = arith.constant 112 : index
        %get3A_629 = tpu.vector_load %arg12[%get3A_626, %get3A_627, %get3A_628] {strides = array<i32>} : memref<128x1x128xf32, #tpu.memory_space<vmem>>, vector<1x1x16xf32>,
        %get3A_630 = vector.shape_cast %get3A_629 : vector<1x1x16xf32> to vector<16xf32>
        %add3A_631 = arith.addf %get3A_630, %get3A_339 : vector<16xf32>
        %swap3A_632 = arith.constant 0 : i32
        %swap3A_633 = arith.index_cast %scan3A_527 : i32 to index
        %swap3A_634 = arith.index_cast %swap3A_632 : i32 to index
        %swap3A_635 = arith.constant 112 : index
        %swap3A_636 = tpu.vector_load %arg12[%swap3A_633, %swap3A_634, %swap3A_635] {strides = array<i32>} : memref<128x1x128xf32, #tpu.memory_space<vmem>>, vector<1x1x16xf32>,
        %swap3A_637 = vector.shape_cast %swap3A_636 : vector<1x1x16xf32> to vector<16xf32>
        %swap3A_638 = vector.shape_cast %add3A_631 : vector<16xf32> to vector<1x1x16xf32>
        tpu.vector_store %arg12[%swap3A_633, %swap3A_634, %swap3A_635], %swap3A_638 {strides = array<i32>} : memref<128x1x128xf32, #tpu.memory_space<vmem>>, vector<1x1x16xf32>,
        %scan3A_639 = arith.constant 1 : i32
        %scan3A_640 = arith.addi %scan3A_527, %scan3A_639 : i32
        %get3A_641 = arith.constant 0 : i32
        %get3A_642 = arith.index_cast %scan3A_640 : i32 to index
        %get3A_643 = arith.index_cast %get3A_641 : i32 to index
        %get3A_644 = arith.constant 0 : index
        %get3A_645 = tpu.vector_load %arg12[%get3A_642, %get3A_643, %get3A_644] {strides = array<i32>} : memref<128x1x128xf32, #tpu.memory_space<vmem>>, vector<1x1x16xf32>,
        %get3A_646 = vector.shape_cast %get3A_645 : vector<1x1x16xf32> to vector<16xf32>
        %add3A_647 = arith.addf %get3A_646, %get3A_290 : vector<16xf32>
        %swap3A_648 = arith.constant 0 : i32
        %swap3A_649 = arith.index_cast %scan3A_640 : i32 to index
        %swap3A_650 = arith.index_cast %swap3A_648 : i32 to index
        %swap3A_651 = arith.constant 0 : index
        %swap3A_652 = tpu.vector_load %arg12[%swap3A_649, %swap3A_650, %swap3A_651] {strides = array<i32>} : memref<128x1x128xf32, #tpu.memory_space<vmem>>, vector<1x1x16xf32>,
        %swap3A_653 = vector.shape_cast %swap3A_652 : vector<1x1x16xf32> to vector<16xf32>
        %swap3A_654 = vector.shape_cast %add3A_647 : vector<16xf32> to vector<1x1x16xf32>
        tpu.vector_store %arg12[%swap3A_649, %swap3A_650, %swap3A_651], %swap3A_654 {strides = array<i32>} : memref<128x1x128xf32, #tpu.memory_space<vmem>>, vector<1x1x16xf32>,
        %get3A_655 = arith.constant 0 : i32
        %get3A_656 = arith.index_cast %scan3A_640 : i32 to index
        %get3A_657 = arith.index_cast %get3A_655 : i32 to index
        %get3A_658 = arith.constant 16 : index
        %get3A_659 = tpu.vector_load %arg12[%get3A_656, %get3A_657, %get3A_658] {strides = array<i32>} : memref<128x1x128xf32, #tpu.memory_space<vmem>>, vector<1x1x16xf32>,
        %get3A_660 = vector.shape_cast %get3A_659 : vector<1x1x16xf32> to vector<16xf32>
        %add3A_661 = arith.addf %get3A_660, %get3A_297 : vector<16xf32>
        %swap3A_662 = arith.constant 0 : i32
        %swap3A_663 = arith.index_cast %scan3A_640 : i32 to index
        %swap3A_664 = arith.index_cast %swap3A_662 : i32 to index
        %swap3A_665 = arith.constant 16 : index
        %swap3A_666 = tpu.vector_load %arg12[%swap3A_663, %swap3A_664, %swap3A_665] {strides = array<i32>} : memref<128x1x128xf32, #tpu.memory_space<vmem>>, vector<1x1x16xf32>,
        %swap3A_667 = vector.shape_cast %swap3A_666 : vector<1x1x16xf32> to vector<16xf32>
        %swap3A_668 = vector.shape_cast %add3A_661 : vector<16xf32> to vector<1x1x16xf32>
        tpu.vector_store %arg12[%swap3A_663, %swap3A_664, %swap3A_665], %swap3A_668 {strides = array<i32>} : memref<128x1x128xf32, #tpu.memory_space<vmem>>, vector<1x1x16xf32>,
        %get3A_669 = arith.constant 0 : i32
        %get3A_670 = arith.index_cast %scan3A_640 : i32 to index
        %get3A_671 = arith.index_cast %get3A_669 : i32 to index
        %get3A_672 = arith.constant 32 : index
        %get3A_673 = tpu.vector_load %arg12[%get3A_670, %get3A_671, %get3A_672] {strides = array<i32>} : memref<128x1x128xf32, #tpu.memory_space<vmem>>, vector<1x1x16xf32>,
        %get3A_674 = vector.shape_cast %get3A_673 : vector<1x1x16xf32> to vector<16xf32>
        %add3A_675 = arith.addf %get3A_674, %get3A_304 : vector<16xf32>
        %swap3A_676 = arith.constant 0 : i32
        %swap3A_677 = arith.index_cast %scan3A_640 : i32 to index
        %swap3A_678 = arith.index_cast %swap3A_676 : i32 to index
        %swap3A_679 = arith.constant 32 : index
        %swap3A_680 = tpu.vector_load %arg12[%swap3A_677, %swap3A_678, %swap3A_679] {strides = array<i32>} : memref<128x1x128xf32, #tpu.memory_space<vmem>>, vector<1x1x16xf32>,
        %swap3A_681 = vector.shape_cast %swap3A_680 : vector<1x1x16xf32> to vector<16xf32>
        %swap3A_682 = vector.shape_cast %add3A_675 : vector<16xf32> to vector<1x1x16xf32>
        tpu.vector_store %arg12[%swap3A_677, %swap3A_678, %swap3A_679], %swap3A_682 {strides = array<i32>} : memref<128x1x128xf32, #tpu.memory_space<vmem>>, vector<1x1x16xf32>,
        %get3A_683 = arith.constant 0 : i32
        %get3A_684 = arith.index_cast %scan3A_640 : i32 to index
        %get3A_685 = arith.index_cast %get3A_683 : i32 to index
        %get3A_686 = arith.constant 48 : index
        %get3A_687 = tpu.vector_load %arg12[%get3A_684, %get3A_685, %get3A_686] {strides = array<i32>} : memref<128x1x128xf32, #tpu.memory_space<vmem>>, vector<1x1x16xf32>,
        %get3A_688 = vector.shape_cast %get3A_687 : vector<1x1x16xf32> to vector<16xf32>
        %add3A_689 = arith.addf %get3A_688, %get3A_311 : vector<16xf32>
        %swap3A_690 = arith.constant 0 : i32
        %swap3A_691 = arith.index_cast %scan3A_640 : i32 to index
        %swap3A_692 = arith.index_cast %swap3A_690 : i32 to index
        %swap3A_693 = arith.constant 48 : index
        %swap3A_694 = tpu.vector_load %arg12[%swap3A_691, %swap3A_692, %swap3A_693] {strides = array<i32>} : memref<128x1x128xf32, #tpu.memory_space<vmem>>, vector<1x1x16xf32>,
        %swap3A_695 = vector.shape_cast %swap3A_694 : vector<1x1x16xf32> to vector<16xf32>
        %swap3A_696 = vector.shape_cast %add3A_689 : vector<16xf32> to vector<1x1x16xf32>
        tpu.vector_store %arg12[%swap3A_691, %swap3A_692, %swap3A_693], %swap3A_696 {strides = array<i32>} : memref<128x1x128xf32, #tpu.memory_space<vmem>>, vector<1x1x16xf32>,
        %get3A_697 = arith.constant 0 : i32
        %get3A_698 = arith.index_cast %scan3A_640 : i32 to index
        %get3A_699 = arith.index_cast %get3A_697 : i32 to index
        %get3A_700 = arith.constant 64 : index
        %get3A_701 = tpu.vector_load %arg12[%get3A_698, %get3A_699, %get3A_700] {strides = array<i32>} : memref<128x1x128xf32, #tpu.memory_space<vmem>>, vector<1x1x16xf32>,
        %get3A_702 = vector.shape_cast %get3A_701 : vector<1x1x16xf32> to vector<16xf32>
        %add3A_703 = arith.addf %get3A_702, %get3A_318 : vector<16xf32>
        %swap3A_704 = arith.constant 0 : i32
        %swap3A_705 = arith.index_cast %scan3A_640 : i32 to index
        %swap3A_706 = arith.index_cast %swap3A_704 : i32 to index
        %swap3A_707 = arith.constant 64 : index
        %swap3A_708 = tpu.vector_load %arg12[%swap3A_705, %swap3A_706, %swap3A_707] {strides = array<i32>} : memref<128x1x128xf32, #tpu.memory_space<vmem>>, vector<1x1x16xf32>,
        %swap3A_709 = vector.shape_cast %swap3A_708 : vector<1x1x16xf32> to vector<16xf32>
        %swap3A_710 = vector.shape_cast %add3A_703 : vector<16xf32> to vector<1x1x16xf32>
        tpu.vector_store %arg12[%swap3A_705, %swap3A_706, %swap3A_707], %swap3A_710 {strides = array<i32>} : memref<128x1x128xf32, #tpu.memory_space<vmem>>, vector<1x1x16xf32>,
        %get3A_711 = arith.constant 0 : i32
        %get3A_712 = arith.index_cast %scan3A_640 : i32 to index
        %get3A_713 = arith.index_cast %get3A_711 : i32 to index
        %get3A_714 = arith.constant 80 : index
        %get3A_715 = tpu.vector_load %arg12[%get3A_712, %get3A_713, %get3A_714] {strides = array<i32>} : memref<128x1x128xf32, #tpu.memory_space<vmem>>, vector<1x1x16xf32>,
        %get3A_716 = vector.shape_cast %get3A_715 : vector<1x1x16xf32> to vector<16xf32>
        %add3A_717 = arith.addf %get3A_716, %get3A_325 : vector<16xf32>
        %swap3A_718 = arith.constant 0 : i32
        %swap3A_719 = arith.index_cast %scan3A_640 : i32 to index
        %swap3A_720 = arith.index_cast %swap3A_718 : i32 to index
        %swap3A_721 = arith.constant 80 : index
        %swap3A_722 = tpu.vector_load %arg12[%swap3A_719, %swap3A_720, %swap3A_721] {strides = array<i32>} : memref<128x1x128xf32, #tpu.memory_space<vmem>>, vector<1x1x16xf32>,
        %swap3A_723 = vector.shape_cast %swap3A_722 : vector<1x1x16xf32> to vector<16xf32>
        %swap3A_724 = vector.shape_cast %add3A_717 : vector<16xf32> to vector<1x1x16xf32>
        tpu.vector_store %arg12[%swap3A_719, %swap3A_720, %swap3A_721], %swap3A_724 {strides = array<i32>} : memref<128x1x128xf32, #tpu.memory_space<vmem>>, vector<1x1x16xf32>,
        %get3A_725 = arith.constant 0 : i32
        %get3A_726 = arith.index_cast %scan3A_640 : i32 to index
        %get3A_727 = arith.index_cast %get3A_725 : i32 to index
        %get3A_728 = arith.constant 96 : index
        %get3A_729 = tpu.vector_load %arg12[%get3A_726, %get3A_727, %get3A_728] {strides = array<i32>} : memref<128x1x128xf32, #tpu.memory_space<vmem>>, vector<1x1x16xf32>,
        %get3A_730 = vector.shape_cast %get3A_729 : vector<1x1x16xf32> to vector<16xf32>
        %add3A_731 = arith.addf %get3A_730, %get3A_332 : vector<16xf32>
        %swap3A_732 = arith.constant 0 : i32
        %swap3A_733 = arith.index_cast %scan3A_640 : i32 to index
        %swap3A_734 = arith.index_cast %swap3A_732 : i32 to index
        %swap3A_735 = arith.constant 96 : index
        %swap3A_736 = tpu.vector_load %arg12[%swap3A_733, %swap3A_734, %swap3A_735] {strides = array<i32>} : memref<128x1x128xf32, #tpu.memory_space<vmem>>, vector<1x1x16xf32>,
        %swap3A_737 = vector.shape_cast %swap3A_736 : vector<1x1x16xf32> to vector<16xf32>
        %swap3A_738 = vector.shape_cast %add3A_731 : vector<16xf32> to vector<1x1x16xf32>
        tpu.vector_store %arg12[%swap3A_733, %swap3A_734, %swap3A_735], %swap3A_738 {strides = array<i32>} : memref<128x1x128xf32, #tpu.memory_space<vmem>>, vector<1x1x16xf32>,
        %get3A_739 = arith.constant 0 : i32
        %get3A_740 = arith.index_cast %scan3A_640 : i32 to index
        %get3A_741 = arith.index_cast %get3A_739 : i32 to index
        %get3A_742 = arith.constant 112 : index
        %get3A_743 = tpu.vector_load %arg12[%get3A_740, %get3A_741, %get3A_742] {strides = array<i32>} : memref<128x1x128xf32, #tpu.memory_space<vmem>>, vector<1x1x16xf32>,
        %get3A_744 = vector.shape_cast %get3A_743 : vector<1x1x16xf32> to vector<16xf32>
        %add3A_745 = arith.addf %get3A_744, %get3A_339 : vector<16xf32>
        %swap3A_746 = arith.constant 0 : i32
        %swap3A_747 = arith.index_cast %scan3A_640 : i32 to index
        %swap3A_748 = arith.index_cast %swap3A_746 : i32 to index
        %swap3A_749 = arith.constant 112 : index
        %swap3A_750 = tpu.vector_load %arg12[%swap3A_747, %swap3A_748, %swap3A_749] {strides = array<i32>} : memref<128x1x128xf32, #tpu.memory_space<vmem>>, vector<1x1x16xf32>,
        %swap3A_751 = vector.shape_cast %swap3A_750 : vector<1x1x16xf32> to vector<16xf32>
        %swap3A_752 = vector.shape_cast %add3A_745 : vector<16xf32> to vector<1x1x16xf32>
        tpu.vector_store %arg12[%swap3A_747, %swap3A_748, %swap3A_749], %swap3A_752 {strides = array<i32>} : memref<128x1x128xf32, #tpu.memory_space<vmem>>, vector<1x1x16xf32>,
      }
      %scan3A_344 = arith.constant 128 : i32
      %dma_start3A_345 = arith.constant 0 : i32
      %dma_start3A_346 = tpu.memref_slice %arg5[%mul3A_2, %add3A_261, %dma_start3A_345] : memref<4096x65x128xf32, #tpu.memory_space<hbm>> -> memref<128x1x128xf32, #tpu.memory_space<hbm>>
      %dma_start3A_347 = arith.constant 0 : i32
      %dma_start3A_348 = tpu.memref_slice %arg5[%mul3A_2, %add3A_261, %dma_start3A_347] : memref<4096x65x128xf32, #tpu.memory_space<hbm>> -> memref<128x1x128xf32, #tpu.memory_space<hbm>>
      tpu.enqueue_dma source(%arg12 : memref<128x1x128xf32, #tpu.memory_space<vmem>>) target(%dma_start3A_348 : memref<128x1x128xf32, #tpu.memory_space<hbm>>) target_semaphore(%arg24 : memref<!tpu.dma_semaphore, #tpu.memory_space<semaphore_mem>>)
      %add3A_349 = arith.constant 2 : i32
      %add3A_350 = arith.addi %mul3A_170, %add3A_349 : i32
      %add3A_351 = arith.constant 2 : i32
      %add3A_352 = arith.addi %add3A_350, %add3A_351 : i32
      %lt3A_353 = arith.constant 65 : i32
      %lt3A_354 = arith.cmpi slt, %add3A_352, %lt3A_353 : i32
      %convert_element_type3A_355 = arith.extui %lt3A_354 : i1 to i32
      %cond3A_356 = arith.constant 0 : i32
      %cond3A_357 = arith.cmpi ne, %convert_element_type3A_355, %cond3A_356 : i32
      scf.if %cond3A_357 {
        %add3A_527 = arith.constant 2 : i32
        %add3A_528 = arith.addi %add3A_350, %add3A_527 : i32
        %mul3A_529 = arith.constant 4096 : i32
        %mul3A_530 = arith.muli %add3A_528, %mul3A_529 : i32
        %add3A_531 = arith.addi %mul3A_530, %mul3A_2 : i32
        %dma_wait3A_532 = tpu.memref_slice %arg2[%add3A_531] : memref<266240xi32, #tpu.memory_space<hbm>> -> memref<128xi32, #tpu.memory_space<hbm>>
        %dma_wait3A_533 = tpu.memref_slice %arg2[%add3A_531] : memref<266240xi32, #tpu.memory_space<hbm>> -> memref<128xi32, #tpu.memory_space<hbm>>
        tpu.wait_dma2 semaphore(%arg15 : memref<!tpu.dma_semaphore, #tpu.memory_space<semaphore_mem>>) src(%dma_wait3A_533 : memref<128xi32, #tpu.memory_space<hbm>>) dst(%arg7 : memref<128xi32, #tpu.memory_space<vmem>>)
        %ge3A = arith.constant 2 : i32
        %ge3A_534 = arith.cmpi sge, %add3A_350, %ge3A : i32
        %convert_element_type3A_535 = arith.extui %ge3A_534 : i1 to i32
        %cond3A_536 = arith.constant 0 : i32
        %cond3A_537 = arith.cmpi ne, %convert_element_type3A_535, %cond3A_536 : i32
        scf.if %cond3A_537 {
          %sub3A = arith.constant 2 : i32
          %sub3A_548 = arith.subi %add3A_350, %sub3A : i32
          %dma_wait3A_549 = arith.constant 0 : i32
          %dma_wait3A_550 = tpu.memref_slice %arg5[%mul3A_2, %sub3A_548, %dma_wait3A_549] : memref<4096x65x128xf32, #tpu.memory_space<hbm>> -> memref<128x1x128xf32, #tpu.memory_space<hbm>>
          %dma_wait3A_551 = arith.constant 0 : i32
          %dma_wait3A_552 = tpu.memref_slice %arg5[%mul3A_2, %sub3A_548, %dma_wait3A_551] : memref<4096x65x128xf32, #tpu.memory_space<hbm>> -> memref<128x1x128xf32, #tpu.memory_space<hbm>>
          tpu.wait_dma2 semaphore(%arg23 : memref<!tpu.dma_semaphore, #tpu.memory_space<semaphore_mem>>) src(%arg11 : memref<128x1x128xf32, #tpu.memory_space<vmem>>) dst(%dma_wait3A_552 : memref<128x1x128xf32, #tpu.memory_space<hbm>>)
        } else {
        }
        %add3A_538 = arith.constant 2 : i32
        %add3A_539 = arith.addi %add3A_350, %add3A_538 : i32
        %dma_start3A_540 = arith.constant 0 : i32
        %dma_start3A_541 = arith.constant 0 : i32
        %dma_start3A_542 = arith.constant 0 : i32
        %dma_start3A_543 = tpu.memref_slice %arg11[%dma_start3A_541, %dma_start3A_540, %dma_start3A_542] : memref<128x1x128xf32, #tpu.memory_space<vmem>> -> memref<128x1x128xf32, #tpu.memory_space<vmem>>
        %dma_start3A_544 = tpu.memref_squeeze %dma_start3A_543 : memref<128x1x128xf32, #tpu.memory_space<vmem>> -> memref<128x128xf32, #tpu.memory_space<vmem>>
        %dma_start3A_545 = arith.constant 0 : i32
        %dma_start3A_546 = arith.constant 0 : i32
        %dma_start3A_547 = tpu.memref_slice %arg3[%dma_start3A_545, %dma_start3A_546] : memref<1001x128xf32, #tpu.memory_space<hbm>> -> memref<1001x128xf32, #tpu.memory_space<hbm>>
        tpu.enqueue_indirect_dma source(%dma_start3A_547 : memref<1001x128xf32, #tpu.memory_space<hbm>>) target(%dma_start3A_544 : memref<128x128xf32, #tpu.memory_space<vmem>>) offsets(%arg7 : memref<128xi32, #tpu.memory_space<vmem>>) semaphore(%arg19 : memref<!tpu.dma_semaphore, #tpu.memory_space<semaphore_mem>>)
      } else {
      }
      %add3A_358 = arith.constant 3 : i32
      %add3A_359 = arith.addi %add3A_350, %add3A_358 : i32
      %lt3A_360 = arith.constant 65 : i32
      %lt3A_361 = arith.cmpi slt, %add3A_359, %lt3A_360 : i32
      %convert_element_type3A_362 = arith.extui %lt3A_361 : i1 to i32
      %cond3A_363 = arith.constant 0 : i32
      %cond3A_364 = arith.cmpi ne, %convert_element_type3A_362, %cond3A_363 : i32
      scf.if %cond3A_364 {
        %add3A_527 = arith.constant 3 : i32
        %add3A_528 = arith.addi %add3A_350, %add3A_527 : i32
        %mul3A_529 = arith.constant 4096 : i32
        %mul3A_530 = arith.muli %add3A_528, %mul3A_529 : i32
        %add3A_531 = arith.addi %mul3A_530, %mul3A_2 : i32
        %dma_start3A_532 = tpu.memref_slice %arg2[%add3A_531] : memref<266240xi32, #tpu.memory_space<hbm>> -> memref<128xi32, #tpu.memory_space<hbm>>
        %dma_start3A_533 = tpu.memref_slice %arg2[%add3A_531] : memref<266240xi32, #tpu.memory_space<hbm>> -> memref<128xi32, #tpu.memory_space<hbm>>
        tpu.enqueue_dma source(%dma_start3A_533 : memref<128xi32, #tpu.memory_space<hbm>>) target(%arg8 : memref<128xi32, #tpu.memory_space<vmem>>) target_semaphore(%arg16 : memref<!tpu.dma_semaphore, #tpu.memory_space<semaphore_mem>>)
      } else {
      }
      %dma_wait3A_365 = arith.constant 0 : i32
      %dma_wait3A_366 = arith.constant 0 : i32
      %dma_wait3A_367 = arith.constant 0 : i32
      %dma_wait3A_368 = tpu.memref_slice %arg13[%dma_wait3A_366, %dma_wait3A_365, %dma_wait3A_367] : memref<128x1x128xf32, #tpu.memory_space<vmem>> -> memref<128x1x128xf32, #tpu.memory_space<vmem>>
      %dma_wait3A_369 = tpu.memref_squeeze %dma_wait3A_368 : memref<128x1x128xf32, #tpu.memory_space<vmem>> -> memref<128x128xf32, #tpu.memory_space<vmem>>
      %dma_wait3A_370 = arith.constant 0 : i32
      %dma_wait3A_371 = arith.constant 0 : i32
      %dma_wait3A_372 = tpu.memref_slice %arg3[%dma_wait3A_370, %dma_wait3A_371] : memref<1001x128xf32, #tpu.memory_space<hbm>> -> memref<1001x128xf32, #tpu.memory_space<hbm>>
      tpu.wait_indirect_dma semaphore(%arg21 : memref<!tpu.dma_semaphore, #tpu.memory_space<semaphore_mem>>) src(%dma_wait3A_372 : memref<1001x128xf32, #tpu.memory_space<hbm>>) dst(%dma_wait3A_369 : memref<128x128xf32, #tpu.memory_space<vmem>>)
      %mul3A_373 = arith.constant 128 : i32
      %mul3A_374 = arith.muli %add3A_350, %mul3A_373 : i32
      %add3A_375 = arith.constant 0 : i32
      %add3A_376 = arith.addi %mul3A_374, %add3A_375 : i32
      %get3A_377 = arith.index_cast %add3A_376 : i32 to index
      %get3A_378 = tpu.vector_load %arg6[%get3A_377] {strides = array<i32>} : memref<8320xf32, #tpu.memory_space<vmem>>, vector<16xf32>,
      %get3A_379 = vector.shape_cast %get3A_378 : vector<16xf32> to vector<16xf32>
      %mul3A_380 = arith.constant 128 : i32
      %mul3A_381 = arith.muli %add3A_350, %mul3A_380 : i32
      %add3A_382 = arith.constant 16 : i32
      %add3A_383 = arith.addi %mul3A_381, %add3A_382 : i32
      %get3A_384 = arith.index_cast %add3A_383 : i32 to index
      %get3A_385 = tpu.vector_load %arg6[%get3A_384] {strides = array<i32>} : memref<8320xf32, #tpu.memory_space<vmem>>, vector<16xf32>,
      %get3A_386 = vector.shape_cast %get3A_385 : vector<16xf32> to vector<16xf32>
      %mul3A_387 = arith.constant 128 : i32
      %mul3A_388 = arith.muli %add3A_350, %mul3A_387 : i32
      %add3A_389 = arith.constant 32 : i32
      %add3A_390 = arith.addi %mul3A_388, %add3A_389 : i32
      %get3A_391 = arith.index_cast %add3A_390 : i32 to index
      %get3A_392 = tpu.vector_load %arg6[%get3A_391] {strides = array<i32>} : memref<8320xf32, #tpu.memory_space<vmem>>, vector<16xf32>,
      %get3A_393 = vector.shape_cast %get3A_392 : vector<16xf32> to vector<16xf32>
      %mul3A_394 = arith.constant 128 : i32
      %mul3A_395 = arith.muli %add3A_350, %mul3A_394 : i32
      %add3A_396 = arith.constant 48 : i32
      %add3A_397 = arith.addi %mul3A_395, %add3A_396 : i32
      %get3A_398 = arith.index_cast %add3A_397 : i32 to index
      %get3A_399 = tpu.vector_load %arg6[%get3A_398] {strides = array<i32>} : memref<8320xf32, #tpu.memory_space<vmem>>, vector<16xf32>,
      %get3A_400 = vector.shape_cast %get3A_399 : vector<16xf32> to vector<16xf32>
      %mul3A_401 = arith.constant 128 : i32
      %mul3A_402 = arith.muli %add3A_350, %mul3A_401 : i32
      %add3A_403 = arith.constant 64 : i32
      %add3A_404 = arith.addi %mul3A_402, %add3A_403 : i32
      %get3A_405 = arith.index_cast %add3A_404 : i32 to index
      %get3A_406 = tpu.vector_load %arg6[%get3A_405] {strides = array<i32>} : memref<8320xf32, #tpu.memory_space<vmem>>, vector<16xf32>,
      %get3A_407 = vector.shape_cast %get3A_406 : vector<16xf32> to vector<16xf32>
      %mul3A_408 = arith.constant 128 : i32
      %mul3A_409 = arith.muli %add3A_350, %mul3A_408 : i32
      %add3A_410 = arith.constant 80 : i32
      %add3A_411 = arith.addi %mul3A_409, %add3A_410 : i32
      %get3A_412 = arith.index_cast %add3A_411 : i32 to index
      %get3A_413 = tpu.vector_load %arg6[%get3A_412] {strides = array<i32>} : memref<8320xf32, #tpu.memory_space<vmem>>, vector<16xf32>,
      %get3A_414 = vector.shape_cast %get3A_413 : vector<16xf32> to vector<16xf32>
      %mul3A_415 = arith.constant 128 : i32
      %mul3A_416 = arith.muli %add3A_350, %mul3A_415 : i32
      %add3A_417 = arith.constant 96 : i32
      %add3A_418 = arith.addi %mul3A_416, %add3A_417 : i32
      %get3A_419 = arith.index_cast %add3A_418 : i32 to index
      %get3A_420 = tpu.vector_load %arg6[%get3A_419] {strides = array<i32>} : memref<8320xf32, #tpu.memory_space<vmem>>, vector<16xf32>,
      %get3A_421 = vector.shape_cast %get3A_420 : vector<16xf32> to vector<16xf32>
      %mul3A_422 = arith.constant 128 : i32
      %mul3A_423 = arith.muli %add3A_350, %mul3A_422 : i32
      %add3A_424 = arith.constant 112 : i32
      %add3A_425 = arith.addi %mul3A_423, %add3A_424 : i32
      %get3A_426 = arith.index_cast %add3A_425 : i32 to index
      %get3A_427 = tpu.vector_load %arg6[%get3A_426] {strides = array<i32>} : memref<8320xf32, #tpu.memory_space<vmem>>, vector<16xf32>,
      %get3A_428 = vector.shape_cast %get3A_427 : vector<16xf32> to vector<16xf32>
      %scan3A_429 = arith.constant 0 : i32
      %scan3A_430 = arith.constant 128 : i32
      %scan3A_431 = arith.addi %scan3A_429, %scan3A_430 : i32
      %scan3A_432 = arith.constant 2 : i32
      scf.for %scan3A_527 = %scan3A_429 to %scan3A_431 step %scan3A_432  : i32 {
        %get3A_528 = arith.constant 0 : i32
        %get3A_529 = arith.index_cast %scan3A_527 : i32 to index
        %get3A_530 = arith.index_cast %get3A_528 : i32 to index
        %get3A_531 = arith.constant 0 : index
        %get3A_532 = tpu.vector_load %arg13[%get3A_529, %get3A_530, %get3A_531] {strides = array<i32>} : memref<128x1x128xf32, #tpu.memory_space<vmem>>, vector<1x1x16xf32>,
        %get3A_533 = vector.shape_cast %get3A_532 : vector<1x1x16xf32> to vector<16xf32>
        %add3A_534 = arith.addf %get3A_533, %get3A_379 : vector<16xf32>
        %swap3A = arith.constant 0 : i32
        %swap3A_535 = arith.index_cast %scan3A_527 : i32 to index
        %swap3A_536 = arith.index_cast %swap3A : i32 to index
        %swap3A_537 = arith.constant 0 : index
        %swap3A_538 = tpu.vector_load %arg13[%swap3A_535, %swap3A_536, %swap3A_537] {strides = array<i32>} : memref<128x1x128xf32, #tpu.memory_space<vmem>>, vector<1x1x16xf32>,
        %swap3A_539 = vector.shape_cast %swap3A_538 : vector<1x1x16xf32> to vector<16xf32>
        %swap3A_540 = vector.shape_cast %add3A_534 : vector<16xf32> to vector<1x1x16xf32>
        tpu.vector_store %arg13[%swap3A_535, %swap3A_536, %swap3A_537], %swap3A_540 {strides = array<i32>} : memref<128x1x128xf32, #tpu.memory_space<vmem>>, vector<1x1x16xf32>,
        %get3A_541 = arith.constant 0 : i32
        %get3A_542 = arith.index_cast %scan3A_527 : i32 to index
        %get3A_543 = arith.index_cast %get3A_541 : i32 to index
        %get3A_544 = arith.constant 16 : index
        %get3A_545 = tpu.vector_load %arg13[%get3A_542, %get3A_543, %get3A_544] {strides = array<i32>} : memref<128x1x128xf32, #tpu.memory_space<vmem>>, vector<1x1x16xf32>,
        %get3A_546 = vector.shape_cast %get3A_545 : vector<1x1x16xf32> to vector<16xf32>
        %add3A_547 = arith.addf %get3A_546, %get3A_386 : vector<16xf32>
        %swap3A_548 = arith.constant 0 : i32
        %swap3A_549 = arith.index_cast %scan3A_527 : i32 to index
        %swap3A_550 = arith.index_cast %swap3A_548 : i32 to index
        %swap3A_551 = arith.constant 16 : index
        %swap3A_552 = tpu.vector_load %arg13[%swap3A_549, %swap3A_550, %swap3A_551] {strides = array<i32>} : memref<128x1x128xf32, #tpu.memory_space<vmem>>, vector<1x1x16xf32>,
        %swap3A_553 = vector.shape_cast %swap3A_552 : vector<1x1x16xf32> to vector<16xf32>
        %swap3A_554 = vector.shape_cast %add3A_547 : vector<16xf32> to vector<1x1x16xf32>
        tpu.vector_store %arg13[%swap3A_549, %swap3A_550, %swap3A_551], %swap3A_554 {strides = array<i32>} : memref<128x1x128xf32, #tpu.memory_space<vmem>>, vector<1x1x16xf32>,
        %get3A_555 = arith.constant 0 : i32
        %get3A_556 = arith.index_cast %scan3A_527 : i32 to index
        %get3A_557 = arith.index_cast %get3A_555 : i32 to index
        %get3A_558 = arith.constant 32 : index
        %get3A_559 = tpu.vector_load %arg13[%get3A_556, %get3A_557, %get3A_558] {strides = array<i32>} : memref<128x1x128xf32, #tpu.memory_space<vmem>>, vector<1x1x16xf32>,
        %get3A_560 = vector.shape_cast %get3A_559 : vector<1x1x16xf32> to vector<16xf32>
        %add3A_561 = arith.addf %get3A_560, %get3A_393 : vector<16xf32>
        %swap3A_562 = arith.constant 0 : i32
        %swap3A_563 = arith.index_cast %scan3A_527 : i32 to index
        %swap3A_564 = arith.index_cast %swap3A_562 : i32 to index
        %swap3A_565 = arith.constant 32 : index
        %swap3A_566 = tpu.vector_load %arg13[%swap3A_563, %swap3A_564, %swap3A_565] {strides = array<i32>} : memref<128x1x128xf32, #tpu.memory_space<vmem>>, vector<1x1x16xf32>,
        %swap3A_567 = vector.shape_cast %swap3A_566 : vector<1x1x16xf32> to vector<16xf32>
        %swap3A_568 = vector.shape_cast %add3A_561 : vector<16xf32> to vector<1x1x16xf32>
        tpu.vector_store %arg13[%swap3A_563, %swap3A_564, %swap3A_565], %swap3A_568 {strides = array<i32>} : memref<128x1x128xf32, #tpu.memory_space<vmem>>, vector<1x1x16xf32>,
        %get3A_569 = arith.constant 0 : i32
        %get3A_570 = arith.index_cast %scan3A_527 : i32 to index
        %get3A_571 = arith.index_cast %get3A_569 : i32 to index
        %get3A_572 = arith.constant 48 : index
        %get3A_573 = tpu.vector_load %arg13[%get3A_570, %get3A_571, %get3A_572] {strides = array<i32>} : memref<128x1x128xf32, #tpu.memory_space<vmem>>, vector<1x1x16xf32>,
        %get3A_574 = vector.shape_cast %get3A_573 : vector<1x1x16xf32> to vector<16xf32>
        %add3A_575 = arith.addf %get3A_574, %get3A_400 : vector<16xf32>
        %swap3A_576 = arith.constant 0 : i32
        %swap3A_577 = arith.index_cast %scan3A_527 : i32 to index
        %swap3A_578 = arith.index_cast %swap3A_576 : i32 to index
        %swap3A_579 = arith.constant 48 : index
        %swap3A_580 = tpu.vector_load %arg13[%swap3A_577, %swap3A_578, %swap3A_579] {strides = array<i32>} : memref<128x1x128xf32, #tpu.memory_space<vmem>>, vector<1x1x16xf32>,
        %swap3A_581 = vector.shape_cast %swap3A_580 : vector<1x1x16xf32> to vector<16xf32>
        %swap3A_582 = vector.shape_cast %add3A_575 : vector<16xf32> to vector<1x1x16xf32>
        tpu.vector_store %arg13[%swap3A_577, %swap3A_578, %swap3A_579], %swap3A_582 {strides = array<i32>} : memref<128x1x128xf32, #tpu.memory_space<vmem>>, vector<1x1x16xf32>,
        %get3A_583 = arith.constant 0 : i32
        %get3A_584 = arith.index_cast %scan3A_527 : i32 to index
        %get3A_585 = arith.index_cast %get3A_583 : i32 to index
        %get3A_586 = arith.constant 64 : index
        %get3A_587 = tpu.vector_load %arg13[%get3A_584, %get3A_585, %get3A_586] {strides = array<i32>} : memref<128x1x128xf32, #tpu.memory_space<vmem>>, vector<1x1x16xf32>,
        %get3A_588 = vector.shape_cast %get3A_587 : vector<1x1x16xf32> to vector<16xf32>
        %add3A_589 = arith.addf %get3A_588, %get3A_407 : vector<16xf32>
        %swap3A_590 = arith.constant 0 : i32
        %swap3A_591 = arith.index_cast %scan3A_527 : i32 to index
        %swap3A_592 = arith.index_cast %swap3A_590 : i32 to index
        %swap3A_593 = arith.constant 64 : index
        %swap3A_594 = tpu.vector_load %arg13[%swap3A_591, %swap3A_592, %swap3A_593] {strides = array<i32>} : memref<128x1x128xf32, #tpu.memory_space<vmem>>, vector<1x1x16xf32>,
        %swap3A_595 = vector.shape_cast %swap3A_594 : vector<1x1x16xf32> to vector<16xf32>
        %swap3A_596 = vector.shape_cast %add3A_589 : vector<16xf32> to vector<1x1x16xf32>
        tpu.vector_store %arg13[%swap3A_591, %swap3A_592, %swap3A_593], %swap3A_596 {strides = array<i32>} : memref<128x1x128xf32, #tpu.memory_space<vmem>>, vector<1x1x16xf32>,
        %get3A_597 = arith.constant 0 : i32
        %get3A_598 = arith.index_cast %scan3A_527 : i32 to index
        %get3A_599 = arith.index_cast %get3A_597 : i32 to index
        %get3A_600 = arith.constant 80 : index
        %get3A_601 = tpu.vector_load %arg13[%get3A_598, %get3A_599, %get3A_600] {strides = array<i32>} : memref<128x1x128xf32, #tpu.memory_space<vmem>>, vector<1x1x16xf32>,
        %get3A_602 = vector.shape_cast %get3A_601 : vector<1x1x16xf32> to vector<16xf32>
        %add3A_603 = arith.addf %get3A_602, %get3A_414 : vector<16xf32>
        %swap3A_604 = arith.constant 0 : i32
        %swap3A_605 = arith.index_cast %scan3A_527 : i32 to index
        %swap3A_606 = arith.index_cast %swap3A_604 : i32 to index
        %swap3A_607 = arith.constant 80 : index
        %swap3A_608 = tpu.vector_load %arg13[%swap3A_605, %swap3A_606, %swap3A_607] {strides = array<i32>} : memref<128x1x128xf32, #tpu.memory_space<vmem>>, vector<1x1x16xf32>,
        %swap3A_609 = vector.shape_cast %swap3A_608 : vector<1x1x16xf32> to vector<16xf32>
        %swap3A_610 = vector.shape_cast %add3A_603 : vector<16xf32> to vector<1x1x16xf32>
        tpu.vector_store %arg13[%swap3A_605, %swap3A_606, %swap3A_607], %swap3A_610 {strides = array<i32>} : memref<128x1x128xf32, #tpu.memory_space<vmem>>, vector<1x1x16xf32>,
        %get3A_611 = arith.constant 0 : i32
        %get3A_612 = arith.index_cast %scan3A_527 : i32 to index
        %get3A_613 = arith.index_cast %get3A_611 : i32 to index
        %get3A_614 = arith.constant 96 : index
        %get3A_615 = tpu.vector_load %arg13[%get3A_612, %get3A_613, %get3A_614] {strides = array<i32>} : memref<128x1x128xf32, #tpu.memory_space<vmem>>, vector<1x1x16xf32>,
        %get3A_616 = vector.shape_cast %get3A_615 : vector<1x1x16xf32> to vector<16xf32>
        %add3A_617 = arith.addf %get3A_616, %get3A_421 : vector<16xf32>
        %swap3A_618 = arith.constant 0 : i32
        %swap3A_619 = arith.index_cast %scan3A_527 : i32 to index
        %swap3A_620 = arith.index_cast %swap3A_618 : i32 to index
        %swap3A_621 = arith.constant 96 : index
        %swap3A_622 = tpu.vector_load %arg13[%swap3A_619, %swap3A_620, %swap3A_621] {strides = array<i32>} : memref<128x1x128xf32, #tpu.memory_space<vmem>>, vector<1x1x16xf32>,
        %swap3A_623 = vector.shape_cast %swap3A_622 : vector<1x1x16xf32> to vector<16xf32>
        %swap3A_624 = vector.shape_cast %add3A_617 : vector<16xf32> to vector<1x1x16xf32>
        tpu.vector_store %arg13[%swap3A_619, %swap3A_620, %swap3A_621], %swap3A_624 {strides = array<i32>} : memref<128x1x128xf32, #tpu.memory_space<vmem>>, vector<1x1x16xf32>,
        %get3A_625 = arith.constant 0 : i32
        %get3A_626 = arith.index_cast %scan3A_527 : i32 to index
        %get3A_627 = arith.index_cast %get3A_625 : i32 to index
        %get3A_628 = arith.constant 112 : index
        %get3A_629 = tpu.vector_load %arg13[%get3A_626, %get3A_627, %get3A_628] {strides = array<i32>} : memref<128x1x128xf32, #tpu.memory_space<vmem>>, vector<1x1x16xf32>,
        %get3A_630 = vector.shape_cast %get3A_629 : vector<1x1x16xf32> to vector<16xf32>
        %add3A_631 = arith.addf %get3A_630, %get3A_428 : vector<16xf32>
        %swap3A_632 = arith.constant 0 : i32
        %swap3A_633 = arith.index_cast %scan3A_527 : i32 to index
        %swap3A_634 = arith.index_cast %swap3A_632 : i32 to index
        %swap3A_635 = arith.constant 112 : index
        %swap3A_636 = tpu.vector_load %arg13[%swap3A_633, %swap3A_634, %swap3A_635] {strides = array<i32>} : memref<128x1x128xf32, #tpu.memory_space<vmem>>, vector<1x1x16xf32>,
        %swap3A_637 = vector.shape_cast %swap3A_636 : vector<1x1x16xf32> to vector<16xf32>
        %swap3A_638 = vector.shape_cast %add3A_631 : vector<16xf32> to vector<1x1x16xf32>
        tpu.vector_store %arg13[%swap3A_633, %swap3A_634, %swap3A_635], %swap3A_638 {strides = array<i32>} : memref<128x1x128xf32, #tpu.memory_space<vmem>>, vector<1x1x16xf32>,
        %scan3A_639 = arith.constant 1 : i32
        %scan3A_640 = arith.addi %scan3A_527, %scan3A_639 : i32
        %get3A_641 = arith.constant 0 : i32
        %get3A_642 = arith.index_cast %scan3A_640 : i32 to index
        %get3A_643 = arith.index_cast %get3A_641 : i32 to index
        %get3A_644 = arith.constant 0 : index
        %get3A_645 = tpu.vector_load %arg13[%get3A_642, %get3A_643, %get3A_644] {strides = array<i32>} : memref<128x1x128xf32, #tpu.memory_space<vmem>>, vector<1x1x16xf32>,
        %get3A_646 = vector.shape_cast %get3A_645 : vector<1x1x16xf32> to vector<16xf32>
        %add3A_647 = arith.addf %get3A_646, %get3A_379 : vector<16xf32>
        %swap3A_648 = arith.constant 0 : i32
        %swap3A_649 = arith.index_cast %scan3A_640 : i32 to index
        %swap3A_650 = arith.index_cast %swap3A_648 : i32 to index
        %swap3A_651 = arith.constant 0 : index
        %swap3A_652 = tpu.vector_load %arg13[%swap3A_649, %swap3A_650, %swap3A_651] {strides = array<i32>} : memref<128x1x128xf32, #tpu.memory_space<vmem>>, vector<1x1x16xf32>,
        %swap3A_653 = vector.shape_cast %swap3A_652 : vector<1x1x16xf32> to vector<16xf32>
        %swap3A_654 = vector.shape_cast %add3A_647 : vector<16xf32> to vector<1x1x16xf32>
        tpu.vector_store %arg13[%swap3A_649, %swap3A_650, %swap3A_651], %swap3A_654 {strides = array<i32>} : memref<128x1x128xf32, #tpu.memory_space<vmem>>, vector<1x1x16xf32>,
        %get3A_655 = arith.constant 0 : i32
        %get3A_656 = arith.index_cast %scan3A_640 : i32 to index
        %get3A_657 = arith.index_cast %get3A_655 : i32 to index
        %get3A_658 = arith.constant 16 : index
        %get3A_659 = tpu.vector_load %arg13[%get3A_656, %get3A_657, %get3A_658] {strides = array<i32>} : memref<128x1x128xf32, #tpu.memory_space<vmem>>, vector<1x1x16xf32>,
        %get3A_660 = vector.shape_cast %get3A_659 : vector<1x1x16xf32> to vector<16xf32>
        %add3A_661 = arith.addf %get3A_660, %get3A_386 : vector<16xf32>
        %swap3A_662 = arith.constant 0 : i32
        %swap3A_663 = arith.index_cast %scan3A_640 : i32 to index
        %swap3A_664 = arith.index_cast %swap3A_662 : i32 to index
        %swap3A_665 = arith.constant 16 : index
        %swap3A_666 = tpu.vector_load %arg13[%swap3A_663, %swap3A_664, %swap3A_665] {strides = array<i32>} : memref<128x1x128xf32, #tpu.memory_space<vmem>>, vector<1x1x16xf32>,
        %swap3A_667 = vector.shape_cast %swap3A_666 : vector<1x1x16xf32> to vector<16xf32>
        %swap3A_668 = vector.shape_cast %add3A_661 : vector<16xf32> to vector<1x1x16xf32>
        tpu.vector_store %arg13[%swap3A_663, %swap3A_664, %swap3A_665], %swap3A_668 {strides = array<i32>} : memref<128x1x128xf32, #tpu.memory_space<vmem>>, vector<1x1x16xf32>,
        %get3A_669 = arith.constant 0 : i32
        %get3A_670 = arith.index_cast %scan3A_640 : i32 to index
        %get3A_671 = arith.index_cast %get3A_669 : i32 to index
        %get3A_672 = arith.constant 32 : index
        %get3A_673 = tpu.vector_load %arg13[%get3A_670, %get3A_671, %get3A_672] {strides = array<i32>} : memref<128x1x128xf32, #tpu.memory_space<vmem>>, vector<1x1x16xf32>,
        %get3A_674 = vector.shape_cast %get3A_673 : vector<1x1x16xf32> to vector<16xf32>
        %add3A_675 = arith.addf %get3A_674, %get3A_393 : vector<16xf32>
        %swap3A_676 = arith.constant 0 : i32
        %swap3A_677 = arith.index_cast %scan3A_640 : i32 to index
        %swap3A_678 = arith.index_cast %swap3A_676 : i32 to index
        %swap3A_679 = arith.constant 32 : index
        %swap3A_680 = tpu.vector_load %arg13[%swap3A_677, %swap3A_678, %swap3A_679] {strides = array<i32>} : memref<128x1x128xf32, #tpu.memory_space<vmem>>, vector<1x1x16xf32>,
        %swap3A_681 = vector.shape_cast %swap3A_680 : vector<1x1x16xf32> to vector<16xf32>
        %swap3A_682 = vector.shape_cast %add3A_675 : vector<16xf32> to vector<1x1x16xf32>
        tpu.vector_store %arg13[%swap3A_677, %swap3A_678, %swap3A_679], %swap3A_682 {strides = array<i32>} : memref<128x1x128xf32, #tpu.memory_space<vmem>>, vector<1x1x16xf32>,
        %get3A_683 = arith.constant 0 : i32
        %get3A_684 = arith.index_cast %scan3A_640 : i32 to index
        %get3A_685 = arith.index_cast %get3A_683 : i32 to index
        %get3A_686 = arith.constant 48 : index
        %get3A_687 = tpu.vector_load %arg13[%get3A_684, %get3A_685, %get3A_686] {strides = array<i32>} : memref<128x1x128xf32, #tpu.memory_space<vmem>>, vector<1x1x16xf32>,
        %get3A_688 = vector.shape_cast %get3A_687 : vector<1x1x16xf32> to vector<16xf32>
        %add3A_689 = arith.addf %get3A_688, %get3A_400 : vector<16xf32>
        %swap3A_690 = arith.constant 0 : i32
        %swap3A_691 = arith.index_cast %scan3A_640 : i32 to index
        %swap3A_692 = arith.index_cast %swap3A_690 : i32 to index
        %swap3A_693 = arith.constant 48 : index
        %swap3A_694 = tpu.vector_load %arg13[%swap3A_691, %swap3A_692, %swap3A_693] {strides = array<i32>} : memref<128x1x128xf32, #tpu.memory_space<vmem>>, vector<1x1x16xf32>,
        %swap3A_695 = vector.shape_cast %swap3A_694 : vector<1x1x16xf32> to vector<16xf32>
        %swap3A_696 = vector.shape_cast %add3A_689 : vector<16xf32> to vector<1x1x16xf32>
        tpu.vector_store %arg13[%swap3A_691, %swap3A_692, %swap3A_693], %swap3A_696 {strides = array<i32>} : memref<128x1x128xf32, #tpu.memory_space<vmem>>, vector<1x1x16xf32>,
        %get3A_697 = arith.constant 0 : i32
        %get3A_698 = arith.index_cast %scan3A_640 : i32 to index
        %get3A_699 = arith.index_cast %get3A_697 : i32 to index
        %get3A_700 = arith.constant 64 : index
        %get3A_701 = tpu.vector_load %arg13[%get3A_698, %get3A_699, %get3A_700] {strides = array<i32>} : memref<128x1x128xf32, #tpu.memory_space<vmem>>, vector<1x1x16xf32>,
        %get3A_702 = vector.shape_cast %get3A_701 : vector<1x1x16xf32> to vector<16xf32>
        %add3A_703 = arith.addf %get3A_702, %get3A_407 : vector<16xf32>
        %swap3A_704 = arith.constant 0 : i32
        %swap3A_705 = arith.index_cast %scan3A_640 : i32 to index
        %swap3A_706 = arith.index_cast %swap3A_704 : i32 to index
        %swap3A_707 = arith.constant 64 : index
        %swap3A_708 = tpu.vector_load %arg13[%swap3A_705, %swap3A_706, %swap3A_707] {strides = array<i32>} : memref<128x1x128xf32, #tpu.memory_space<vmem>>, vector<1x1x16xf32>,
        %swap3A_709 = vector.shape_cast %swap3A_708 : vector<1x1x16xf32> to vector<16xf32>
        %swap3A_710 = vector.shape_cast %add3A_703 : vector<16xf32> to vector<1x1x16xf32>
        tpu.vector_store %arg13[%swap3A_705, %swap3A_706, %swap3A_707], %swap3A_710 {strides = array<i32>} : memref<128x1x128xf32, #tpu.memory_space<vmem>>, vector<1x1x16xf32>,
        %get3A_711 = arith.constant 0 : i32
        %get3A_712 = arith.index_cast %scan3A_640 : i32 to index
        %get3A_713 = arith.index_cast %get3A_711 : i32 to index
        %get3A_714 = arith.constant 80 : index
        %get3A_715 = tpu.vector_load %arg13[%get3A_712, %get3A_713, %get3A_714] {strides = array<i32>} : memref<128x1x128xf32, #tpu.memory_space<vmem>>, vector<1x1x16xf32>,
        %get3A_716 = vector.shape_cast %get3A_715 : vector<1x1x16xf32> to vector<16xf32>
        %add3A_717 = arith.addf %get3A_716, %get3A_414 : vector<16xf32>
        %swap3A_718 = arith.constant 0 : i32
        %swap3A_719 = arith.index_cast %scan3A_640 : i32 to index
        %swap3A_720 = arith.index_cast %swap3A_718 : i32 to index
        %swap3A_721 = arith.constant 80 : index
        %swap3A_722 = tpu.vector_load %arg13[%swap3A_719, %swap3A_720, %swap3A_721] {strides = array<i32>} : memref<128x1x128xf32, #tpu.memory_space<vmem>>, vector<1x1x16xf32>,
        %swap3A_723 = vector.shape_cast %swap3A_722 : vector<1x1x16xf32> to vector<16xf32>
        %swap3A_724 = vector.shape_cast %add3A_717 : vector<16xf32> to vector<1x1x16xf32>
        tpu.vector_store %arg13[%swap3A_719, %swap3A_720, %swap3A_721], %swap3A_724 {strides = array<i32>} : memref<128x1x128xf32, #tpu.memory_space<vmem>>, vector<1x1x16xf32>,
        %get3A_725 = arith.constant 0 : i32
        %get3A_726 = arith.index_cast %scan3A_640 : i32 to index
        %get3A_727 = arith.index_cast %get3A_725 : i32 to index
        %get3A_728 = arith.constant 96 : index
        %get3A_729 = tpu.vector_load %arg13[%get3A_726, %get3A_727, %get3A_728] {strides = array<i32>} : memref<128x1x128xf32, #tpu.memory_space<vmem>>, vector<1x1x16xf32>,
        %get3A_730 = vector.shape_cast %get3A_729 : vector<1x1x16xf32> to vector<16xf32>
        %add3A_731 = arith.addf %get3A_730, %get3A_421 : vector<16xf32>
        %swap3A_732 = arith.constant 0 : i32
        %swap3A_733 = arith.index_cast %scan3A_640 : i32 to index
        %swap3A_734 = arith.index_cast %swap3A_732 : i32 to index
        %swap3A_735 = arith.constant 96 : index
        %swap3A_736 = tpu.vector_load %arg13[%swap3A_733, %swap3A_734, %swap3A_735] {strides = array<i32>} : memref<128x1x128xf32, #tpu.memory_space<vmem>>, vector<1x1x16xf32>,
        %swap3A_737 = vector.shape_cast %swap3A_736 : vector<1x1x16xf32> to vector<16xf32>
        %swap3A_738 = vector.shape_cast %add3A_731 : vector<16xf32> to vector<1x1x16xf32>
        tpu.vector_store %arg13[%swap3A_733, %swap3A_734, %swap3A_735], %swap3A_738 {strides = array<i32>} : memref<128x1x128xf32, #tpu.memory_space<vmem>>, vector<1x1x16xf32>,
        %get3A_739 = arith.constant 0 : i32
        %get3A_740 = arith.index_cast %scan3A_640 : i32 to index
        %get3A_741 = arith.index_cast %get3A_739 : i32 to index
        %get3A_742 = arith.constant 112 : index
        %get3A_743 = tpu.vector_load %arg13[%get3A_740, %get3A_741, %get3A_742] {strides = array<i32>} : memref<128x1x128xf32, #tpu.memory_space<vmem>>, vector<1x1x16xf32>,
        %get3A_744 = vector.shape_cast %get3A_743 : vector<1x1x16xf32> to vector<16xf32>
        %add3A_745 = arith.addf %get3A_744, %get3A_428 : vector<16xf32>
        %swap3A_746 = arith.constant 0 : i32
        %swap3A_747 = arith.index_cast %scan3A_640 : i32 to index
        %swap3A_748 = arith.index_cast %swap3A_746 : i32 to index
        %swap3A_749 = arith.constant 112 : index
        %swap3A_750 = tpu.vector_load %arg13[%swap3A_747, %swap3A_748, %swap3A_749] {strides = array<i32>} : memref<128x1x128xf32, #tpu.memory_space<vmem>>, vector<1x1x16xf32>,
        %swap3A_751 = vector.shape_cast %swap3A_750 : vector<1x1x16xf32> to vector<16xf32>
        %swap3A_752 = vector.shape_cast %add3A_745 : vector<16xf32> to vector<1x1x16xf32>
        tpu.vector_store %arg13[%swap3A_747, %swap3A_748, %swap3A_749], %swap3A_752 {strides = array<i32>} : memref<128x1x128xf32, #tpu.memory_space<vmem>>, vector<1x1x16xf32>,
      }
      %scan3A_433 = arith.constant 128 : i32
      %dma_start3A_434 = arith.constant 0 : i32
      %dma_start3A_435 = tpu.memref_slice %arg5[%mul3A_2, %add3A_350, %dma_start3A_434] : memref<4096x65x128xf32, #tpu.memory_space<hbm>> -> memref<128x1x128xf32, #tpu.memory_space<hbm>>
      %dma_start3A_436 = arith.constant 0 : i32
      %dma_start3A_437 = tpu.memref_slice %arg5[%mul3A_2, %add3A_350, %dma_start3A_436] : memref<4096x65x128xf32, #tpu.memory_space<hbm>> -> memref<128x1x128xf32, #tpu.memory_space<hbm>>
      tpu.enqueue_dma source(%arg13 : memref<128x1x128xf32, #tpu.memory_space<vmem>>) target(%dma_start3A_437 : memref<128x1x128xf32, #tpu.memory_space<hbm>>) target_semaphore(%arg25 : memref<!tpu.dma_semaphore, #tpu.memory_space<semaphore_mem>>)
      %add3A_438 = arith.constant 3 : i32
      %add3A_439 = arith.addi %mul3A_170, %add3A_438 : i32
      %add3A_440 = arith.constant 2 : i32
      %add3A_441 = arith.addi %add3A_439, %add3A_440 : i32
      %lt3A_442 = arith.constant 65 : i32
      %lt3A_443 = arith.cmpi slt, %add3A_441, %lt3A_442 : i32
      %convert_element_type3A_444 = arith.extui %lt3A_443 : i1 to i32
      %cond3A_445 = arith.constant 0 : i32
      %cond3A_446 = arith.cmpi ne, %convert_element_type3A_444, %cond3A_445 : i32
      scf.if %cond3A_446 {
        %add3A_527 = arith.constant 2 : i32
        %add3A_528 = arith.addi %add3A_439, %add3A_527 : i32
        %mul3A_529 = arith.constant 4096 : i32
        %mul3A_530 = arith.muli %add3A_528, %mul3A_529 : i32
        %add3A_531 = arith.addi %mul3A_530, %mul3A_2 : i32
        %dma_wait3A_532 = tpu.memref_slice %arg2[%add3A_531] : memref<266240xi32, #tpu.memory_space<hbm>> -> memref<128xi32, #tpu.memory_space<hbm>>
        %dma_wait3A_533 = tpu.memref_slice %arg2[%add3A_531] : memref<266240xi32, #tpu.memory_space<hbm>> -> memref<128xi32, #tpu.memory_space<hbm>>
        tpu.wait_dma2 semaphore(%arg16 : memref<!tpu.dma_semaphore, #tpu.memory_space<semaphore_mem>>) src(%dma_wait3A_533 : memref<128xi32, #tpu.memory_space<hbm>>) dst(%arg8 : memref<128xi32, #tpu.memory_space<vmem>>)
        %ge3A = arith.constant 2 : i32
        %ge3A_534 = arith.cmpi sge, %add3A_439, %ge3A : i32
        %convert_element_type3A_535 = arith.extui %ge3A_534 : i1 to i32
        %cond3A_536 = arith.constant 0 : i32
        %cond3A_537 = arith.cmpi ne, %convert_element_type3A_535, %cond3A_536 : i32
        scf.if %cond3A_537 {
          %sub3A = arith.constant 2 : i32
          %sub3A_548 = arith.subi %add3A_439, %sub3A : i32
          %dma_wait3A_549 = arith.constant 0 : i32
          %dma_wait3A_550 = tpu.memref_slice %arg5[%mul3A_2, %sub3A_548, %dma_wait3A_549] : memref<4096x65x128xf32, #tpu.memory_space<hbm>> -> memref<128x1x128xf32, #tpu.memory_space<hbm>>
          %dma_wait3A_551 = arith.constant 0 : i32
          %dma_wait3A_552 = tpu.memref_slice %arg5[%mul3A_2, %sub3A_548, %dma_wait3A_551] : memref<4096x65x128xf32, #tpu.memory_space<hbm>> -> memref<128x1x128xf32, #tpu.memory_space<hbm>>
          tpu.wait_dma2 semaphore(%arg24 : memref<!tpu.dma_semaphore, #tpu.memory_space<semaphore_mem>>) src(%arg12 : memref<128x1x128xf32, #tpu.memory_space<vmem>>) dst(%dma_wait3A_552 : memref<128x1x128xf32, #tpu.memory_space<hbm>>)
        } else {
        }
        %add3A_538 = arith.constant 2 : i32
        %add3A_539 = arith.addi %add3A_439, %add3A_538 : i32
        %dma_start3A_540 = arith.constant 0 : i32
        %dma_start3A_541 = arith.constant 0 : i32
        %dma_start3A_542 = arith.constant 0 : i32
        %dma_start3A_543 = tpu.memref_slice %arg12[%dma_start3A_541, %dma_start3A_540, %dma_start3A_542] : memref<128x1x128xf32, #tpu.memory_space<vmem>> -> memref<128x1x128xf32, #tpu.memory_space<vmem>>
        %dma_start3A_544 = tpu.memref_squeeze %dma_start3A_543 : memref<128x1x128xf32, #tpu.memory_space<vmem>> -> memref<128x128xf32, #tpu.memory_space<vmem>>
        %dma_start3A_545 = arith.constant 0 : i32
        %dma_start3A_546 = arith.constant 0 : i32
        %dma_start3A_547 = tpu.memref_slice %arg3[%dma_start3A_545, %dma_start3A_546] : memref<1001x128xf32, #tpu.memory_space<hbm>> -> memref<1001x128xf32, #tpu.memory_space<hbm>>
        tpu.enqueue_indirect_dma source(%dma_start3A_547 : memref<1001x128xf32, #tpu.memory_space<hbm>>) target(%dma_start3A_544 : memref<128x128xf32, #tpu.memory_space<vmem>>) offsets(%arg8 : memref<128xi32, #tpu.memory_space<vmem>>) semaphore(%arg20 : memref<!tpu.dma_semaphore, #tpu.memory_space<semaphore_mem>>)
      } else {
      }
      %add3A_447 = arith.constant 3 : i32
      %add3A_448 = arith.addi %add3A_439, %add3A_447 : i32
      %lt3A_449 = arith.constant 65 : i32
      %lt3A_450 = arith.cmpi slt, %add3A_448, %lt3A_449 : i32
      %convert_element_type3A_451 = arith.extui %lt3A_450 : i1 to i32
      %cond3A_452 = arith.constant 0 : i32
      %cond3A_453 = arith.cmpi ne, %convert_element_type3A_451, %cond3A_452 : i32
      scf.if %cond3A_453 {
        %add3A_527 = arith.constant 3 : i32
        %add3A_528 = arith.addi %add3A_439, %add3A_527 : i32
        %mul3A_529 = arith.constant 4096 : i32
        %mul3A_530 = arith.muli %add3A_528, %mul3A_529 : i32
        %add3A_531 = arith.addi %mul3A_530, %mul3A_2 : i32
        %dma_start3A_532 = tpu.memref_slice %arg2[%add3A_531] : memref<266240xi32, #tpu.memory_space<hbm>> -> memref<128xi32, #tpu.memory_space<hbm>>
        %dma_start3A_533 = tpu.memref_slice %arg2[%add3A_531] : memref<266240xi32, #tpu.memory_space<hbm>> -> memref<128xi32, #tpu.memory_space<hbm>>
        tpu.enqueue_dma source(%dma_start3A_533 : memref<128xi32, #tpu.memory_space<hbm>>) target(%arg9 : memref<128xi32, #tpu.memory_space<vmem>>) target_semaphore(%arg17 : memref<!tpu.dma_semaphore, #tpu.memory_space<semaphore_mem>>)
      } else {
      }
      %dma_wait3A_454 = arith.constant 0 : i32
      %dma_wait3A_455 = arith.constant 0 : i32
      %dma_wait3A_456 = arith.constant 0 : i32
      %dma_wait3A_457 = tpu.memref_slice %arg14[%dma_wait3A_455, %dma_wait3A_454, %dma_wait3A_456] : memref<128x1x128xf32, #tpu.memory_space<vmem>> -> memref<128x1x128xf32, #tpu.memory_space<vmem>>
      %dma_wait3A_458 = tpu.memref_squeeze %dma_wait3A_457 : memref<128x1x128xf32, #tpu.memory_space<vmem>> -> memref<128x128xf32, #tpu.memory_space<vmem>>
      %dma_wait3A_459 = arith.constant 0 : i32
      %dma_wait3A_460 = arith.constant 0 : i32
      %dma_wait3A_461 = tpu.memref_slice %arg3[%dma_wait3A_459, %dma_wait3A_460] : memref<1001x128xf32, #tpu.memory_space<hbm>> -> memref<1001x128xf32, #tpu.memory_space<hbm>>
      tpu.wait_indirect_dma semaphore(%arg22 : memref<!tpu.dma_semaphore, #tpu.memory_space<semaphore_mem>>) src(%dma_wait3A_461 : memref<1001x128xf32, #tpu.memory_space<hbm>>) dst(%dma_wait3A_458 : memref<128x128xf32, #tpu.memory_space<vmem>>)
      %mul3A_462 = arith.constant 128 : i32
      %mul3A_463 = arith.muli %add3A_439, %mul3A_462 : i32
      %add3A_464 = arith.constant 0 : i32
      %add3A_465 = arith.addi %mul3A_463, %add3A_464 : i32
      %get3A_466 = arith.index_cast %add3A_465 : i32 to index
      %get3A_467 = tpu.vector_load %arg6[%get3A_466] {strides = array<i32>} : memref<8320xf32, #tpu.memory_space<vmem>>, vector<16xf32>,
      %get3A_468 = vector.shape_cast %get3A_467 : vector<16xf32> to vector<16xf32>
      %mul3A_469 = arith.constant 128 : i32
      %mul3A_470 = arith.muli %add3A_439, %mul3A_469 : i32
      %add3A_471 = arith.constant 16 : i32
      %add3A_472 = arith.addi %mul3A_470, %add3A_471 : i32
      %get3A_473 = arith.index_cast %add3A_472 : i32 to index
      %get3A_474 = tpu.vector_load %arg6[%get3A_473] {strides = array<i32>} : memref<8320xf32, #tpu.memory_space<vmem>>, vector<16xf32>,
      %get3A_475 = vector.shape_cast %get3A_474 : vector<16xf32> to vector<16xf32>
      %mul3A_476 = arith.constant 128 : i32
      %mul3A_477 = arith.muli %add3A_439, %mul3A_476 : i32
      %add3A_478 = arith.constant 32 : i32
      %add3A_479 = arith.addi %mul3A_477, %add3A_478 : i32
      %get3A_480 = arith.index_cast %add3A_479 : i32 to index
      %get3A_481 = tpu.vector_load %arg6[%get3A_480] {strides = array<i32>} : memref<8320xf32, #tpu.memory_space<vmem>>, vector<16xf32>,
      %get3A_482 = vector.shape_cast %get3A_481 : vector<16xf32> to vector<16xf32>
      %mul3A_483 = arith.constant 128 : i32
      %mul3A_484 = arith.muli %add3A_439, %mul3A_483 : i32
      %add3A_485 = arith.constant 48 : i32
      %add3A_486 = arith.addi %mul3A_484, %add3A_485 : i32
      %get3A_487 = arith.index_cast %add3A_486 : i32 to index
      %get3A_488 = tpu.vector_load %arg6[%get3A_487] {strides = array<i32>} : memref<8320xf32, #tpu.memory_space<vmem>>, vector<16xf32>,
      %get3A_489 = vector.shape_cast %get3A_488 : vector<16xf32> to vector<16xf32>
      %mul3A_490 = arith.constant 128 : i32
      %mul3A_491 = arith.muli %add3A_439, %mul3A_490 : i32
      %add3A_492 = arith.constant 64 : i32
      %add3A_493 = arith.addi %mul3A_491, %add3A_492 : i32
      %get3A_494 = arith.index_cast %add3A_493 : i32 to index
      %get3A_495 = tpu.vector_load %arg6[%get3A_494] {strides = array<i32>} : memref<8320xf32, #tpu.memory_space<vmem>>, vector<16xf32>,
      %get3A_496 = vector.shape_cast %get3A_495 : vector<16xf32> to vector<16xf32>
      %mul3A_497 = arith.constant 128 : i32
      %mul3A_498 = arith.muli %add3A_439, %mul3A_497 : i32
      %add3A_499 = arith.constant 80 : i32
      %add3A_500 = arith.addi %mul3A_498, %add3A_499 : i32
      %get3A_501 = arith.index_cast %add3A_500 : i32 to index
      %get3A_502 = tpu.vector_load %arg6[%get3A_501] {strides = array<i32>} : memref<8320xf32, #tpu.memory_space<vmem>>, vector<16xf32>,
      %get3A_503 = vector.shape_cast %get3A_502 : vector<16xf32> to vector<16xf32>
      %mul3A_504 = arith.constant 128 : i32
      %mul3A_505 = arith.muli %add3A_439, %mul3A_504 : i32
      %add3A_506 = arith.constant 96 : i32
      %add3A_507 = arith.addi %mul3A_505, %add3A_506 : i32
      %get3A_508 = arith.index_cast %add3A_507 : i32 to index
      %get3A_509 = tpu.vector_load %arg6[%get3A_508] {strides = array<i32>} : memref<8320xf32, #tpu.memory_space<vmem>>, vector<16xf32>,
      %get3A_510 = vector.shape_cast %get3A_509 : vector<16xf32> to vector<16xf32>
      %mul3A_511 = arith.constant 128 : i32
      %mul3A_512 = arith.muli %add3A_439, %mul3A_511 : i32
      %add3A_513 = arith.constant 112 : i32
      %add3A_514 = arith.addi %mul3A_512, %add3A_513 : i32
      %get3A_515 = arith.index_cast %add3A_514 : i32 to index
      %get3A_516 = tpu.vector_load %arg6[%get3A_515] {strides = array<i32>} : memref<8320xf32, #tpu.memory_space<vmem>>, vector<16xf32>,
      %get3A_517 = vector.shape_cast %get3A_516 : vector<16xf32> to vector<16xf32>
      %scan3A_518 = arith.constant 0 : i32
      %scan3A_519 = arith.constant 128 : i32
      %scan3A_520 = arith.addi %scan3A_518, %scan3A_519 : i32
      %scan3A_521 = arith.constant 2 : i32
      scf.for %scan3A_527 = %scan3A_518 to %scan3A_520 step %scan3A_521  : i32 {
        %get3A_528 = arith.constant 0 : i32
        %get3A_529 = arith.index_cast %scan3A_527 : i32 to index
        %get3A_530 = arith.index_cast %get3A_528 : i32 to index
        %get3A_531 = arith.constant 0 : index
        %get3A_532 = tpu.vector_load %arg14[%get3A_529, %get3A_530, %get3A_531] {strides = array<i32>} : memref<128x1x128xf32, #tpu.memory_space<vmem>>, vector<1x1x16xf32>,
        %get3A_533 = vector.shape_cast %get3A_532 : vector<1x1x16xf32> to vector<16xf32>
        %add3A_534 = arith.addf %get3A_533, %get3A_468 : vector<16xf32>
        %swap3A = arith.constant 0 : i32
        %swap3A_535 = arith.index_cast %scan3A_527 : i32 to index
        %swap3A_536 = arith.index_cast %swap3A : i32 to index
        %swap3A_537 = arith.constant 0 : index
        %swap3A_538 = tpu.vector_load %arg14[%swap3A_535, %swap3A_536, %swap3A_537] {strides = array<i32>} : memref<128x1x128xf32, #tpu.memory_space<vmem>>, vector<1x1x16xf32>,
        %swap3A_539 = vector.shape_cast %swap3A_538 : vector<1x1x16xf32> to vector<16xf32>
        %swap3A_540 = vector.shape_cast %add3A_534 : vector<16xf32> to vector<1x1x16xf32>
        tpu.vector_store %arg14[%swap3A_535, %swap3A_536, %swap3A_537], %swap3A_540 {strides = array<i32>} : memref<128x1x128xf32, #tpu.memory_space<vmem>>, vector<1x1x16xf32>,
        %get3A_541 = arith.constant 0 : i32
        %get3A_542 = arith.index_cast %scan3A_527 : i32 to index
        %get3A_543 = arith.index_cast %get3A_541 : i32 to index
        %get3A_544 = arith.constant 16 : index
        %get3A_545 = tpu.vector_load %arg14[%get3A_542, %get3A_543, %get3A_544] {strides = array<i32>} : memref<128x1x128xf32, #tpu.memory_space<vmem>>, vector<1x1x16xf32>,
        %get3A_546 = vector.shape_cast %get3A_545 : vector<1x1x16xf32> to vector<16xf32>
        %add3A_547 = arith.addf %get3A_546, %get3A_475 : vector<16xf32>
        %swap3A_548 = arith.constant 0 : i32
        %swap3A_549 = arith.index_cast %scan3A_527 : i32 to index
        %swap3A_550 = arith.index_cast %swap3A_548 : i32 to index
        %swap3A_551 = arith.constant 16 : index
        %swap3A_552 = tpu.vector_load %arg14[%swap3A_549, %swap3A_550, %swap3A_551] {strides = array<i32>} : memref<128x1x128xf32, #tpu.memory_space<vmem>>, vector<1x1x16xf32>,
        %swap3A_553 = vector.shape_cast %swap3A_552 : vector<1x1x16xf32> to vector<16xf32>
        %swap3A_554 = vector.shape_cast %add3A_547 : vector<16xf32> to vector<1x1x16xf32>
        tpu.vector_store %arg14[%swap3A_549, %swap3A_550, %swap3A_551], %swap3A_554 {strides = array<i32>} : memref<128x1x128xf32, #tpu.memory_space<vmem>>, vector<1x1x16xf32>,
        %get3A_555 = arith.constant 0 : i32
        %get3A_556 = arith.index_cast %scan3A_527 : i32 to index
        %get3A_557 = arith.index_cast %get3A_555 : i32 to index
        %get3A_558 = arith.constant 32 : index
        %get3A_559 = tpu.vector_load %arg14[%get3A_556, %get3A_557, %get3A_558] {strides = array<i32>} : memref<128x1x128xf32, #tpu.memory_space<vmem>>, vector<1x1x16xf32>,
        %get3A_560 = vector.shape_cast %get3A_559 : vector<1x1x16xf32> to vector<16xf32>
        %add3A_561 = arith.addf %get3A_560, %get3A_482 : vector<16xf32>
        %swap3A_562 = arith.constant 0 : i32
        %swap3A_563 = arith.index_cast %scan3A_527 : i32 to index
        %swap3A_564 = arith.index_cast %swap3A_562 : i32 to index
        %swap3A_565 = arith.constant 32 : index
        %swap3A_566 = tpu.vector_load %arg14[%swap3A_563, %swap3A_564, %swap3A_565] {strides = array<i32>} : memref<128x1x128xf32, #tpu.memory_space<vmem>>, vector<1x1x16xf32>,
        %swap3A_567 = vector.shape_cast %swap3A_566 : vector<1x1x16xf32> to vector<16xf32>
        %swap3A_568 = vector.shape_cast %add3A_561 : vector<16xf32> to vector<1x1x16xf32>
        tpu.vector_store %arg14[%swap3A_563, %swap3A_564, %swap3A_565], %swap3A_568 {strides = array<i32>} : memref<128x1x128xf32, #tpu.memory_space<vmem>>, vector<1x1x16xf32>,
        %get3A_569 = arith.constant 0 : i32
        %get3A_570 = arith.index_cast %scan3A_527 : i32 to index
        %get3A_571 = arith.index_cast %get3A_569 : i32 to index
        %get3A_572 = arith.constant 48 : index
        %get3A_573 = tpu.vector_load %arg14[%get3A_570, %get3A_571, %get3A_572] {strides = array<i32>} : memref<128x1x128xf32, #tpu.memory_space<vmem>>, vector<1x1x16xf32>,
        %get3A_574 = vector.shape_cast %get3A_573 : vector<1x1x16xf32> to vector<16xf32>
        %add3A_575 = arith.addf %get3A_574, %get3A_489 : vector<16xf32>
        %swap3A_576 = arith.constant 0 : i32
        %swap3A_577 = arith.index_cast %scan3A_527 : i32 to index
        %swap3A_578 = arith.index_cast %swap3A_576 : i32 to index
        %swap3A_579 = arith.constant 48 : index
        %swap3A_580 = tpu.vector_load %arg14[%swap3A_577, %swap3A_578, %swap3A_579] {strides = array<i32>} : memref<128x1x128xf32, #tpu.memory_space<vmem>>, vector<1x1x16xf32>,
        %swap3A_581 = vector.shape_cast %swap3A_580 : vector<1x1x16xf32> to vector<16xf32>
        %swap3A_582 = vector.shape_cast %add3A_575 : vector<16xf32> to vector<1x1x16xf32>
        tpu.vector_store %arg14[%swap3A_577, %swap3A_578, %swap3A_579], %swap3A_582 {strides = array<i32>} : memref<128x1x128xf32, #tpu.memory_space<vmem>>, vector<1x1x16xf32>,
        %get3A_583 = arith.constant 0 : i32
        %get3A_584 = arith.index_cast %scan3A_527 : i32 to index
        %get3A_585 = arith.index_cast %get3A_583 : i32 to index
        %get3A_586 = arith.constant 64 : index
        %get3A_587 = tpu.vector_load %arg14[%get3A_584, %get3A_585, %get3A_586] {strides = array<i32>} : memref<128x1x128xf32, #tpu.memory_space<vmem>>, vector<1x1x16xf32>,
        %get3A_588 = vector.shape_cast %get3A_587 : vector<1x1x16xf32> to vector<16xf32>
        %add3A_589 = arith.addf %get3A_588, %get3A_496 : vector<16xf32>
        %swap3A_590 = arith.constant 0 : i32
        %swap3A_591 = arith.index_cast %scan3A_527 : i32 to index
        %swap3A_592 = arith.index_cast %swap3A_590 : i32 to index
        %swap3A_593 = arith.constant 64 : index
        %swap3A_594 = tpu.vector_load %arg14[%swap3A_591, %swap3A_592, %swap3A_593] {strides = array<i32>} : memref<128x1x128xf32, #tpu.memory_space<vmem>>, vector<1x1x16xf32>,
        %swap3A_595 = vector.shape_cast %swap3A_594 : vector<1x1x16xf32> to vector<16xf32>
        %swap3A_596 = vector.shape_cast %add3A_589 : vector<16xf32> to vector<1x1x16xf32>
        tpu.vector_store %arg14[%swap3A_591, %swap3A_592, %swap3A_593], %swap3A_596 {strides = array<i32>} : memref<128x1x128xf32, #tpu.memory_space<vmem>>, vector<1x1x16xf32>,
        %get3A_597 = arith.constant 0 : i32
        %get3A_598 = arith.index_cast %scan3A_527 : i32 to index
        %get3A_599 = arith.index_cast %get3A_597 : i32 to index
        %get3A_600 = arith.constant 80 : index
        %get3A_601 = tpu.vector_load %arg14[%get3A_598, %get3A_599, %get3A_600] {strides = array<i32>} : memref<128x1x128xf32, #tpu.memory_space<vmem>>, vector<1x1x16xf32>,
        %get3A_602 = vector.shape_cast %get3A_601 : vector<1x1x16xf32> to vector<16xf32>
        %add3A_603 = arith.addf %get3A_602, %get3A_503 : vector<16xf32>
        %swap3A_604 = arith.constant 0 : i32
        %swap3A_605 = arith.index_cast %scan3A_527 : i32 to index
        %swap3A_606 = arith.index_cast %swap3A_604 : i32 to index
        %swap3A_607 = arith.constant 80 : index
        %swap3A_608 = tpu.vector_load %arg14[%swap3A_605, %swap3A_606, %swap3A_607] {strides = array<i32>} : memref<128x1x128xf32, #tpu.memory_space<vmem>>, vector<1x1x16xf32>,
        %swap3A_609 = vector.shape_cast %swap3A_608 : vector<1x1x16xf32> to vector<16xf32>
        %swap3A_610 = vector.shape_cast %add3A_603 : vector<16xf32> to vector<1x1x16xf32>
        tpu.vector_store %arg14[%swap3A_605, %swap3A_606, %swap3A_607], %swap3A_610 {strides = array<i32>} : memref<128x1x128xf32, #tpu.memory_space<vmem>>, vector<1x1x16xf32>,
        %get3A_611 = arith.constant 0 : i32
        %get3A_612 = arith.index_cast %scan3A_527 : i32 to index
        %get3A_613 = arith.index_cast %get3A_611 : i32 to index
        %get3A_614 = arith.constant 96 : index
        %get3A_615 = tpu.vector_load %arg14[%get3A_612, %get3A_613, %get3A_614] {strides = array<i32>} : memref<128x1x128xf32, #tpu.memory_space<vmem>>, vector<1x1x16xf32>,
        %get3A_616 = vector.shape_cast %get3A_615 : vector<1x1x16xf32> to vector<16xf32>
        %add3A_617 = arith.addf %get3A_616, %get3A_510 : vector<16xf32>
        %swap3A_618 = arith.constant 0 : i32
        %swap3A_619 = arith.index_cast %scan3A_527 : i32 to index
        %swap3A_620 = arith.index_cast %swap3A_618 : i32 to index
        %swap3A_621 = arith.constant 96 : index
        %swap3A_622 = tpu.vector_load %arg14[%swap3A_619, %swap3A_620, %swap3A_621] {strides = array<i32>} : memref<128x1x128xf32, #tpu.memory_space<vmem>>, vector<1x1x16xf32>,
        %swap3A_623 = vector.shape_cast %swap3A_622 : vector<1x1x16xf32> to vector<16xf32>
        %swap3A_624 = vector.shape_cast %add3A_617 : vector<16xf32> to vector<1x1x16xf32>
        tpu.vector_store %arg14[%swap3A_619, %swap3A_620, %swap3A_621], %swap3A_624 {strides = array<i32>} : memref<128x1x128xf32, #tpu.memory_space<vmem>>, vector<1x1x16xf32>,
        %get3A_625 = arith.constant 0 : i32
        %get3A_626 = arith.index_cast %scan3A_527 : i32 to index
        %get3A_627 = arith.index_cast %get3A_625 : i32 to index
        %get3A_628 = arith.constant 112 : index
        %get3A_629 = tpu.vector_load %arg14[%get3A_626, %get3A_627, %get3A_628] {strides = array<i32>} : memref<128x1x128xf32, #tpu.memory_space<vmem>>, vector<1x1x16xf32>,
        %get3A_630 = vector.shape_cast %get3A_629 : vector<1x1x16xf32> to vector<16xf32>
        %add3A_631 = arith.addf %get3A_630, %get3A_517 : vector<16xf32>
        %swap3A_632 = arith.constant 0 : i32
        %swap3A_633 = arith.index_cast %scan3A_527 : i32 to index
        %swap3A_634 = arith.index_cast %swap3A_632 : i32 to index
        %swap3A_635 = arith.constant 112 : index
        %swap3A_636 = tpu.vector_load %arg14[%swap3A_633, %swap3A_634, %swap3A_635] {strides = array<i32>} : memref<128x1x128xf32, #tpu.memory_space<vmem>>, vector<1x1x16xf32>,
        %swap3A_637 = vector.shape_cast %swap3A_636 : vector<1x1x16xf32> to vector<16xf32>
        %swap3A_638 = vector.shape_cast %add3A_631 : vector<16xf32> to vector<1x1x16xf32>
        tpu.vector_store %arg14[%swap3A_633, %swap3A_634, %swap3A_635], %swap3A_638 {strides = array<i32>} : memref<128x1x128xf32, #tpu.memory_space<vmem>>, vector<1x1x16xf32>,
        %scan3A_639 = arith.constant 1 : i32
        %scan3A_640 = arith.addi %scan3A_527, %scan3A_639 : i32
        %get3A_641 = arith.constant 0 : i32
        %get3A_642 = arith.index_cast %scan3A_640 : i32 to index
        %get3A_643 = arith.index_cast %get3A_641 : i32 to index
        %get3A_644 = arith.constant 0 : index
        %get3A_645 = tpu.vector_load %arg14[%get3A_642, %get3A_643, %get3A_644] {strides = array<i32>} : memref<128x1x128xf32, #tpu.memory_space<vmem>>, vector<1x1x16xf32>,
        %get3A_646 = vector.shape_cast %get3A_645 : vector<1x1x16xf32> to vector<16xf32>
        %add3A_647 = arith.addf %get3A_646, %get3A_468 : vector<16xf32>
        %swap3A_648 = arith.constant 0 : i32
        %swap3A_649 = arith.index_cast %scan3A_640 : i32 to index
        %swap3A_650 = arith.index_cast %swap3A_648 : i32 to index
        %swap3A_651 = arith.constant 0 : index
        %swap3A_652 = tpu.vector_load %arg14[%swap3A_649, %swap3A_650, %swap3A_651] {strides = array<i32>} : memref<128x1x128xf32, #tpu.memory_space<vmem>>, vector<1x1x16xf32>,
        %swap3A_653 = vector.shape_cast %swap3A_652 : vector<1x1x16xf32> to vector<16xf32>
        %swap3A_654 = vector.shape_cast %add3A_647 : vector<16xf32> to vector<1x1x16xf32>
        tpu.vector_store %arg14[%swap3A_649, %swap3A_650, %swap3A_651], %swap3A_654 {strides = array<i32>} : memref<128x1x128xf32, #tpu.memory_space<vmem>>, vector<1x1x16xf32>,
        %get3A_655 = arith.constant 0 : i32
        %get3A_656 = arith.index_cast %scan3A_640 : i32 to index
        %get3A_657 = arith.index_cast %get3A_655 : i32 to index
        %get3A_658 = arith.constant 16 : index
        %get3A_659 = tpu.vector_load %arg14[%get3A_656, %get3A_657, %get3A_658] {strides = array<i32>} : memref<128x1x128xf32, #tpu.memory_space<vmem>>, vector<1x1x16xf32>,
        %get3A_660 = vector.shape_cast %get3A_659 : vector<1x1x16xf32> to vector<16xf32>
        %add3A_661 = arith.addf %get3A_660, %get3A_475 : vector<16xf32>
        %swap3A_662 = arith.constant 0 : i32
        %swap3A_663 = arith.index_cast %scan3A_640 : i32 to index
        %swap3A_664 = arith.index_cast %swap3A_662 : i32 to index
        %swap3A_665 = arith.constant 16 : index
        %swap3A_666 = tpu.vector_load %arg14[%swap3A_663, %swap3A_664, %swap3A_665] {strides = array<i32>} : memref<128x1x128xf32, #tpu.memory_space<vmem>>, vector<1x1x16xf32>,
        %swap3A_667 = vector.shape_cast %swap3A_666 : vector<1x1x16xf32> to vector<16xf32>
        %swap3A_668 = vector.shape_cast %add3A_661 : vector<16xf32> to vector<1x1x16xf32>
        tpu.vector_store %arg14[%swap3A_663, %swap3A_664, %swap3A_665], %swap3A_668 {strides = array<i32>} : memref<128x1x128xf32, #tpu.memory_space<vmem>>, vector<1x1x16xf32>,
        %get3A_669 = arith.constant 0 : i32
        %get3A_670 = arith.index_cast %scan3A_640 : i32 to index
        %get3A_671 = arith.index_cast %get3A_669 : i32 to index
        %get3A_672 = arith.constant 32 : index
        %get3A_673 = tpu.vector_load %arg14[%get3A_670, %get3A_671, %get3A_672] {strides = array<i32>} : memref<128x1x128xf32, #tpu.memory_space<vmem>>, vector<1x1x16xf32>,
        %get3A_674 = vector.shape_cast %get3A_673 : vector<1x1x16xf32> to vector<16xf32>
        %add3A_675 = arith.addf %get3A_674, %get3A_482 : vector<16xf32>
        %swap3A_676 = arith.constant 0 : i32
        %swap3A_677 = arith.index_cast %scan3A_640 : i32 to index
        %swap3A_678 = arith.index_cast %swap3A_676 : i32 to index
        %swap3A_679 = arith.constant 32 : index
        %swap3A_680 = tpu.vector_load %arg14[%swap3A_677, %swap3A_678, %swap3A_679] {strides = array<i32>} : memref<128x1x128xf32, #tpu.memory_space<vmem>>, vector<1x1x16xf32>,
        %swap3A_681 = vector.shape_cast %swap3A_680 : vector<1x1x16xf32> to vector<16xf32>
        %swap3A_682 = vector.shape_cast %add3A_675 : vector<16xf32> to vector<1x1x16xf32>
        tpu.vector_store %arg14[%swap3A_677, %swap3A_678, %swap3A_679], %swap3A_682 {strides = array<i32>} : memref<128x1x128xf32, #tpu.memory_space<vmem>>, vector<1x1x16xf32>,
        %get3A_683 = arith.constant 0 : i32
        %get3A_684 = arith.index_cast %scan3A_640 : i32 to index
        %get3A_685 = arith.index_cast %get3A_683 : i32 to index
        %get3A_686 = arith.constant 48 : index
        %get3A_687 = tpu.vector_load %arg14[%get3A_684, %get3A_685, %get3A_686] {strides = array<i32>} : memref<128x1x128xf32, #tpu.memory_space<vmem>>, vector<1x1x16xf32>,
        %get3A_688 = vector.shape_cast %get3A_687 : vector<1x1x16xf32> to vector<16xf32>
        %add3A_689 = arith.addf %get3A_688, %get3A_489 : vector<16xf32>
        %swap3A_690 = arith.constant 0 : i32
        %swap3A_691 = arith.index_cast %scan3A_640 : i32 to index
        %swap3A_692 = arith.index_cast %swap3A_690 : i32 to index
        %swap3A_693 = arith.constant 48 : index
        %swap3A_694 = tpu.vector_load %arg14[%swap3A_691, %swap3A_692, %swap3A_693] {strides = array<i32>} : memref<128x1x128xf32, #tpu.memory_space<vmem>>, vector<1x1x16xf32>,
        %swap3A_695 = vector.shape_cast %swap3A_694 : vector<1x1x16xf32> to vector<16xf32>
        %swap3A_696 = vector.shape_cast %add3A_689 : vector<16xf32> to vector<1x1x16xf32>
        tpu.vector_store %arg14[%swap3A_691, %swap3A_692, %swap3A_693], %swap3A_696 {strides = array<i32>} : memref<128x1x128xf32, #tpu.memory_space<vmem>>, vector<1x1x16xf32>,
        %get3A_697 = arith.constant 0 : i32
        %get3A_698 = arith.index_cast %scan3A_640 : i32 to index
        %get3A_699 = arith.index_cast %get3A_697 : i32 to index
        %get3A_700 = arith.constant 64 : index
        %get3A_701 = tpu.vector_load %arg14[%get3A_698, %get3A_699, %get3A_700] {strides = array<i32>} : memref<128x1x128xf32, #tpu.memory_space<vmem>>, vector<1x1x16xf32>,
        %get3A_702 = vector.shape_cast %get3A_701 : vector<1x1x16xf32> to vector<16xf32>
        %add3A_703 = arith.addf %get3A_702, %get3A_496 : vector<16xf32>
        %swap3A_704 = arith.constant 0 : i32
        %swap3A_705 = arith.index_cast %scan3A_640 : i32 to index
        %swap3A_706 = arith.index_cast %swap3A_704 : i32 to index
        %swap3A_707 = arith.constant 64 : index
        %swap3A_708 = tpu.vector_load %arg14[%swap3A_705, %swap3A_706, %swap3A_707] {strides = array<i32>} : memref<128x1x128xf32, #tpu.memory_space<vmem>>, vector<1x1x16xf32>,
        %swap3A_709 = vector.shape_cast %swap3A_708 : vector<1x1x16xf32> to vector<16xf32>
        %swap3A_710 = vector.shape_cast %add3A_703 : vector<16xf32> to vector<1x1x16xf32>
        tpu.vector_store %arg14[%swap3A_705, %swap3A_706, %swap3A_707], %swap3A_710 {strides = array<i32>} : memref<128x1x128xf32, #tpu.memory_space<vmem>>, vector<1x1x16xf32>,
        %get3A_711 = arith.constant 0 : i32
        %get3A_712 = arith.index_cast %scan3A_640 : i32 to index
        %get3A_713 = arith.index_cast %get3A_711 : i32 to index
        %get3A_714 = arith.constant 80 : index
        %get3A_715 = tpu.vector_load %arg14[%get3A_712, %get3A_713, %get3A_714] {strides = array<i32>} : memref<128x1x128xf32, #tpu.memory_space<vmem>>, vector<1x1x16xf32>,
        %get3A_716 = vector.shape_cast %get3A_715 : vector<1x1x16xf32> to vector<16xf32>
        %add3A_717 = arith.addf %get3A_716, %get3A_503 : vector<16xf32>
        %swap3A_718 = arith.constant 0 : i32
        %swap3A_719 = arith.index_cast %scan3A_640 : i32 to index
        %swap3A_720 = arith.index_cast %swap3A_718 : i32 to index
        %swap3A_721 = arith.constant 80 : index
        %swap3A_722 = tpu.vector_load %arg14[%swap3A_719, %swap3A_720, %swap3A_721] {strides = array<i32>} : memref<128x1x128xf32, #tpu.memory_space<vmem>>, vector<1x1x16xf32>,
        %swap3A_723 = vector.shape_cast %swap3A_722 : vector<1x1x16xf32> to vector<16xf32>
        %swap3A_724 = vector.shape_cast %add3A_717 : vector<16xf32> to vector<1x1x16xf32>
        tpu.vector_store %arg14[%swap3A_719, %swap3A_720, %swap3A_721], %swap3A_724 {strides = array<i32>} : memref<128x1x128xf32, #tpu.memory_space<vmem>>, vector<1x1x16xf32>,
        %get3A_725 = arith.constant 0 : i32
        %get3A_726 = arith.index_cast %scan3A_640 : i32 to index
        %get3A_727 = arith.index_cast %get3A_725 : i32 to index
        %get3A_728 = arith.constant 96 : index
        %get3A_729 = tpu.vector_load %arg14[%get3A_726, %get3A_727, %get3A_728] {strides = array<i32>} : memref<128x1x128xf32, #tpu.memory_space<vmem>>, vector<1x1x16xf32>,
        %get3A_730 = vector.shape_cast %get3A_729 : vector<1x1x16xf32> to vector<16xf32>
        %add3A_731 = arith.addf %get3A_730, %get3A_510 : vector<16xf32>
        %swap3A_732 = arith.constant 0 : i32
        %swap3A_733 = arith.index_cast %scan3A_640 : i32 to index
        %swap3A_734 = arith.index_cast %swap3A_732 : i32 to index
        %swap3A_735 = arith.constant 96 : index
        %swap3A_736 = tpu.vector_load %arg14[%swap3A_733, %swap3A_734, %swap3A_735] {strides = array<i32>} : memref<128x1x128xf32, #tpu.memory_space<vmem>>, vector<1x1x16xf32>,
        %swap3A_737 = vector.shape_cast %swap3A_736 : vector<1x1x16xf32> to vector<16xf32>
        %swap3A_738 = vector.shape_cast %add3A_731 : vector<16xf32> to vector<1x1x16xf32>
        tpu.vector_store %arg14[%swap3A_733, %swap3A_734, %swap3A_735], %swap3A_738 {strides = array<i32>} : memref<128x1x128xf32, #tpu.memory_space<vmem>>, vector<1x1x16xf32>,
        %get3A_739 = arith.constant 0 : i32
        %get3A_740 = arith.index_cast %scan3A_640 : i32 to index
        %get3A_741 = arith.index_cast %get3A_739 : i32 to index
        %get3A_742 = arith.constant 112 : index
        %get3A_743 = tpu.vector_load %arg14[%get3A_740, %get3A_741, %get3A_742] {strides = array<i32>} : memref<128x1x128xf32, #tpu.memory_space<vmem>>, vector<1x1x16xf32>,
        %get3A_744 = vector.shape_cast %get3A_743 : vector<1x1x16xf32> to vector<16xf32>
        %add3A_745 = arith.addf %get3A_744, %get3A_517 : vector<16xf32>
        %swap3A_746 = arith.constant 0 : i32
        %swap3A_747 = arith.index_cast %scan3A_640 : i32 to index
        %swap3A_748 = arith.index_cast %swap3A_746 : i32 to index
        %swap3A_749 = arith.constant 112 : index
        %swap3A_750 = tpu.vector_load %arg14[%swap3A_747, %swap3A_748, %swap3A_749] {strides = array<i32>} : memref<128x1x128xf32, #tpu.memory_space<vmem>>, vector<1x1x16xf32>,
        %swap3A_751 = vector.shape_cast %swap3A_750 : vector<1x1x16xf32> to vector<16xf32>
        %swap3A_752 = vector.shape_cast %add3A_745 : vector<16xf32> to vector<1x1x16xf32>
        tpu.vector_store %arg14[%swap3A_747, %swap3A_748, %swap3A_749], %swap3A_752 {strides = array<i32>} : memref<128x1x128xf32, #tpu.memory_space<vmem>>, vector<1x1x16xf32>,
      }
      %scan3A_522 = arith.constant 128 : i32
      %dma_start3A_523 = arith.constant 0 : i32
      %dma_start3A_524 = tpu.memref_slice %arg5[%mul3A_2, %add3A_439, %dma_start3A_523] : memref<4096x65x128xf32, #tpu.memory_space<hbm>> -> memref<128x1x128xf32, #tpu.memory_space<hbm>>
      %dma_start3A_525 = arith.constant 0 : i32
      %dma_start3A_526 = tpu.memref_slice %arg5[%mul3A_2, %add3A_439, %dma_start3A_525] : memref<4096x65x128xf32, #tpu.memory_space<hbm>> -> memref<128x1x128xf32, #tpu.memory_space<hbm>>
      tpu.enqueue_dma source(%arg14 : memref<128x1x128xf32, #tpu.memory_space<vmem>>) target(%dma_start3A_526 : memref<128x1x128xf32, #tpu.memory_space<hbm>>) target_semaphore(%arg26 : memref<!tpu.dma_semaphore, #tpu.memory_space<semaphore_mem>>)
    }
    %scan3A_51 = arith.constant 16 : i32
    %add3A_52 = arith.constant 64 : i32
    %add3A_53 = arith.constant 2 : i32
    %add3A_54 = arith.addi %add3A_52, %add3A_53 : i32
    %lt3A = arith.constant 65 : i32
    %lt3A_55 = arith.cmpi slt, %add3A_54, %lt3A : i32
    %convert_element_type3A = arith.extui %lt3A_55 : i1 to i32
    %cond3A = arith.constant 64 : i32
    %cond3A_56 = arith.constant 0 : i32
    %cond3A_57 = arith.cmpi ne, %convert_element_type3A, %cond3A_56 : i32
    scf.if %cond3A_57 {
      %add3A_168 = arith.constant 2 : i32
      %add3A_169 = arith.addi %cond3A, %add3A_168 : i32
      %mul3A_170 = arith.constant 4096 : i32
      %mul3A_171 = arith.muli %add3A_169, %mul3A_170 : i32
      %add3A_172 = arith.addi %mul3A_171, %mul3A_2 : i32
      %dma_wait3A_173 = tpu.memref_slice %arg2[%add3A_172] : memref<266240xi32, #tpu.memory_space<hbm>> -> memref<128xi32, #tpu.memory_space<hbm>>
      %dma_wait3A_174 = tpu.memref_slice %arg2[%add3A_172] : memref<266240xi32, #tpu.memory_space<hbm>> -> memref<128xi32, #tpu.memory_space<hbm>>
      tpu.wait_dma2 semaphore(%arg17 : memref<!tpu.dma_semaphore, #tpu.memory_space<semaphore_mem>>) src(%dma_wait3A_174 : memref<128xi32, #tpu.memory_space<hbm>>) dst(%arg9 : memref<128xi32, #tpu.memory_space<vmem>>)
      %ge3A = arith.constant 2 : i32
      %ge3A_175 = arith.cmpi sge, %cond3A, %ge3A : i32
      %convert_element_type3A_176 = arith.extui %ge3A_175 : i1 to i32
      %cond3A_177 = arith.constant 0 : i32
      %cond3A_178 = arith.cmpi ne, %convert_element_type3A_176, %cond3A_177 : i32
      scf.if %cond3A_178 {
        %sub3A = arith.constant 2 : i32
        %sub3A_189 = arith.subi %cond3A, %sub3A : i32
        %dma_wait3A_190 = arith.constant 0 : i32
        %dma_wait3A_191 = tpu.memref_slice %arg5[%mul3A_2, %sub3A_189, %dma_wait3A_190] : memref<4096x65x128xf32, #tpu.memory_space<hbm>> -> memref<128x1x128xf32, #tpu.memory_space<hbm>>
        %dma_wait3A_192 = arith.constant 0 : i32
        %dma_wait3A_193 = tpu.memref_slice %arg5[%mul3A_2, %sub3A_189, %dma_wait3A_192] : memref<4096x65x128xf32, #tpu.memory_space<hbm>> -> memref<128x1x128xf32, #tpu.memory_space<hbm>>
        tpu.wait_dma2 semaphore(%arg25 : memref<!tpu.dma_semaphore, #tpu.memory_space<semaphore_mem>>) src(%arg13 : memref<128x1x128xf32, #tpu.memory_space<vmem>>) dst(%dma_wait3A_193 : memref<128x1x128xf32, #tpu.memory_space<hbm>>)
      } else {
      }
      %add3A_179 = arith.constant 2 : i32
      %add3A_180 = arith.addi %cond3A, %add3A_179 : i32
      %dma_start3A_181 = arith.constant 0 : i32
      %dma_start3A_182 = arith.constant 0 : i32
      %dma_start3A_183 = arith.constant 0 : i32
      %dma_start3A_184 = tpu.memref_slice %arg13[%dma_start3A_182, %dma_start3A_181, %dma_start3A_183] : memref<128x1x128xf32, #tpu.memory_space<vmem>> -> memref<128x1x128xf32, #tpu.memory_space<vmem>>
      %dma_start3A_185 = tpu.memref_squeeze %dma_start3A_184 : memref<128x1x128xf32, #tpu.memory_space<vmem>> -> memref<128x128xf32, #tpu.memory_space<vmem>>
      %dma_start3A_186 = arith.constant 0 : i32
      %dma_start3A_187 = arith.constant 0 : i32
      %dma_start3A_188 = tpu.memref_slice %arg3[%dma_start3A_186, %dma_start3A_187] : memref<1001x128xf32, #tpu.memory_space<hbm>> -> memref<1001x128xf32, #tpu.memory_space<hbm>>
      tpu.enqueue_indirect_dma source(%dma_start3A_188 : memref<1001x128xf32, #tpu.memory_space<hbm>>) target(%dma_start3A_185 : memref<128x128xf32, #tpu.memory_space<vmem>>) offsets(%arg9 : memref<128xi32, #tpu.memory_space<vmem>>) semaphore(%arg21 : memref<!tpu.dma_semaphore, #tpu.memory_space<semaphore_mem>>)
    } else {
    }
    %add3A_58 = arith.constant 64 : i32
    %add3A_59 = arith.constant 3 : i32
    %add3A_60 = arith.addi %add3A_58, %add3A_59 : i32
    %lt3A_61 = arith.constant 65 : i32
    %lt3A_62 = arith.cmpi slt, %add3A_60, %lt3A_61 : i32
    %convert_element_type3A_63 = arith.extui %lt3A_62 : i1 to i32
    %cond3A_64 = arith.constant 64 : i32
    %cond3A_65 = arith.constant 0 : i32
    %cond3A_66 = arith.cmpi ne, %convert_element_type3A_63, %cond3A_65 : i32
    scf.if %cond3A_66 {
      %add3A_168 = arith.constant 3 : i32
      %add3A_169 = arith.addi %cond3A_64, %add3A_168 : i32
      %mul3A_170 = arith.constant 4096 : i32
      %mul3A_171 = arith.muli %add3A_169, %mul3A_170 : i32
      %add3A_172 = arith.addi %mul3A_171, %mul3A_2 : i32
      %dma_start3A_173 = tpu.memref_slice %arg2[%add3A_172] : memref<266240xi32, #tpu.memory_space<hbm>> -> memref<128xi32, #tpu.memory_space<hbm>>
      %dma_start3A_174 = tpu.memref_slice %arg2[%add3A_172] : memref<266240xi32, #tpu.memory_space<hbm>> -> memref<128xi32, #tpu.memory_space<hbm>>
      tpu.enqueue_dma source(%dma_start3A_174 : memref<128xi32, #tpu.memory_space<hbm>>) target(%arg10 : memref<128xi32, #tpu.memory_space<vmem>>) target_semaphore(%arg18 : memref<!tpu.dma_semaphore, #tpu.memory_space<semaphore_mem>>)
    } else {
    }
    %dma_wait3A_67 = arith.constant 0 : i32
    %dma_wait3A_68 = arith.constant 0 : i32
    %dma_wait3A_69 = arith.constant 0 : i32
    %dma_wait3A_70 = tpu.memref_slice %arg11[%dma_wait3A_68, %dma_wait3A_67, %dma_wait3A_69] : memref<128x1x128xf32, #tpu.memory_space<vmem>> -> memref<128x1x128xf32, #tpu.memory_space<vmem>>
    %dma_wait3A_71 = tpu.memref_squeeze %dma_wait3A_70 : memref<128x1x128xf32, #tpu.memory_space<vmem>> -> memref<128x128xf32, #tpu.memory_space<vmem>>
    %dma_wait3A_72 = arith.constant 0 : i32
    %dma_wait3A_73 = arith.constant 0 : i32
    %dma_wait3A_74 = tpu.memref_slice %arg3[%dma_wait3A_72, %dma_wait3A_73] : memref<1001x128xf32, #tpu.memory_space<hbm>> -> memref<1001x128xf32, #tpu.memory_space<hbm>>
    tpu.wait_indirect_dma semaphore(%arg19 : memref<!tpu.dma_semaphore, #tpu.memory_space<semaphore_mem>>) src(%dma_wait3A_74 : memref<1001x128xf32, #tpu.memory_space<hbm>>) dst(%dma_wait3A_71 : memref<128x128xf32, #tpu.memory_space<vmem>>)
    %mul3A_75 = arith.constant 64 : i32
    %mul3A_76 = arith.constant 128 : i32
    %mul3A_77 = arith.muli %mul3A_75, %mul3A_76 : i32
    %add3A_78 = arith.constant 0 : i32
    %add3A_79 = arith.addi %mul3A_77, %add3A_78 : i32
    %get3A = arith.index_cast %add3A_79 : i32 to index
    %get3A_80 = tpu.vector_load %arg6[%get3A] {strides = array<i32>} : memref<8320xf32, #tpu.memory_space<vmem>>, vector<16xf32>,
    %get3A_81 = vector.shape_cast %get3A_80 : vector<16xf32> to vector<16xf32>
    %mul3A_82 = arith.constant 64 : i32
    %mul3A_83 = arith.constant 128 : i32
    %mul3A_84 = arith.muli %mul3A_82, %mul3A_83 : i32
    %add3A_85 = arith.constant 16 : i32
    %add3A_86 = arith.addi %mul3A_84, %add3A_85 : i32
    %get3A_87 = arith.index_cast %add3A_86 : i32 to index
    %get3A_88 = tpu.vector_load %arg6[%get3A_87] {strides = array<i32>} : memref<8320xf32, #tpu.memory_space<vmem>>, vector<16xf32>,
    %get3A_89 = vector.shape_cast %get3A_88 : vector<16xf32> to vector<16xf32>
    %mul3A_90 = arith.constant 64 : i32
    %mul3A_91 = arith.constant 128 : i32
    %mul3A_92 = arith.muli %mul3A_90, %mul3A_91 : i32
    %add3A_93 = arith.constant 32 : i32
    %add3A_94 = arith.addi %mul3A_92, %add3A_93 : i32
    %get3A_95 = arith.index_cast %add3A_94 : i32 to index
    %get3A_96 = tpu.vector_load %arg6[%get3A_95] {strides = array<i32>} : memref<8320xf32, #tpu.memory_space<vmem>>, vector<16xf32>,
    %get3A_97 = vector.shape_cast %get3A_96 : vector<16xf32> to vector<16xf32>
    %mul3A_98 = arith.constant 64 : i32
    %mul3A_99 = arith.constant 128 : i32
    %mul3A_100 = arith.muli %mul3A_98, %mul3A_99 : i32
    %add3A_101 = arith.constant 48 : i32
    %add3A_102 = arith.addi %mul3A_100, %add3A_101 : i32
    %get3A_103 = arith.index_cast %add3A_102 : i32 to index
    %get3A_104 = tpu.vector_load %arg6[%get3A_103] {strides = array<i32>} : memref<8320xf32, #tpu.memory_space<vmem>>, vector<16xf32>,
    %get3A_105 = vector.shape_cast %get3A_104 : vector<16xf32> to vector<16xf32>
    %mul3A_106 = arith.constant 64 : i32
    %mul3A_107 = arith.constant 128 : i32
    %mul3A_108 = arith.muli %mul3A_106, %mul3A_107 : i32
    %add3A_109 = arith.constant 64 : i32
    %add3A_110 = arith.addi %mul3A_108, %add3A_109 : i32
    %get3A_111 = arith.index_cast %add3A_110 : i32 to index
    %get3A_112 = tpu.vector_load %arg6[%get3A_111] {strides = array<i32>} : memref<8320xf32, #tpu.memory_space<vmem>>, vector<16xf32>,
    %get3A_113 = vector.shape_cast %get3A_112 : vector<16xf32> to vector<16xf32>
    %mul3A_114 = arith.constant 64 : i32
    %mul3A_115 = arith.constant 128 : i32
    %mul3A_116 = arith.muli %mul3A_114, %mul3A_115 : i32
    %add3A_117 = arith.constant 80 : i32
    %add3A_118 = arith.addi %mul3A_116, %add3A_117 : i32
    %get3A_119 = arith.index_cast %add3A_118 : i32 to index
    %get3A_120 = tpu.vector_load %arg6[%get3A_119] {strides = array<i32>} : memref<8320xf32, #tpu.memory_space<vmem>>, vector<16xf32>,
    %get3A_121 = vector.shape_cast %get3A_120 : vector<16xf32> to vector<16xf32>
    %mul3A_122 = arith.constant 64 : i32
    %mul3A_123 = arith.constant 128 : i32
    %mul3A_124 = arith.muli %mul3A_122, %mul3A_123 : i32
    %add3A_125 = arith.constant 96 : i32
    %add3A_126 = arith.addi %mul3A_124, %add3A_125 : i32
    %get3A_127 = arith.index_cast %add3A_126 : i32 to index
    %get3A_128 = tpu.vector_load %arg6[%get3A_127] {strides = array<i32>} : memref<8320xf32, #tpu.memory_space<vmem>>, vector<16xf32>,
    %get3A_129 = vector.shape_cast %get3A_128 : vector<16xf32> to vector<16xf32>
    %mul3A_130 = arith.constant 64 : i32
    %mul3A_131 = arith.constant 128 : i32
    %mul3A_132 = arith.muli %mul3A_130, %mul3A_131 : i32
    %add3A_133 = arith.constant 112 : i32
    %add3A_134 = arith.addi %mul3A_132, %add3A_133 : i32
    %get3A_135 = arith.index_cast %add3A_134 : i32 to index
    %get3A_136 = tpu.vector_load %arg6[%get3A_135] {strides = array<i32>} : memref<8320xf32, #tpu.memory_space<vmem>>, vector<16xf32>,
    %get3A_137 = vector.shape_cast %get3A_136 : vector<16xf32> to vector<16xf32>
    %scan3A_138 = arith.constant 0 : i32
    %scan3A_139 = arith.constant 128 : i32
    %scan3A_140 = arith.addi %scan3A_138, %scan3A_139 : i32
    %scan3A_141 = arith.constant 2 : i32
    scf.for %scan3A_168 = %scan3A_138 to %scan3A_140 step %scan3A_141  : i32 {
      %get3A_169 = arith.constant 0 : i32
      %get3A_170 = arith.index_cast %scan3A_168 : i32 to index
      %get3A_171 = arith.index_cast %get3A_169 : i32 to index
      %get3A_172 = arith.constant 0 : index
      %get3A_173 = tpu.vector_load %arg11[%get3A_170, %get3A_171, %get3A_172] {strides = array<i32>} : memref<128x1x128xf32, #tpu.memory_space<vmem>>, vector<1x1x16xf32>,
      %get3A_174 = vector.shape_cast %get3A_173 : vector<1x1x16xf32> to vector<16xf32>
      %add3A_175 = arith.addf %get3A_174, %get3A_81 : vector<16xf32>
      %swap3A = arith.constant 0 : i32
      %swap3A_176 = arith.index_cast %scan3A_168 : i32 to index
      %swap3A_177 = arith.index_cast %swap3A : i32 to index
      %swap3A_178 = arith.constant 0 : index
      %swap3A_179 = tpu.vector_load %arg11[%swap3A_176, %swap3A_177, %swap3A_178] {strides = array<i32>} : memref<128x1x128xf32, #tpu.memory_space<vmem>>, vector<1x1x16xf32>,
      %swap3A_180 = vector.shape_cast %swap3A_179 : vector<1x1x16xf32> to vector<16xf32>
      %swap3A_181 = vector.shape_cast %add3A_175 : vector<16xf32> to vector<1x1x16xf32>
      tpu.vector_store %arg11[%swap3A_176, %swap3A_177, %swap3A_178], %swap3A_181 {strides = array<i32>} : memref<128x1x128xf32, #tpu.memory_space<vmem>>, vector<1x1x16xf32>,
      %get3A_182 = arith.constant 0 : i32
      %get3A_183 = arith.index_cast %scan3A_168 : i32 to index
      %get3A_184 = arith.index_cast %get3A_182 : i32 to index
      %get3A_185 = arith.constant 16 : index
      %get3A_186 = tpu.vector_load %arg11[%get3A_183, %get3A_184, %get3A_185] {strides = array<i32>} : memref<128x1x128xf32, #tpu.memory_space<vmem>>, vector<1x1x16xf32>,
      %get3A_187 = vector.shape_cast %get3A_186 : vector<1x1x16xf32> to vector<16xf32>
      %add3A_188 = arith.addf %get3A_187, %get3A_89 : vector<16xf32>
      %swap3A_189 = arith.constant 0 : i32
      %swap3A_190 = arith.index_cast %scan3A_168 : i32 to index
      %swap3A_191 = arith.index_cast %swap3A_189 : i32 to index
      %swap3A_192 = arith.constant 16 : index
      %swap3A_193 = tpu.vector_load %arg11[%swap3A_190, %swap3A_191, %swap3A_192] {strides = array<i32>} : memref<128x1x128xf32, #tpu.memory_space<vmem>>, vector<1x1x16xf32>,
      %swap3A_194 = vector.shape_cast %swap3A_193 : vector<1x1x16xf32> to vector<16xf32>
      %swap3A_195 = vector.shape_cast %add3A_188 : vector<16xf32> to vector<1x1x16xf32>
      tpu.vector_store %arg11[%swap3A_190, %swap3A_191, %swap3A_192], %swap3A_195 {strides = array<i32>} : memref<128x1x128xf32, #tpu.memory_space<vmem>>, vector<1x1x16xf32>,
      %get3A_196 = arith.constant 0 : i32
      %get3A_197 = arith.index_cast %scan3A_168 : i32 to index
      %get3A_198 = arith.index_cast %get3A_196 : i32 to index
      %get3A_199 = arith.constant 32 : index
      %get3A_200 = tpu.vector_load %arg11[%get3A_197, %get3A_198, %get3A_199] {strides = array<i32>} : memref<128x1x128xf32, #tpu.memory_space<vmem>>, vector<1x1x16xf32>,
      %get3A_201 = vector.shape_cast %get3A_200 : vector<1x1x16xf32> to vector<16xf32>
      %add3A_202 = arith.addf %get3A_201, %get3A_97 : vector<16xf32>
      %swap3A_203 = arith.constant 0 : i32
      %swap3A_204 = arith.index_cast %scan3A_168 : i32 to index
      %swap3A_205 = arith.index_cast %swap3A_203 : i32 to index
      %swap3A_206 = arith.constant 32 : index
      %swap3A_207 = tpu.vector_load %arg11[%swap3A_204, %swap3A_205, %swap3A_206] {strides = array<i32>} : memref<128x1x128xf32, #tpu.memory_space<vmem>>, vector<1x1x16xf32>,
      %swap3A_208 = vector.shape_cast %swap3A_207 : vector<1x1x16xf32> to vector<16xf32>
      %swap3A_209 = vector.shape_cast %add3A_202 : vector<16xf32> to vector<1x1x16xf32>
      tpu.vector_store %arg11[%swap3A_204, %swap3A_205, %swap3A_206], %swap3A_209 {strides = array<i32>} : memref<128x1x128xf32, #tpu.memory_space<vmem>>, vector<1x1x16xf32>,
      %get3A_210 = arith.constant 0 : i32
      %get3A_211 = arith.index_cast %scan3A_168 : i32 to index
      %get3A_212 = arith.index_cast %get3A_210 : i32 to index
      %get3A_213 = arith.constant 48 : index
      %get3A_214 = tpu.vector_load %arg11[%get3A_211, %get3A_212, %get3A_213] {strides = array<i32>} : memref<128x1x128xf32, #tpu.memory_space<vmem>>, vector<1x1x16xf32>,
      %get3A_215 = vector.shape_cast %get3A_214 : vector<1x1x16xf32> to vector<16xf32>
      %add3A_216 = arith.addf %get3A_215, %get3A_105 : vector<16xf32>
      %swap3A_217 = arith.constant 0 : i32
      %swap3A_218 = arith.index_cast %scan3A_168 : i32 to index
      %swap3A_219 = arith.index_cast %swap3A_217 : i32 to index
      %swap3A_220 = arith.constant 48 : index
      %swap3A_221 = tpu.vector_load %arg11[%swap3A_218, %swap3A_219, %swap3A_220] {strides = array<i32>} : memref<128x1x128xf32, #tpu.memory_space<vmem>>, vector<1x1x16xf32>,
      %swap3A_222 = vector.shape_cast %swap3A_221 : vector<1x1x16xf32> to vector<16xf32>
      %swap3A_223 = vector.shape_cast %add3A_216 : vector<16xf32> to vector<1x1x16xf32>
      tpu.vector_store %arg11[%swap3A_218, %swap3A_219, %swap3A_220], %swap3A_223 {strides = array<i32>} : memref<128x1x128xf32, #tpu.memory_space<vmem>>, vector<1x1x16xf32>,
      %get3A_224 = arith.constant 0 : i32
      %get3A_225 = arith.index_cast %scan3A_168 : i32 to index
      %get3A_226 = arith.index_cast %get3A_224 : i32 to index
      %get3A_227 = arith.constant 64 : index
      %get3A_228 = tpu.vector_load %arg11[%get3A_225, %get3A_226, %get3A_227] {strides = array<i32>} : memref<128x1x128xf32, #tpu.memory_space<vmem>>, vector<1x1x16xf32>,
      %get3A_229 = vector.shape_cast %get3A_228 : vector<1x1x16xf32> to vector<16xf32>
      %add3A_230 = arith.addf %get3A_229, %get3A_113 : vector<16xf32>
      %swap3A_231 = arith.constant 0 : i32
      %swap3A_232 = arith.index_cast %scan3A_168 : i32 to index
      %swap3A_233 = arith.index_cast %swap3A_231 : i32 to index
      %swap3A_234 = arith.constant 64 : index
      %swap3A_235 = tpu.vector_load %arg11[%swap3A_232, %swap3A_233, %swap3A_234] {strides = array<i32>} : memref<128x1x128xf32, #tpu.memory_space<vmem>>, vector<1x1x16xf32>,
      %swap3A_236 = vector.shape_cast %swap3A_235 : vector<1x1x16xf32> to vector<16xf32>
      %swap3A_237 = vector.shape_cast %add3A_230 : vector<16xf32> to vector<1x1x16xf32>
      tpu.vector_store %arg11[%swap3A_232, %swap3A_233, %swap3A_234], %swap3A_237 {strides = array<i32>} : memref<128x1x128xf32, #tpu.memory_space<vmem>>, vector<1x1x16xf32>,
      %get3A_238 = arith.constant 0 : i32
      %get3A_239 = arith.index_cast %scan3A_168 : i32 to index
      %get3A_240 = arith.index_cast %get3A_238 : i32 to index
      %get3A_241 = arith.constant 80 : index
      %get3A_242 = tpu.vector_load %arg11[%get3A_239, %get3A_240, %get3A_241] {strides = array<i32>} : memref<128x1x128xf32, #tpu.memory_space<vmem>>, vector<1x1x16xf32>,
      %get3A_243 = vector.shape_cast %get3A_242 : vector<1x1x16xf32> to vector<16xf32>
      %add3A_244 = arith.addf %get3A_243, %get3A_121 : vector<16xf32>
      %swap3A_245 = arith.constant 0 : i32
      %swap3A_246 = arith.index_cast %scan3A_168 : i32 to index
      %swap3A_247 = arith.index_cast %swap3A_245 : i32 to index
      %swap3A_248 = arith.constant 80 : index
      %swap3A_249 = tpu.vector_load %arg11[%swap3A_246, %swap3A_247, %swap3A_248] {strides = array<i32>} : memref<128x1x128xf32, #tpu.memory_space<vmem>>, vector<1x1x16xf32>,
      %swap3A_250 = vector.shape_cast %swap3A_249 : vector<1x1x16xf32> to vector<16xf32>
      %swap3A_251 = vector.shape_cast %add3A_244 : vector<16xf32> to vector<1x1x16xf32>
      tpu.vector_store %arg11[%swap3A_246, %swap3A_247, %swap3A_248], %swap3A_251 {strides = array<i32>} : memref<128x1x128xf32, #tpu.memory_space<vmem>>, vector<1x1x16xf32>,
      %get3A_252 = arith.constant 0 : i32
      %get3A_253 = arith.index_cast %scan3A_168 : i32 to index
      %get3A_254 = arith.index_cast %get3A_252 : i32 to index
      %get3A_255 = arith.constant 96 : index
      %get3A_256 = tpu.vector_load %arg11[%get3A_253, %get3A_254, %get3A_255] {strides = array<i32>} : memref<128x1x128xf32, #tpu.memory_space<vmem>>, vector<1x1x16xf32>,
      %get3A_257 = vector.shape_cast %get3A_256 : vector<1x1x16xf32> to vector<16xf32>
      %add3A_258 = arith.addf %get3A_257, %get3A_129 : vector<16xf32>
      %swap3A_259 = arith.constant 0 : i32
      %swap3A_260 = arith.index_cast %scan3A_168 : i32 to index
      %swap3A_261 = arith.index_cast %swap3A_259 : i32 to index
      %swap3A_262 = arith.constant 96 : index
      %swap3A_263 = tpu.vector_load %arg11[%swap3A_260, %swap3A_261, %swap3A_262] {strides = array<i32>} : memref<128x1x128xf32, #tpu.memory_space<vmem>>, vector<1x1x16xf32>,
      %swap3A_264 = vector.shape_cast %swap3A_263 : vector<1x1x16xf32> to vector<16xf32>
      %swap3A_265 = vector.shape_cast %add3A_258 : vector<16xf32> to vector<1x1x16xf32>
      tpu.vector_store %arg11[%swap3A_260, %swap3A_261, %swap3A_262], %swap3A_265 {strides = array<i32>} : memref<128x1x128xf32, #tpu.memory_space<vmem>>, vector<1x1x16xf32>,
      %get3A_266 = arith.constant 0 : i32
      %get3A_267 = arith.index_cast %scan3A_168 : i32 to index
      %get3A_268 = arith.index_cast %get3A_266 : i32 to index
      %get3A_269 = arith.constant 112 : index
      %get3A_270 = tpu.vector_load %arg11[%get3A_267, %get3A_268, %get3A_269] {strides = array<i32>} : memref<128x1x128xf32, #tpu.memory_space<vmem>>, vector<1x1x16xf32>,
      %get3A_271 = vector.shape_cast %get3A_270 : vector<1x1x16xf32> to vector<16xf32>
      %add3A_272 = arith.addf %get3A_271, %get3A_137 : vector<16xf32>
      %swap3A_273 = arith.constant 0 : i32
      %swap3A_274 = arith.index_cast %scan3A_168 : i32 to index
      %swap3A_275 = arith.index_cast %swap3A_273 : i32 to index
      %swap3A_276 = arith.constant 112 : index
      %swap3A_277 = tpu.vector_load %arg11[%swap3A_274, %swap3A_275, %swap3A_276] {strides = array<i32>} : memref<128x1x128xf32, #tpu.memory_space<vmem>>, vector<1x1x16xf32>,
      %swap3A_278 = vector.shape_cast %swap3A_277 : vector<1x1x16xf32> to vector<16xf32>
      %swap3A_279 = vector.shape_cast %add3A_272 : vector<16xf32> to vector<1x1x16xf32>
      tpu.vector_store %arg11[%swap3A_274, %swap3A_275, %swap3A_276], %swap3A_279 {strides = array<i32>} : memref<128x1x128xf32, #tpu.memory_space<vmem>>, vector<1x1x16xf32>,
      %scan3A_280 = arith.constant 1 : i32
      %scan3A_281 = arith.addi %scan3A_168, %scan3A_280 : i32
      %get3A_282 = arith.constant 0 : i32
      %get3A_283 = arith.index_cast %scan3A_281 : i32 to index
      %get3A_284 = arith.index_cast %get3A_282 : i32 to index
      %get3A_285 = arith.constant 0 : index
      %get3A_286 = tpu.vector_load %arg11[%get3A_283, %get3A_284, %get3A_285] {strides = array<i32>} : memref<128x1x128xf32, #tpu.memory_space<vmem>>, vector<1x1x16xf32>,
      %get3A_287 = vector.shape_cast %get3A_286 : vector<1x1x16xf32> to vector<16xf32>
      %add3A_288 = arith.addf %get3A_287, %get3A_81 : vector<16xf32>
      %swap3A_289 = arith.constant 0 : i32
      %swap3A_290 = arith.index_cast %scan3A_281 : i32 to index
      %swap3A_291 = arith.index_cast %swap3A_289 : i32 to index
      %swap3A_292 = arith.constant 0 : index
      %swap3A_293 = tpu.vector_load %arg11[%swap3A_290, %swap3A_291, %swap3A_292] {strides = array<i32>} : memref<128x1x128xf32, #tpu.memory_space<vmem>>, vector<1x1x16xf32>,
      %swap3A_294 = vector.shape_cast %swap3A_293 : vector<1x1x16xf32> to vector<16xf32>
      %swap3A_295 = vector.shape_cast %add3A_288 : vector<16xf32> to vector<1x1x16xf32>
      tpu.vector_store %arg11[%swap3A_290, %swap3A_291, %swap3A_292], %swap3A_295 {strides = array<i32>} : memref<128x1x128xf32, #tpu.memory_space<vmem>>, vector<1x1x16xf32>,
      %get3A_296 = arith.constant 0 : i32
      %get3A_297 = arith.index_cast %scan3A_281 : i32 to index
      %get3A_298 = arith.index_cast %get3A_296 : i32 to index
      %get3A_299 = arith.constant 16 : index
      %get3A_300 = tpu.vector_load %arg11[%get3A_297, %get3A_298, %get3A_299] {strides = array<i32>} : memref<128x1x128xf32, #tpu.memory_space<vmem>>, vector<1x1x16xf32>,
      %get3A_301 = vector.shape_cast %get3A_300 : vector<1x1x16xf32> to vector<16xf32>
      %add3A_302 = arith.addf %get3A_301, %get3A_89 : vector<16xf32>
      %swap3A_303 = arith.constant 0 : i32
      %swap3A_304 = arith.index_cast %scan3A_281 : i32 to index
      %swap3A_305 = arith.index_cast %swap3A_303 : i32 to index
      %swap3A_306 = arith.constant 16 : index
      %swap3A_307 = tpu.vector_load %arg11[%swap3A_304, %swap3A_305, %swap3A_306] {strides = array<i32>} : memref<128x1x128xf32, #tpu.memory_space<vmem>>, vector<1x1x16xf32>,
      %swap3A_308 = vector.shape_cast %swap3A_307 : vector<1x1x16xf32> to vector<16xf32>
      %swap3A_309 = vector.shape_cast %add3A_302 : vector<16xf32> to vector<1x1x16xf32>
      tpu.vector_store %arg11[%swap3A_304, %swap3A_305, %swap3A_306], %swap3A_309 {strides = array<i32>} : memref<128x1x128xf32, #tpu.memory_space<vmem>>, vector<1x1x16xf32>,
      %get3A_310 = arith.constant 0 : i32
      %get3A_311 = arith.index_cast %scan3A_281 : i32 to index
      %get3A_312 = arith.index_cast %get3A_310 : i32 to index
      %get3A_313 = arith.constant 32 : index
      %get3A_314 = tpu.vector_load %arg11[%get3A_311, %get3A_312, %get3A_313] {strides = array<i32>} : memref<128x1x128xf32, #tpu.memory_space<vmem>>, vector<1x1x16xf32>,
      %get3A_315 = vector.shape_cast %get3A_314 : vector<1x1x16xf32> to vector<16xf32>
      %add3A_316 = arith.addf %get3A_315, %get3A_97 : vector<16xf32>
      %swap3A_317 = arith.constant 0 : i32
      %swap3A_318 = arith.index_cast %scan3A_281 : i32 to index
      %swap3A_319 = arith.index_cast %swap3A_317 : i32 to index
      %swap3A_320 = arith.constant 32 : index
      %swap3A_321 = tpu.vector_load %arg11[%swap3A_318, %swap3A_319, %swap3A_320] {strides = array<i32>} : memref<128x1x128xf32, #tpu.memory_space<vmem>>, vector<1x1x16xf32>,
      %swap3A_322 = vector.shape_cast %swap3A_321 : vector<1x1x16xf32> to vector<16xf32>
      %swap3A_323 = vector.shape_cast %add3A_316 : vector<16xf32> to vector<1x1x16xf32>
      tpu.vector_store %arg11[%swap3A_318, %swap3A_319, %swap3A_320], %swap3A_323 {strides = array<i32>} : memref<128x1x128xf32, #tpu.memory_space<vmem>>, vector<1x1x16xf32>,
      %get3A_324 = arith.constant 0 : i32
      %get3A_325 = arith.index_cast %scan3A_281 : i32 to index
      %get3A_326 = arith.index_cast %get3A_324 : i32 to index
      %get3A_327 = arith.constant 48 : index
      %get3A_328 = tpu.vector_load %arg11[%get3A_325, %get3A_326, %get3A_327] {strides = array<i32>} : memref<128x1x128xf32, #tpu.memory_space<vmem>>, vector<1x1x16xf32>,
      %get3A_329 = vector.shape_cast %get3A_328 : vector<1x1x16xf32> to vector<16xf32>
      %add3A_330 = arith.addf %get3A_329, %get3A_105 : vector<16xf32>
      %swap3A_331 = arith.constant 0 : i32
      %swap3A_332 = arith.index_cast %scan3A_281 : i32 to index
      %swap3A_333 = arith.index_cast %swap3A_331 : i32 to index
      %swap3A_334 = arith.constant 48 : index
      %swap3A_335 = tpu.vector_load %arg11[%swap3A_332, %swap3A_333, %swap3A_334] {strides = array<i32>} : memref<128x1x128xf32, #tpu.memory_space<vmem>>, vector<1x1x16xf32>,
      %swap3A_336 = vector.shape_cast %swap3A_335 : vector<1x1x16xf32> to vector<16xf32>
      %swap3A_337 = vector.shape_cast %add3A_330 : vector<16xf32> to vector<1x1x16xf32>
      tpu.vector_store %arg11[%swap3A_332, %swap3A_333, %swap3A_334], %swap3A_337 {strides = array<i32>} : memref<128x1x128xf32, #tpu.memory_space<vmem>>, vector<1x1x16xf32>,
      %get3A_338 = arith.constant 0 : i32
      %get3A_339 = arith.index_cast %scan3A_281 : i32 to index
      %get3A_340 = arith.index_cast %get3A_338 : i32 to index
      %get3A_341 = arith.constant 64 : index
      %get3A_342 = tpu.vector_load %arg11[%get3A_339, %get3A_340, %get3A_341] {strides = array<i32>} : memref<128x1x128xf32, #tpu.memory_space<vmem>>, vector<1x1x16xf32>,
      %get3A_343 = vector.shape_cast %get3A_342 : vector<1x1x16xf32> to vector<16xf32>
      %add3A_344 = arith.addf %get3A_343, %get3A_113 : vector<16xf32>
      %swap3A_345 = arith.constant 0 : i32
      %swap3A_346 = arith.index_cast %scan3A_281 : i32 to index
      %swap3A_347 = arith.index_cast %swap3A_345 : i32 to index
      %swap3A_348 = arith.constant 64 : index
      %swap3A_349 = tpu.vector_load %arg11[%swap3A_346, %swap3A_347, %swap3A_348] {strides = array<i32>} : memref<128x1x128xf32, #tpu.memory_space<vmem>>, vector<1x1x16xf32>,
      %swap3A_350 = vector.shape_cast %swap3A_349 : vector<1x1x16xf32> to vector<16xf32>
      %swap3A_351 = vector.shape_cast %add3A_344 : vector<16xf32> to vector<1x1x16xf32>
      tpu.vector_store %arg11[%swap3A_346, %swap3A_347, %swap3A_348], %swap3A_351 {strides = array<i32>} : memref<128x1x128xf32, #tpu.memory_space<vmem>>, vector<1x1x16xf32>,
      %get3A_352 = arith.constant 0 : i32
      %get3A_353 = arith.index_cast %scan3A_281 : i32 to index
      %get3A_354 = arith.index_cast %get3A_352 : i32 to index
      %get3A_355 = arith.constant 80 : index
      %get3A_356 = tpu.vector_load %arg11[%get3A_353, %get3A_354, %get3A_355] {strides = array<i32>} : memref<128x1x128xf32, #tpu.memory_space<vmem>>, vector<1x1x16xf32>,
      %get3A_357 = vector.shape_cast %get3A_356 : vector<1x1x16xf32> to vector<16xf32>
      %add3A_358 = arith.addf %get3A_357, %get3A_121 : vector<16xf32>
      %swap3A_359 = arith.constant 0 : i32
      %swap3A_360 = arith.index_cast %scan3A_281 : i32 to index
      %swap3A_361 = arith.index_cast %swap3A_359 : i32 to index
      %swap3A_362 = arith.constant 80 : index
      %swap3A_363 = tpu.vector_load %arg11[%swap3A_360, %swap3A_361, %swap3A_362] {strides = array<i32>} : memref<128x1x128xf32, #tpu.memory_space<vmem>>, vector<1x1x16xf32>,
      %swap3A_364 = vector.shape_cast %swap3A_363 : vector<1x1x16xf32> to vector<16xf32>
      %swap3A_365 = vector.shape_cast %add3A_358 : vector<16xf32> to vector<1x1x16xf32>
      tpu.vector_store %arg11[%swap3A_360, %swap3A_361, %swap3A_362], %swap3A_365 {strides = array<i32>} : memref<128x1x128xf32, #tpu.memory_space<vmem>>, vector<1x1x16xf32>,
      %get3A_366 = arith.constant 0 : i32
      %get3A_367 = arith.index_cast %scan3A_281 : i32 to index
      %get3A_368 = arith.index_cast %get3A_366 : i32 to index
      %get3A_369 = arith.constant 96 : index
      %get3A_370 = tpu.vector_load %arg11[%get3A_367, %get3A_368, %get3A_369] {strides = array<i32>} : memref<128x1x128xf32, #tpu.memory_space<vmem>>, vector<1x1x16xf32>,
      %get3A_371 = vector.shape_cast %get3A_370 : vector<1x1x16xf32> to vector<16xf32>
      %add3A_372 = arith.addf %get3A_371, %get3A_129 : vector<16xf32>
      %swap3A_373 = arith.constant 0 : i32
      %swap3A_374 = arith.index_cast %scan3A_281 : i32 to index
      %swap3A_375 = arith.index_cast %swap3A_373 : i32 to index
      %swap3A_376 = arith.constant 96 : index
      %swap3A_377 = tpu.vector_load %arg11[%swap3A_374, %swap3A_375, %swap3A_376] {strides = array<i32>} : memref<128x1x128xf32, #tpu.memory_space<vmem>>, vector<1x1x16xf32>,
      %swap3A_378 = vector.shape_cast %swap3A_377 : vector<1x1x16xf32> to vector<16xf32>
      %swap3A_379 = vector.shape_cast %add3A_372 : vector<16xf32> to vector<1x1x16xf32>
      tpu.vector_store %arg11[%swap3A_374, %swap3A_375, %swap3A_376], %swap3A_379 {strides = array<i32>} : memref<128x1x128xf32, #tpu.memory_space<vmem>>, vector<1x1x16xf32>,
      %get3A_380 = arith.constant 0 : i32
      %get3A_381 = arith.index_cast %scan3A_281 : i32 to index
      %get3A_382 = arith.index_cast %get3A_380 : i32 to index
      %get3A_383 = arith.constant 112 : index
      %get3A_384 = tpu.vector_load %arg11[%get3A_381, %get3A_382, %get3A_383] {strides = array<i32>} : memref<128x1x128xf32, #tpu.memory_space<vmem>>, vector<1x1x16xf32>,
      %get3A_385 = vector.shape_cast %get3A_384 : vector<1x1x16xf32> to vector<16xf32>
      %add3A_386 = arith.addf %get3A_385, %get3A_137 : vector<16xf32>
      %swap3A_387 = arith.constant 0 : i32
      %swap3A_388 = arith.index_cast %scan3A_281 : i32 to index
      %swap3A_389 = arith.index_cast %swap3A_387 : i32 to index
      %swap3A_390 = arith.constant 112 : index
      %swap3A_391 = tpu.vector_load %arg11[%swap3A_388, %swap3A_389, %swap3A_390] {strides = array<i32>} : memref<128x1x128xf32, #tpu.memory_space<vmem>>, vector<1x1x16xf32>,
      %swap3A_392 = vector.shape_cast %swap3A_391 : vector<1x1x16xf32> to vector<16xf32>
      %swap3A_393 = vector.shape_cast %add3A_386 : vector<16xf32> to vector<1x1x16xf32>
      tpu.vector_store %arg11[%swap3A_388, %swap3A_389, %swap3A_390], %swap3A_393 {strides = array<i32>} : memref<128x1x128xf32, #tpu.memory_space<vmem>>, vector<1x1x16xf32>,
    }
    %scan3A_142 = arith.constant 128 : i32
    %dma_start3A_143 = arith.constant 64 : i32
    %dma_start3A_144 = arith.constant 0 : i32
    %dma_start3A_145 = tpu.memref_slice %arg5[%mul3A_2, %dma_start3A_143, %dma_start3A_144] : memref<4096x65x128xf32, #tpu.memory_space<hbm>> -> memref<128x1x128xf32, #tpu.memory_space<hbm>>
    %dma_start3A_146 = arith.constant 0 : i32
    %dma_start3A_147 = tpu.memref_slice %arg5[%mul3A_2, %dma_start3A_143, %dma_start3A_146] : memref<4096x65x128xf32, #tpu.memory_space<hbm>> -> memref<128x1x128xf32, #tpu.memory_space<hbm>>
    tpu.enqueue_dma source(%arg11 : memref<128x1x128xf32, #tpu.memory_space<vmem>>) target(%dma_start3A_147 : memref<128x1x128xf32, #tpu.memory_space<hbm>>) target_semaphore(%arg23 : memref<!tpu.dma_semaphore, #tpu.memory_space<semaphore_mem>>)
    %dma_wait3A_148 = arith.constant 61 : i32
    %dma_wait3A_149 = arith.constant 0 : i32
    %dma_wait3A_150 = tpu.memref_slice %arg5[%mul3A_2, %dma_wait3A_148, %dma_wait3A_149] : memref<4096x65x128xf32, #tpu.memory_space<hbm>> -> memref<128x1x128xf32, #tpu.memory_space<hbm>>
    %dma_wait3A_151 = arith.constant 0 : i32
    %dma_wait3A_152 = tpu.memref_slice %arg5[%mul3A_2, %dma_wait3A_148, %dma_wait3A_151] : memref<4096x65x128xf32, #tpu.memory_space<hbm>> -> memref<128x1x128xf32, #tpu.memory_space<hbm>>
    tpu.wait_dma2 semaphore(%arg24 : memref<!tpu.dma_semaphore, #tpu.memory_space<semaphore_mem>>) src(%arg12 : memref<128x1x128xf32, #tpu.memory_space<vmem>>) dst(%dma_wait3A_152 : memref<128x1x128xf32, #tpu.memory_space<hbm>>)
    %dma_wait3A_153 = arith.constant 62 : i32
    %dma_wait3A_154 = arith.constant 0 : i32
    %dma_wait3A_155 = tpu.memref_slice %arg5[%mul3A_2, %dma_wait3A_153, %dma_wait3A_154] : memref<4096x65x128xf32, #tpu.memory_space<hbm>> -> memref<128x1x128xf32, #tpu.memory_space<hbm>>
    %dma_wait3A_156 = arith.constant 0 : i32
    %dma_wait3A_157 = tpu.memref_slice %arg5[%mul3A_2, %dma_wait3A_153, %dma_wait3A_156] : memref<4096x65x128xf32, #tpu.memory_space<hbm>> -> memref<128x1x128xf32, #tpu.memory_space<hbm>>
    tpu.wait_dma2 semaphore(%arg25 : memref<!tpu.dma_semaphore, #tpu.memory_space<semaphore_mem>>) src(%arg13 : memref<128x1x128xf32, #tpu.memory_space<vmem>>) dst(%dma_wait3A_157 : memref<128x1x128xf32, #tpu.memory_space<hbm>>)
    %dma_wait3A_158 = arith.constant 63 : i32
    %dma_wait3A_159 = arith.constant 0 : i32
    %dma_wait3A_160 = tpu.memref_slice %arg5[%mul3A_2, %dma_wait3A_158, %dma_wait3A_159] : memref<4096x65x128xf32, #tpu.memory_space<hbm>> -> memref<128x1x128xf32, #tpu.memory_space<hbm>>
    %dma_wait3A_161 = arith.constant 0 : i32
    %dma_wait3A_162 = tpu.memref_slice %arg5[%mul3A_2, %dma_wait3A_158, %dma_wait3A_161] : memref<4096x65x128xf32, #tpu.memory_space<hbm>> -> memref<128x1x128xf32, #tpu.memory_space<hbm>>
    tpu.wait_dma2 semaphore(%arg26 : memref<!tpu.dma_semaphore, #tpu.memory_space<semaphore_mem>>) src(%arg14 : memref<128x1x128xf32, #tpu.memory_space<vmem>>) dst(%dma_wait3A_162 : memref<128x1x128xf32, #tpu.memory_space<hbm>>)
    %dma_wait3A_163 = arith.constant 64 : i32
    %dma_wait3A_164 = arith.constant 0 : i32
    %dma_wait3A_165 = tpu.memref_slice %arg5[%mul3A_2, %dma_wait3A_163, %dma_wait3A_164] : memref<4096x65x128xf32, #tpu.memory_space<hbm>> -> memref<128x1x128xf32, #tpu.memory_space<hbm>>
    %dma_wait3A_166 = arith.constant 0 : i32
    %dma_wait3A_167 = tpu.memref_slice %arg5[%mul3A_2, %dma_wait3A_163, %dma_wait3A_166] : memref<4096x65x128xf32, #tpu.memory_space<hbm>> -> memref<128x1x128xf32, #tpu.memory_space<hbm>>
    tpu.wait_dma2 semaphore(%arg23 : memref<!tpu.dma_semaphore, #tpu.memory_space<semaphore_mem>>) src(%arg11 : memref<128x1x128xf32, #tpu.memory_space<vmem>>) dst(%dma_wait3A_167 : memref<128x1x128xf32, #tpu.memory_space<hbm>>)
    return
  }
}

</mosaic_0001>

<sc_bundles>
// kernel: kernel.3.cloned.1.call-start
scs
__scs_entry_jumppad:
0x0: {  	(pc) =	sbr.rel $0x88, $3  }
0x1: {  	(tag) =	ssettag $0x0;
	lr =	simm.s32 $0x1  }
0x2: {  	[smem:$0x3F9D] =	sst lr;
	_ =	strace $0xD0000000  }
0x3: {  	_ = 	snop  }
0x4: {  	_ = 	snop  }
0x5: {  	_ = 	snop  }
0x6: {  	_ = 	snop  }
0x7: {  	_ = 	snop  }
__scs_overlays_trampoline_lowered:
0x8: {  	[smem:$0x3FAC] =	sst s0  }
0x9: {  	[smem:$0x3FAD] =	sst s1  }
0xa: {  	[smem:$0x3FAE] =	sst s2  }
0xb: {  	[smem:$0x3FAF] =	sst s3  }
0xc: {  	[smem:$0x3FB0] =	sst s4  }
0xd: {  	[smem:$0x3FB1] =	sst s5  }
0xe: {  	[smem:$0x3FB2] =	sst s6  }
0xf: {  	[smem:$0x3FB3] =	sst s7  }
0x10: {  	[smem:$0x3FB4] =	sst s8  }
0x11: {  	[smem:$0x3FB5] =	sst s9;
	s0 =	simm.s32 @!p0 $0x0  }
0x12: {  	s1 =	sld [smem:$0x3F9B];
	s0 =	simm.s32 @p0 $0x1  }
0x13: {  	[smem:$0x3FB6] =	sst s0;
	s0 =	simm.s32 @!p1 $0x0  }
0x14: {  	s2 =	sld [smem:$0x3F9A];
	s0 =	simm.s32 @p1 $0x1  }
0x15: {  	[smem:$0x3FB7] =	sst s0;
	s0 =	simm.s32 @!p2 $0x0  }
0x16: {  	s3 =	sld [smem:$0x3FDB];
	s0 =	simm.s32 @p2 $0x1  }
0x17: {  	s4 =	simm.s32 $0x1BF5;
	[smem:$0x3FB9] =	sst s0  }
0x18: {  	s0 =	sld [smem:$0x3F9C];
	_ =	swait.ge [sflag:s4], $0x0  }
0x19: {  	s7 =	sld [smem:$0x3F9D]  }
0x1a: {  	s8 =	sadd.s32 $0xFFFFE003, lr  }
0x1b: {  	s9 =	sadd.s32 $0xFFFFFEF7, lr;
	s5 =	simm.s32 $0xFFFFFFFF;
	p2 =	slt.u32 s8, $0xFFFFF086  }
0x1c: {  	p1 =	slt.u32 s9, $0xF7A;
	s5 =	simm.s32 @!p2 $0x0  }
0x1d: {  	s5 =	simm.s32 @p1 $0x1;
	p0 =	seq.s32 s7, s2  }
0x1e: {  	s7 =	smul.u32 @!p0 $0xF7A, s2;
	p2 =	seq.s32 @!p0 s5, $0x0  }
0x1f: {  	s9 =	smul.u32 $0xF7A, s1;
	s8 =	simm.s32 @!p0 $0x1BF5;
	p2 =	por !p2, p0  }
0x20: {  	[sflag:s8] =	ssyncset.s32 @!p0 $0xFFFFF086;
	s6 =	sadd.s32 @!p0 s3, s7;
	s7 =	simm.s32 @!p0 $0x108  }
0x21: {  	s3 =	sadd.s32 s3, s9;
	s6 =	sadd.s32 @!p0 $0x88, s6;
	s7 =	simm.s32 @p2 $0x1082  }
0x22: {  	[simem:s7], [sflag:s8] =	dma.local @!p0 [hbm:s6], $0xF7A  }
0x23: {  	s9 =	sor.u32 $0xD0000000, s2;
	s6 =	simm.s32 $0x108;
	_ =	swait.ge @!p0 [sflag:s8], $0x0  }
0x24: {  	s3 =	sadd.s32 $0x88, s3;
	s6 =	simm.s32 @!p1 $0x1082;
	[sflag:s4] =	ssyncset.s32 $0xFFFFF086  }
0x25: {  	[simem:s6], [sflag:s4] =	dma.local [hbm:s3], $0xF7A  }
0x26: {  	[smem:$0x3F9D] =	sst s1;
	(tag) =	ssettag s2;
	_ =	strace s9  }
0x27: {  	s1 =	sld [smem:$0x3FAD]  }
0x28: {  	s2 =	sld [smem:$0x3FAE]  }
0x29: {  	s4 =	sld [smem:$0x3FB0]  }
0x2a: {  	p0 =	seq.s32 s5, $0x0;
	s5 =	sld [smem:$0x3FB1]  }
0x2b: {  	s6 =	sld [smem:$0x3FB2]  }
0x2c: {  	s7 =	sld [smem:$0x3FB3]  }
0x2d: {  	s3 =	simm.s32 $0x108;
	s8 =	sld [smem:$0x3FB4]  }
0x2e: {  	s3 =	simm.s32 @!p0 $0x1082;
	s9 =	sld [smem:$0x3FB5]  }
0x2f: {  	lr =	sadd.s32 s0, s3;
	s0 =	sld [smem:$0x3FAC]  }
0x30: {  	s3 =	sld [smem:$0x3FAF]  }
0x31: {  	[smem:$0x3FB8] =	sst s10  }
0x32: {  	s10 =	sld [smem:$0x3FB6];
	_ =	sdelay $0x3  }
0x33: {  	p0 =	seq.s32 s10, $0x1;
	s10 =	sld [smem:$0x3FB8];
	_ =	sdelay $0x3  }
0x34: {  	[smem:$0x3FB8] =	sst s10  }
0x35: {  	s10 =	sld [smem:$0x3FB7];
	_ =	sdelay $0x3  }
0x36: {  	p1 =	seq.s32 s10, $0x1;
	s10 =	sld [smem:$0x3FB8];
	_ =	sdelay $0x3  }
0x37: {  	[smem:$0x3FB8] =	sst s10  }
0x38: {  	s10 =	sld [smem:$0x3FB9]  }
0x39: {  	_ = 	snop;
	(pc) =	sbr.ind lr, $3  }
0x3a: {  	_ = 	snop  }
0x3b: {  	_ = 	snop  }
0x3c: {  	p2 =	seq.s32 s10, $0x1;
	s10 =	sld [smem:$0x3FB8]  }
0x3d: {  	_ =	shalt  }
0x3e: {  	_ =	shalt  }
0x3f: {  	_ =	shalt  }
0x40: {  	_ =	shalt  }
0x41: {  	_ =	shalt  }
0x42: {  	_ =	shalt  }
0x43: {  	_ =	shalt  }
0x44: {  	_ =	shalt  }
0x45: {  	_ =	shalt  }
0x46: {  	_ =	shalt  }
0x47: {  	_ =	shalt  }
0x48: {  	_ =	shalt  }
0x49: {  	_ =	shalt  }
0x4a: {  	_ =	shalt  }
0x4b: {  	_ =	shalt  }
0x4c: {  	_ =	shalt  }
0x4d: {  	_ =	shalt  }
0x4e: {  	_ =	shalt  }
0x4f: {  	_ =	shalt  }
0x50: {  	_ =	shalt  }
0x51: {  	_ =	shalt  }
0x52: {  	_ =	shalt  }
0x53: {  	_ =	shalt  }
0x54: {  	_ =	shalt  }
0x55: {  	_ =	shalt  }
0x56: {  	_ =	shalt  }
0x57: {  	_ =	shalt  }
0x58: {  	_ =	shalt  }
0x59: {  	_ =	shalt  }
0x5a: {  	_ =	shalt  }
0x5b: {  	_ =	shalt  }
0x5c: {  	_ =	shalt  }
0x5d: {  	_ =	shalt  }
0x5e: {  	_ =	shalt  }
0x5f: {  	_ =	shalt  }
0x60: {  	_ =	shalt  }
0x61: {  	_ =	shalt  }
0x62: {  	_ =	shalt  }
0x63: {  	_ =	shalt  }
0x64: {  	_ =	shalt  }
0x65: {  	_ =	shalt  }
0x66: {  	_ =	shalt  }
0x67: {  	_ =	shalt  }
0x68: {  	_ =	shalt  }
0x69: {  	_ =	shalt  }
0x6a: {  	_ =	shalt  }
0x6b: {  	_ =	shalt  }
0x6c: {  	_ =	shalt  }
0x6d: {  	_ =	shalt  }
0x6e: {  	_ =	shalt  }
0x6f: {  	_ =	shalt  }
0x70: {  	_ =	shalt  }
0x71: {  	_ =	shalt  }
0x72: {  	_ =	shalt  }
0x73: {  	_ =	shalt  }
0x74: {  	_ =	shalt  }
0x75: {  	_ =	shalt  }
0x76: {  	_ =	shalt  }
0x77: {  	_ =	shalt  }
0x78: {  	_ =	shalt  }
0x79: {  	_ =	shalt  }
0x7a: {  	_ =	shalt  }
0x7b: {  	_ =	shalt  }
0x7c: {  	_ =	shalt  }
0x7d: {  	_ =	shalt  }
0x7e: {  	_ =	shalt  }
0x7f: {  	_ =	shalt  }
0x80: {  	_ =	shalt  }
0x81: {  	_ =	shalt  }
0x82: {  	_ =	shalt  }
0x83: {  	_ =	shalt  }
0x84: {  	_ =	shalt  }
0x85: {  	_ =	shalt  }
0x86: {  	_ =	shalt  }
0x87: {  	_ =	shalt  }
.Lfunc_end0:
.L_simem_size_0:
called_computation_lowered:
.L_overlay_start_0:
0x88: {  	s2 =	sld [smem:$0x3FD9]  }
0x89: {  	s3 =	sld [smem:$0x3FFE];
	_ =	sdelay $0x1  }
0x8a: {  	s1 =	srdreg.scid  }
0x8b: {  	s0 =	sand.u32 $0x1, s1  }
0x8c: {  	s17 =	sshll.u32 s0, $0xA;
	s2 =	sadd.s32 s3, s2  }
0x8d: {  	s2 =	sadd.s32 s2, s17  }
0x8e: {  	[smem:$0x3FC4] =	sst s2  }
0x8f: {  	_ = 	snop  }
0x90: {  	s2 =	sld [smem:$0x3FC8]  }
0x91: {  	s18 =	sld [smem:$0x3FD0];
	(tm) =	ssettm $0x1  }
0x92: {  	s4 =	sld [smem:$0x3FFB];
	_ =	sdelay $0x3  }
0x93: {  	_ =	strace s4  }
0x94: {  	s4 =	sld [smem:$0x3FFC];
	_ =	sdelay $0x3  }
0x95: {  	_ =	strace s4  }
0x96: {  	s4 =	sld [smem:$0x3FFD];
	_ =	sdelay $0x3  }
0x97: {  	_ =	strace s4  }
0x98: {  	_ =	strace $0x8FFFFFFF  }
0x99: {  	s19 =	sld [smem:$0x3FDB];
	_ =	sdelay $0x1  }
0x9a: {  	s5 =	simm.s32 $_scs_section_size  }
0x9b: {  	s6 =	simm.s32 $_size__tile_overlayer_lowered;
	s7 =	simm.s32 $_tile_overlayer_lowered  }
0x9c: {  	s22 =	simm.s32 $0x1BFF;
	s21 =	sshll.u32 s7, $0x1;
	s4 =	sadd.s32 s5, s19  }
0x9d: {  	s8 =	simm.s32 $0x0;
	s20 =	sshll.u32 s6, $0x1;
	s6 =	sadd.s32 s21, s4  }
0x9e: {  	[timem:s8], [sflag:s22] =	dma.local [hbm:s6], s20  }
0x9f: {  	_ =	swait.ge [sflag:s22], s20  }
0xa0: {  	s5 =	ssub.s32 $0x0, s20;
	[sflag:s22] =	ssyncset.done $0x0  }
0xa1: {  	[sflag:s22] =	ssyncadd.s32 s5;
	_ =	sdelay $0x1  }
0xa2: {  	s23 =	simm.s32 $0x1B8B  }
0xa3: {  	_ =	swait.ge [sflag:s23], $0x1  }
0xa4: {  	[sflag:s23] =	ssyncset.done $0x0  }
0xa5: {  	s25 =	simm.s32 $0x1B8E;
	s24 =	sld [smem:$0x3FFE];
	[sflag:s23] =	ssyncadd.s32 $0xFFFFFFFF  }
0xa6: {  	s26 =	simm.s32 $execute0_lowered;
	[smem:$0x3FD2] =	sst s25  }
0xa7: {  	s6 =	sshll.u32 s26, $0x1;
	_ =	strace $0x80000046;
	[dreg:$0x1] =	wrdreg $0xFFFFFFFF  }
0xa8: {  	s28 =	simm.s32 $_size_execute0_lowered;
	s4 =	sadd.s32 s4, s6;
	[dreg:$0x0] =	wrdreg $0x0  }
0xa9: {  	s6 =	sshll.u32 s28, $0x1;
	[dreg:$0x2] =	wrdreg s4  }
0xaa: {  	[dreg:$0x3] =	wrdreg s6  }
0xab: {  	[dreg:$0x4] =	wrdreg $0xC0  }
0xac: {  	_ =	task [dreg:s8], $0x5FFFF  }
0xad: {  	[dreg:$0x1] =	wrdreg $0xFFFFFFFF  }
0xae: {  	[dreg:$0x0] =	wrdreg $0x60  }
0xaf: {  	[dreg:$0x2] =	wrdreg s18  }
0xb0: {  	[dreg:$0x3] =	wrdreg s2  }
0xb1: {  	[dreg:$0x4] =	wrdreg s24  }
0xb2: {  	[dreg:$0x5] =	wrdreg $0x9  }
0xb3: {  	_ =	task.clear_ibuf [dreg:s8], $0x6FFFF;
	_ =	strace $0x90000046  }
0xb4: {  	s29 =	simm.s32 $0x9;
	_ =	strace $0x80000048  }
0xb5: {  	_ =	swait.ge [sflag:s29], $0x1  }
0xb6: {  	[sflag:s29] =	ssyncadd.s32 $0xFFFFFFFF  }
0xb7: {  	_ =	strace $0x90000048  }
0xb8: {  	_ =	sfence  }
0xb9: {  	s30 =	sld [smem:$0x0];
	_ =	sdelay $0x2  }
0xba: {  	s31 =	sshll.u32 s1, $0xD;
	s1 =	sshrl.u32 s1, $0x2  }
0xbb: {  	s3 =	sand.u32 $0x4000, s31;
	s1 =	sadd.s32 s1, s30  }
0xbc: {  	s0 =	sor.u32 s3, s0;
	s1 =	sshll.u32 s1, $0x11  }
0xbd: {  	s0 =	sor.u32 s1, s0  }
0xbe: {  	s0 =	sadd.s32 $0x8F2B, s0  }
0xbf: {  	[sflag:s0] =	ssyncadd.remote.s32 $0x1  }
0xc0: {  	_ =	sfence.sel $0xFFFF  }
0xc1: {  	[dreg:$0x0] =	wrdreg $0xFFFFFFFF;
	(pc) =	sbr.abs _section_cstart, $3  }
0xc2: {  	[dreg:$0x1] =	wrdreg $0xFFFFFFFF  }
0xc3: {  	_ =	task.clear_ibuf [dreg:s8], $0x2FFFF;
	_ =	strace $0x9FFFFFFF  }
0xc4: {  	(tm) =	ssettm $0x7FFFFFFF  }
0xc5: {  	_ =	shalt  }
tec
execute0_lowered:
.L_overlay_start_1:
0x0: {  	(tag) =	ssettag $0x1  }
0x1: {  	s1 =	rddreg [dreg:$0x0]  }
0x2: {  	s2 =	rddreg [dreg:$0x1]  }
0x3: {  	s0 =	rddreg [dreg:$0x2]  }
0x4: {  	s4 =	simm.s32 $0x0;
	s3 =	srdreg.scid;
	s6 =	stileid.u32  }
0x5: {  	s18 =	simm.s32 $0x2080;
	s28 =	simm.s32 $0xA280;
	s29 =	simm.s32 $0x2200  }
0x6: {  	s30 =	simm.s32 $0x5;
	s31 =	simm.s32 $0x2400;
	s10 =	simm.s32 $0x8  }
0x7: {  	[smem:$0x7FF] =	sst s4;
	s3 =	sand.u32 $0x1, s3;
	s6 =	sshll.u32 s6, $0x1  }
0x8: {  	s7 =	sadd.s32 $0x600, s0;
	_ =	strace $0x80000047;
	s5 =	ssub.s32 $0x2, s3  }
0x9: {  	[dreg:$0x4] =	wrdreg s7;
	s3 =	sor.u32 s3, s6;
	s6 =	sadd.s32 $0xC00, s0  }
0xa: {  	s19 =	sshrl.u32 s5, $0x1;
	s21 =	sshll.u32 s3, $0x4;
	s23 =	smul.u32 $0x24000, s3  }
0xb: {  	s22 =	sshll.u32 s3, $0x7;
	s14 =	smul.u32 $0x120000, s3;
	s3 =	simm.s32 $0xE280  }
0xc: {  	s20 =	ssub.s32 s5, s19;
	s8 =	sadd.s32 s1, s21;
	s24 =	sor.u32 $0x4000, s22  }
0xd: {  	s25 =	sor.u32 $0x5000, s22;
	s12 =	smov.u32 s22;
	[dreg:$0x5] =	wrdreg s8  }
0xe: {  	s13 =	sor.u32 $0x6000, s22;
	s21 =	simm.s32 $0x80;
	[dreg:$0x8] =	wrdreg s24  }
0xf: {  	s22 =	simm.s32 $0x2280;
	s9 =	sadd.s32 $0x200, s8;
	[dreg:$0x9] =	wrdreg s25  }
0x10: {  	s19 =	simm.s32 $0x9;
	s8 =	sadd.s32 $0x400, s8;
	[dreg:$0x6] =	wrdreg s9  }
0x11: {  	s5 =	sadd.s32 s23, s6;
	s0 =	smax.u32 s20, $0x1;
	[dreg:$0x7] =	wrdreg s8  }
0x12: {  	s20 =	simm.s32 $0x1;
	s26 =	sadd.s32 $0x400, s5;
	[dreg:$0xb] =	wrdreg s0  }
0x13: {  	s0 =	simm.s32 $0x4;
	s5 =	simm.s32 $0x6;
	s9 =	simm.s32 $0x7  }
0x14: {  	s8 =	simm.s32 $0x0;
	[dreg:$0xa] =	wrdreg s26;
	s26 =	simm.s32 $0x3  }
.LBB2_1:
0x15: {  	[dreg:$0xc] =	wrdreg s8  }
0x16: {  	s7 =	rddreg [dreg:$0x4];
	s8 =	simm.s32 $0xD  }
0x17: {  	[tilespmem:s4], [sflag:$0xD] =	stream.linear.gather [hbm4b:s7+s4], $0x2080, $0x38;
	[tilespmem:$0x12280] =	vst v63  }
0x18: {  	_ =	swait.ge [sflag:s8], $0x2080  }
0x19: {  	[sflag:s8] =	ssyncset.done $0x0  }
0x1a: {  	s11 =	rddreg [dreg:$0x5];
	[sflag:s8] =	ssyncadd.s32 $0xFFFFDF80  }
0x1b: {  	[tilespmem:s18], [sflag:$0x1] =	stream.linear.gather [hbm4b:s11+s4], $0x80, $0x38;
	[tilespmem:$0x12280] =	vst v63  }
0x1c: {  	s16 =	simm.s32 $0x2100;
	s15 =	rddreg [dreg:$0x6]  }
0x1d: {  	[tilespmem:s16], [sflag:$0x2] =	stream.linear.gather [hbm4b:s15+s4], $0x80, $0x38;
	[tilespmem:$0x12280] =	vst v63  }
0x1e: {  	_ =	swait.ge [sflag:s20], $0x80  }
0x1f: {  	[sflag:s20] =	ssyncset.done $0x0  }
0x20: {  	s17 =	simm.s32 $0x2;
	[sflag:s20] =	ssyncadd.s32 $0xFFFFFF80  }
0x21: {  	[tilespmem:s22], [sflag:$0x5] =	stream.indirect.gather [hbm4b:s2+s21], $0x80, s18, s21, $0xb8;
	[tilespmem:$0x12280] =	vst v63  }
0x22: {  	_ =	swait.ge [sflag:s17], $0x80  }
0x23: {  	[sflag:s17] =	ssyncset.done $0x0  }
0x24: {  	s23 =	simm.s32 $0x6280;
	[sflag:s17] =	ssyncadd.s32 $0xFFFFFF80  }
0x25: {  	[tilespmem:s23], [sflag:$0x6] =	stream.indirect.gather [hbm4b:s2+s21], $0x80, s16, s21, $0xb8;
	[tilespmem:$0x12280] =	vst v63  }
0x26: {  	s25 =	simm.s32 $0x2180;
	s24 =	rddreg [dreg:$0x7];
	s23 =	simm.s32 $0x0  }
0x27: {  	[tilespmem:s25], [sflag:$0x3] =	stream.linear.gather [hbm4b:s24+s4], $0x80, $0x38;
	[tilespmem:$0x12280] =	vst v63  }
.LBB2_2:
0x28: {  	_ =	swait.ge [sflag:s26], $0x80  }
0x29: {  	p0 =	seq.s32 s23, $0x0;
	[sflag:s26] =	ssyncset.done $0x0  }
0x2a: {  	s24 =	sshll.u32 s23, $0x2;
	s7 =	simm.s32 @!p0 $0xB;
	[sflag:s26] =	ssyncadd.s32 $0xFFFFFF80  }
0x2b: {  	s15 =	sor.u32 $0x3, s24;
	_ =	swait.ge @!p0 [sflag:s7], $0x4000  }
0x2c: {  	s25 =	sshll.u32 s15, $0xC;
	[sflag:s7] =	ssyncset.done @!p0 $0x0  }
0x2d: {  	s17 =	simm.s32 $0x2180;
	[sflag:s7] =	ssyncadd.s32 @!p0 $0xFFFFC000;
	s7 =	sor.u32 s12, s25  }
0x2e: {  	[tilespmem:s28], [sflag:$0x7] =	stream.indirect.gather [hbm4b:s2+s21], $0x80, s17, s21, $0xb8;
	[tilespmem:$0x12280] =	vst v63  }
0x2f: {  	s7 =	sshrl.u32 s7, $0x3  }
0x30: {  	s7 =	sadd.s32 s1, s7  }
0x31: {  	[tilespmem:s29], [sflag:$0x4] =	stream.linear.gather [hbm4b:s7+s4], $0x80, $0x38;
	[tilespmem:$0x12280] =	vst v63  }
0x32: {  	_ =	swait.ge [sflag:s30], $0x4000  }
0x33: {  	[sflag:s30] =	ssyncset.done $0x0  }
0x34: {  	s16 =	sshll.u32 s23, $0x9;
	[sflag:s30] =	ssyncadd.s32 $0xFFFFC000  }
0x35: {  	v2 =	vld [tilespmem:s16+$0x0]  }
0x36: {  	v4 =	vld [tilespmem:s16+$0x10]  }
0x37: {  	v6 =	vld [tilespmem:s16+$0x20]  }
0x38: {  	v7 =	vld [tilespmem:s16+$0x30]  }
0x39: {  	v5 =	vld [tilespmem:s16+$0x40]  }
0x3a: {  	v3 =	vld [tilespmem:s16+$0x50]  }
0x3b: {  	v1 =	vld [tilespmem:s16+$0x60]  }
0x3c: {  	s8 =	simm.s32 $0x2300;
	v0 =	vld [tilespmem:s16+$0x70]  }
0x3d: {  	v8 =	vld [tilespmem:s8+$0xFFFFFF80]  }
0x3e: {  	v9 =	vld [tilespmem:s8+$0xFFFFFF90]  }
0x3f: {  	v10 =	vld [tilespmem:s8+$0xFFFFFFA0]  }
0x40: {  	v11 =	vld [tilespmem:s8+$0xFFFFFFB0]  }
0x41: {  	v12 =	vld [tilespmem:s8+$0xFFFFFFC0]  }
0x42: {  	v13 =	vld [tilespmem:s8+$0xFFFFFFD0];
	v8 =	vadd.f32 v8, v2  }
0x43: {  	v14 =	vld [tilespmem:s8+$0xFFFFFFE0];
	v9 =	vadd.f32 v9, v4  }
0x44: {  	[tilespmem:s8+$0xFFFFFF80] =	vst v8;
	v8 =	vadd.f32 v10, v6;
	v10 =	vld [tilespmem:s8+$0x0]  }
0x45: {  	[tilespmem:s8+$0xFFFFFF90] =	vst v9;
	v9 =	vadd.f32 v11, v7;
	v11 =	vld [tilespmem:s8+$0x10]  }
0x46: {  	[tilespmem:s8+$0xFFFFFFA0] =	vst v8;
	v8 =	vadd.f32 v12, v5;
	v12 =	vld [tilespmem:s8+$0x20]  }
0x47: {  	v15 =	vld [tilespmem:s8+$0x30];
	[tilespmem:s8+$0xFFFFFFB0] =	vst v9;
	v9 =	vadd.f32 v13, v3  }
0x48: {  	v13 =	vadd.f32 v14, v1;
	[tilespmem:s8+$0xFFFFFFC0] =	vst v8;
	v8 =	vld [tilespmem:s8+$0x40]  }
0x49: {  	[tilespmem:s8+$0xFFFFFFD0] =	vst v9;
	v9 =	vld [tilespmem:s8+$0x50];
	v10 =	vadd.f32 v10, v2  }
0x4a: {  	[tilespmem:s8+$0xFFFFFFE0] =	vst v13;
	v14 =	vadd.f32 v11, v4;
	v11 =	vld [tilespmem:s8+$0x60]  }
0x4b: {  	[tilespmem:s8+$0x0] =	vst v10;
	v13 =	vadd.f32 v12, v6;
	v12 =	vld [tilespmem:s8+$0x70]  }
0x4c: {  	s25 =	simm.s32 $0x0;
	s17 =	sor.u32 $0x2, s24;
	s7 =	simm.s32 $0x2400;
	v10 =	vld [tilespmem:s8+$0xFFFFFFF0];
	[tilespmem:s8+$0x10] =	vst v14;
	v14 =	vadd.f32 v15, v7  }
.LBB2_3:
0x4d: {  	v15 =	vld [tilespmem:s7+$0xFFFFFF80];
	[tilespmem:s8+$0x20] =	vst v13;
	v8 =	vadd.f32 v8, v5  }
0x4e: {  	v13 =	vld [tilespmem:s7+$0xFFFFFF90];
	[tilespmem:s8+$0x30] =	vst v14;
	v9 =	vadd.f32 v9, v3  }
0x4f: {  	v14 =	vld [tilespmem:s7+$0xFFFFFFA0];
	[tilespmem:s8+$0x40] =	vst v8;
	v8 =	vadd.f32 v11, v1  }
0x50: {  	v11 =	vld [tilespmem:s7+$0xFFFFFFB0];
	[tilespmem:s8+$0x50] =	vst v9;
	v9 =	vadd.f32 v12, v0  }
0x51: {  	v12 =	vld [tilespmem:s7+$0xFFFFFFC0];
	v10 =	vadd.f32 v10, v0;
	[tilespmem:s8+$0x60] =	vst v8  }
0x52: {  	v8 =	vadd.f32 v15, v2;
	v15 =	vld [tilespmem:s7+$0xFFFFFFD0];
	[tilespmem:s8+$0x70] =	vst v9  }
0x53: {  	v9 =	vadd.f32 v13, v4;
	v13 =	vld [tilespmem:s7+$0xFFFFFFE0];
	[tilespmem:s8+$0xFFFFFFF0] =	vst v10;
	s8 =	smov.u32 s7  }
0x54: {  	[tilespmem:s7+$0xFFFFFF80] =	vst v8;
	v8 =	vadd.f32 v14, v6;
	v10 =	vld [tilespmem:s7+$0x0]  }
0x55: {  	[tilespmem:s7+$0xFFFFFF90] =	vst v9;
	v9 =	vadd.f32 v11, v7;
	v11 =	vld [tilespmem:s7+$0x10]  }
0x56: {  	s25 =	sadd.s32 $0x2, s25;
	[tilespmem:s7+$0xFFFFFFA0] =	vst v8;
	v8 =	vadd.f32 v12, v5;
	v12 =	vld [tilespmem:s7+$0x20]  }
0x57: {  	p1 =	slt.u32 s25, $0x7E;
	[tilespmem:s7+$0xFFFFFFB0] =	vst v9;
	v9 =	vadd.f32 v15, v3;
	v14 =	vld [tilespmem:s7+$0x30]  }
.Ltmp0:
0x58: {  	[tilespmem:s7+$0xFFFFFFC0] =	vst v8;
	v13 =	vadd.f32 v13, v1;
	v8 =	vld [tilespmem:s7+$0x40];
	(pc) =	sbr.rel @p1 .LBB2_3-.Ltmp0, $4  }
0x59: {  	[tilespmem:s7+$0xFFFFFFD0] =	vst v9;
	v10 =	vadd.f32 v10, v2;
	v9 =	vld [tilespmem:s7+$0x50]  }
0x5a: {  	[tilespmem:s7+$0xFFFFFFE0] =	vst v13;
	v15 =	vadd.f32 v11, v4;
	v11 =	vld [tilespmem:s7+$0x60]  }
0x5b: {  	[tilespmem:s7+$0x0] =	vst v10;
	v13 =	vadd.f32 v12, v6;
	v12 =	vld [tilespmem:s7+$0x70]  }
0x5c: {  	s7 =	sadd.s32 $0x100, s7;
	v10 =	vld [tilespmem:s8+$0xFFFFFFF0];
	[tilespmem:s8+$0x10] =	vst v15;
	v14 =	vadd.f32 v14, v7  }
0x5d: {  	[tilespmem:s8+$0x20] =	vst v13;
	v2 =	vadd.f32 v8, v5  }
0x5e: {  	[tilespmem:s8+$0x30] =	vst v14;
	v3 =	vadd.f32 v9, v3  }
0x5f: {  	[tilespmem:s8+$0x40] =	vst v2;
	v1 =	vadd.f32 v11, v1  }
0x60: {  	[tilespmem:s8+$0x50] =	vst v3;
	v2 =	vadd.f32 v12, v0  }
0x61: {  	s7 =	sor.u32 s14, s16;
	v0 =	vadd.f32 v10, v0;
	[tilespmem:s8+$0x60] =	vst v1  }
0x62: {  	s7 =	sshrl.u32 s7, $0x3;
	[tilespmem:s8+$0x70] =	vst v2  }
0x63: {  	s7 =	sadd.s32 s6, s7;
	[tilespmem:s8+$0xFFFFFFF0] =	vst v0  }
0x64: {  	[hbm4b:s7+s21] =	stream.strided.scatter [tilespmem:s22], [sflag:$0x9], $0x4000, s31, s21, $0x38;
	[tilespmem:$0x12280] =	vst v63  }
0x65: {  	_ =	swait.ge [sflag:s0], $0x80  }
0x66: {  	[sflag:s0] =	ssyncset.done $0x0  }
0x67: {  	s7 =	simm.s32 @!p0 $0xC;
	[sflag:s0] =	ssyncadd.s32 $0xFFFFFF80  }
0x68: {  	_ =	swait.ge @!p0 [sflag:s7], $0x4000  }
0x69: {  	s8 =	sshll.u32 s23, $0xE;
	[sflag:s7] =	ssyncset.done @!p0 $0x0;
	s11 =	rddreg [dreg:$0x8]  }
0x6a: {  	[sflag:s7] =	ssyncadd.s32 @!p0 $0xFFFFC000;
	s7 =	sadd.s32 s11, s8  }
0x6b: {  	[tilespmem:s3], [sflag:$0x8] =	stream.indirect.gather [hbm4b:s2+s21], $0x80, s29, s21, $0xb8;
	[tilespmem:$0x12280] =	vst v63  }
0x6c: {  	s7 =	sshrl.u32 s7, $0x3  }
0x6d: {  	s7 =	sadd.s32 s1, s7  }
0x6e: {  	[tilespmem:s18], [sflag:$0x1] =	stream.linear.gather [hbm4b:s7+s4], $0x80, $0x38;
	[tilespmem:$0x12280] =	vst v63  }
0x6f: {  	s25 =	sor.u32 $0x1, s24;
	_ =	swait.ge [sflag:s5], $0x4000  }
0x70: {  	s24 =	sshll.u32 s25, $0x7;
	[sflag:s5] =	ssyncset.done $0x0  }
0x71: {  	s7 =	sand.u32 $0x3FFFFF80, s24;
	[sflag:s5] =	ssyncadd.s32 $0xFFFFC000  }
0x72: {  	v2 =	vld [tilespmem:s7+$0x0]  }
0x73: {  	v4 =	vld [tilespmem:s7+$0x10]  }
0x74: {  	v6 =	vld [tilespmem:s7+$0x20]  }
0x75: {  	v7 =	vld [tilespmem:s7+$0x30]  }
0x76: {  	v5 =	vld [tilespmem:s7+$0x40]  }
0x77: {  	v3 =	vld [tilespmem:s7+$0x50]  }
0x78: {  	v1 =	vld [tilespmem:s7+$0x60]  }
0x79: {  	s25 =	simm.s32 $0x6300;
	v0 =	vld [tilespmem:s7+$0x70]  }
0x7a: {  	v8 =	vld [tilespmem:s25+$0xFFFFFF80]  }
0x7b: {  	v9 =	vld [tilespmem:s25+$0xFFFFFF90]  }
0x7c: {  	v10 =	vld [tilespmem:s25+$0xFFFFFFA0]  }
0x7d: {  	v11 =	vld [tilespmem:s25+$0xFFFFFFB0]  }
0x7e: {  	v12 =	vld [tilespmem:s25+$0xFFFFFFC0]  }
0x7f: {  	v13 =	vld [tilespmem:s25+$0xFFFFFFD0];
	v8 =	vadd.f32 v8, v2  }
0x80: {  	v14 =	vld [tilespmem:s25+$0xFFFFFFE0];
	v9 =	vadd.f32 v9, v4  }
0x81: {  	[tilespmem:s25+$0xFFFFFF80] =	vst v8;
	v8 =	vadd.f32 v10, v6;
	v10 =	vld [tilespmem:s25+$0x0]  }
0x82: {  	[tilespmem:s25+$0xFFFFFF90] =	vst v9;
	v9 =	vadd.f32 v11, v7;
	v11 =	vld [tilespmem:s25+$0x10]  }
0x83: {  	[tilespmem:s25+$0xFFFFFFA0] =	vst v8;
	v8 =	vadd.f32 v12, v5;
	v12 =	vld [tilespmem:s25+$0x20]  }
0x84: {  	v15 =	vld [tilespmem:s25+$0x30];
	v13 =	vadd.f32 v13, v3;
	[tilespmem:s25+$0xFFFFFFB0] =	vst v9  }
0x85: {  	v9 =	vld [tilespmem:s25+$0x40];
	[tilespmem:s25+$0xFFFFFFC0] =	vst v8;
	v8 =	vadd.f32 v14, v1  }
0x86: {  	[tilespmem:s25+$0xFFFFFFD0] =	vst v13;
	v13 =	vadd.f32 v10, v2;
	v10 =	vld [tilespmem:s25+$0x50]  }
0x87: {  	v14 =	vadd.f32 v11, v4;
	v11 =	vld [tilespmem:s25+$0x60];
	[tilespmem:s25+$0xFFFFFFE0] =	vst v8  }
0x88: {  	[tilespmem:s25+$0x0] =	vst v13;
	v13 =	vadd.f32 v12, v6;
	v12 =	vld [tilespmem:s25+$0x70]  }
0x89: {  	s16 =	sand.u32 $0x1C00, s16;
	s11 =	simm.s32 $0x6400;
	s7 =	simm.s32 $0x0;
	v8 =	vld [tilespmem:s25+$0xFFFFFFF0];
	[tilespmem:s25+$0x10] =	vst v14;
	v14 =	vadd.f32 v15, v7  }
.LBB2_5:
0x8a: {  	v15 =	vld [tilespmem:s11+$0xFFFFFF80];
	[tilespmem:s25+$0x20] =	vst v13;
	v9 =	vadd.f32 v9, v5  }
0x8b: {  	v13 =	vld [tilespmem:s11+$0xFFFFFF90];
	[tilespmem:s25+$0x30] =	vst v14;
	v10 =	vadd.f32 v10, v3  }
0x8c: {  	v14 =	vld [tilespmem:s11+$0xFFFFFFA0];
	[tilespmem:s25+$0x40] =	vst v9;
	v9 =	vadd.f32 v11, v1  }
0x8d: {  	v11 =	vld [tilespmem:s11+$0xFFFFFFB0];
	[tilespmem:s25+$0x50] =	vst v10;
	v10 =	vadd.f32 v12, v0  }
0x8e: {  	v12 =	vld [tilespmem:s11+$0xFFFFFFC0];
	v8 =	vadd.f32 v8, v0;
	[tilespmem:s25+$0x60] =	vst v9  }
0x8f: {  	v9 =	vadd.f32 v15, v2;
	v15 =	vld [tilespmem:s11+$0xFFFFFFD0];
	[tilespmem:s25+$0x70] =	vst v10  }
0x90: {  	v10 =	vadd.f32 v13, v4;
	v13 =	vld [tilespmem:s11+$0xFFFFFFE0];
	[tilespmem:s25+$0xFFFFFFF0] =	vst v8;
	s25 =	smov.u32 s11  }
0x91: {  	[tilespmem:s11+$0xFFFFFF80] =	vst v9;
	v8 =	vadd.f32 v14, v6;
	v14 =	vld [tilespmem:s11+$0x0]  }
0x92: {  	[tilespmem:s11+$0xFFFFFF90] =	vst v10;
	v9 =	vadd.f32 v11, v7;
	v11 =	vld [tilespmem:s11+$0x10]  }
0x93: {  	s7 =	sadd.s32 $0x2, s7;
	[tilespmem:s11+$0xFFFFFFA0] =	vst v8;
	v8 =	vadd.f32 v12, v5;
	v12 =	vld [tilespmem:s11+$0x20]  }
0x94: {  	p0 =	slt.u32 s7, $0x7E;
	[tilespmem:s11+$0xFFFFFFB0] =	vst v9;
	v10 =	vadd.f32 v15, v3;
	v15 =	vld [tilespmem:s11+$0x30]  }
.Ltmp1:
0x95: {  	[tilespmem:s11+$0xFFFFFFC0] =	vst v8;
	v8 =	vadd.f32 v13, v1;
	v9 =	vld [tilespmem:s11+$0x40];
	(pc) =	sbr.rel @p0 .LBB2_5-.Ltmp1, $4  }
0x96: {  	[tilespmem:s11+$0xFFFFFFD0] =	vst v10;
	v13 =	vadd.f32 v14, v2;
	v10 =	vld [tilespmem:s11+$0x50]  }
0x97: {  	[tilespmem:s11+$0xFFFFFFE0] =	vst v8;
	v14 =	vadd.f32 v11, v4;
	v11 =	vld [tilespmem:s11+$0x60]  }
0x98: {  	[tilespmem:s11+$0x0] =	vst v13;
	v13 =	vadd.f32 v12, v6;
	v12 =	vld [tilespmem:s11+$0x70]  }
0x99: {  	s11 =	sadd.s32 $0x100, s11;
	v8 =	vld [tilespmem:s25+$0xFFFFFFF0];
	[tilespmem:s25+$0x10] =	vst v14;
	v14 =	vadd.f32 v15, v7  }
0x9a: {  	[tilespmem:s25+$0x20] =	vst v13;
	v2 =	vadd.f32 v9, v5  }
0x9b: {  	[tilespmem:s25+$0x30] =	vst v14;
	v3 =	vadd.f32 v10, v3  }
0x9c: {  	s7 =	sand.u32 $0x280, s24;
	[tilespmem:s25+$0x40] =	vst v2;
	v1 =	vadd.f32 v11, v1  }
0x9d: {  	s7 =	sor.u32 s7, s14;
	[tilespmem:s25+$0x50] =	vst v3;
	v2 =	vadd.f32 v12, v0  }
0x9e: {  	s7 =	sor.u32 s16, s7;
	v0 =	vadd.f32 v8, v0;
	[tilespmem:s25+$0x60] =	vst v1  }
0x9f: {  	s7 =	sshrl.u32 s7, $0x3;
	[tilespmem:s25+$0x70] =	vst v2  }
0xa0: {  	s11 =	simm.s32 $0x6280;
	s7 =	sadd.s32 s6, s7;
	[tilespmem:s25+$0xFFFFFFF0] =	vst v0  }
0xa1: {  	[hbm4b:s7+s21] =	stream.strided.scatter [tilespmem:s11], [sflag:$0xA], $0x4000, s31, s21, $0x38;
	[tilespmem:$0x12280] =	vst v63  }
0xa2: {  	_ =	swait.ge [sflag:s20], $0x80  }
0xa3: {  	[sflag:s20] =	ssyncset.done $0x0  }
0xa4: {  	[sflag:s20] =	ssyncadd.s32 $0xFFFFFF80  }
0xa5: {  	_ =	swait.ge [sflag:s19], $0x4000  }
0xa6: {  	p0 =	seq.s32 s23, $0xF;
	[sflag:s19] =	ssyncset.done $0x0;
	s7 =	rddreg [dreg:$0x9]  }
0xa7: {  	[sflag:s19] =	ssyncadd.s32 $0xFFFFC000;
	s7 =	sadd.s32 @!p0 s7, s8  }
0xa8: {  	[tilespmem:s22], [sflag:$0x5] =	stream.indirect.gather [hbm4b:s2+s21], $0x80, s18, s21, $0xb8;
	[tilespmem:$0x12280] =	vst v63  }
0xa9: {  	s7 =	sshrl.u32 @!p0 s7, $0x3  }
0xaa: {  	s24 =	simm.s32 @!p0 $0x2100;
	s11 =	simm.s32 @!p0 $0x0;
	s7 =	sadd.s32 @!p0 s1, s7  }
0xab: {  	[tilespmem:s24], [sflag:$0x2] =	stream.linear.gather @!p0 [hbm4b:s7+s11], $0x80, $0x38;
	[tilespmem:$0x12280] =	vst v63  }
0xac: {  	_ =	swait.ge [sflag:s9], $0x4000  }
0xad: {  	s17 =	sshll.u32 s17, $0x7;
	[sflag:s9] =	ssyncset.done $0x0  }
0xae: {  	s25 =	sand.u32 $0x3FFFFF80, s17;
	[sflag:s9] =	ssyncadd.s32 $0xFFFFC000  }
0xaf: {  	v2 =	vld [tilespmem:s25+$0x0]  }
0xb0: {  	v4 =	vld [tilespmem:s25+$0x10]  }
0xb1: {  	v6 =	vld [tilespmem:s25+$0x20]  }
0xb2: {  	v7 =	vld [tilespmem:s25+$0x30]  }
0xb3: {  	v5 =	vld [tilespmem:s25+$0x40]  }
0xb4: {  	v3 =	vld [tilespmem:s25+$0x50]  }
0xb5: {  	v1 =	vld [tilespmem:s25+$0x60]  }
0xb6: {  	s24 =	simm.s32 $0xA300;
	v0 =	vld [tilespmem:s25+$0x70]  }
0xb7: {  	v8 =	vld [tilespmem:s24+$0xFFFFFF80]  }
0xb8: {  	v9 =	vld [tilespmem:s24+$0xFFFFFF90]  }
0xb9: {  	v10 =	vld [tilespmem:s24+$0xFFFFFFA0]  }
0xba: {  	v11 =	vld [tilespmem:s24+$0xFFFFFFB0]  }
0xbb: {  	v12 =	vld [tilespmem:s24+$0xFFFFFFC0]  }
0xbc: {  	v13 =	vld [tilespmem:s24+$0xFFFFFFD0];
	v8 =	vadd.f32 v8, v2  }
0xbd: {  	v14 =	vld [tilespmem:s24+$0xFFFFFFE0];
	v9 =	vadd.f32 v9, v4  }
0xbe: {  	[tilespmem:s24+$0xFFFFFF80] =	vst v8;
	v8 =	vadd.f32 v10, v6;
	v10 =	vld [tilespmem:s24+$0x0]  }
0xbf: {  	[tilespmem:s24+$0xFFFFFF90] =	vst v9;
	v9 =	vadd.f32 v11, v7;
	v11 =	vld [tilespmem:s24+$0x10]  }
0xc0: {  	[tilespmem:s24+$0xFFFFFFA0] =	vst v8;
	v8 =	vadd.f32 v12, v5;
	v12 =	vld [tilespmem:s24+$0x20]  }
0xc1: {  	v15 =	vld [tilespmem:s24+$0x30];
	v13 =	vadd.f32 v13, v3;
	[tilespmem:s24+$0xFFFFFFB0] =	vst v9  }
0xc2: {  	v9 =	vld [tilespmem:s24+$0x40];
	[tilespmem:s24+$0xFFFFFFC0] =	vst v8;
	v8 =	vadd.f32 v14, v1  }
0xc3: {  	[tilespmem:s24+$0xFFFFFFD0] =	vst v13;
	v13 =	vadd.f32 v10, v2;
	v10 =	vld [tilespmem:s24+$0x50]  }
0xc4: {  	v14 =	vadd.f32 v11, v4;
	v11 =	vld [tilespmem:s24+$0x60];
	[tilespmem:s24+$0xFFFFFFE0] =	vst v8  }
0xc5: {  	[tilespmem:s24+$0x0] =	vst v13;
	v13 =	vadd.f32 v12, v6;
	v12 =	vld [tilespmem:s24+$0x70]  }
0xc6: {  	s7 =	simm.s32 $0x0;
	s11 =	simm.s32 $0xA400;
	v8 =	vld [tilespmem:s24+$0xFFFFFFF0];
	[tilespmem:s24+$0x10] =	vst v14;
	v14 =	vadd.f32 v15, v7  }
.LBB2_7:
0xc7: {  	v15 =	vld [tilespmem:s11+$0xFFFFFF80];
	[tilespmem:s24+$0x20] =	vst v13;
	v9 =	vadd.f32 v9, v5  }
0xc8: {  	v13 =	vld [tilespmem:s11+$0xFFFFFF90];
	[tilespmem:s24+$0x30] =	vst v14;
	v10 =	vadd.f32 v10, v3  }
0xc9: {  	v14 =	vld [tilespmem:s11+$0xFFFFFFA0];
	[tilespmem:s24+$0x40] =	vst v9;
	v9 =	vadd.f32 v11, v1  }
0xca: {  	v11 =	vld [tilespmem:s11+$0xFFFFFFB0];
	[tilespmem:s24+$0x50] =	vst v10;
	v10 =	vadd.f32 v12, v0  }
0xcb: {  	v12 =	vld [tilespmem:s11+$0xFFFFFFC0];
	v8 =	vadd.f32 v8, v0;
	[tilespmem:s24+$0x60] =	vst v9  }
0xcc: {  	v9 =	vadd.f32 v15, v2;
	v15 =	vld [tilespmem:s11+$0xFFFFFFD0];
	[tilespmem:s24+$0x70] =	vst v10  }
0xcd: {  	v10 =	vadd.f32 v13, v4;
	v13 =	vld [tilespmem:s11+$0xFFFFFFE0];
	[tilespmem:s24+$0xFFFFFFF0] =	vst v8;
	s24 =	smov.u32 s11  }
0xce: {  	[tilespmem:s11+$0xFFFFFF80] =	vst v9;
	v8 =	vadd.f32 v14, v6;
	v14 =	vld [tilespmem:s11+$0x0]  }
0xcf: {  	[tilespmem:s11+$0xFFFFFF90] =	vst v10;
	v9 =	vadd.f32 v11, v7;
	v11 =	vld [tilespmem:s11+$0x10]  }
0xd0: {  	s7 =	sadd.s32 $0x2, s7;
	[tilespmem:s11+$0xFFFFFFA0] =	vst v8;
	v8 =	vadd.f32 v12, v5;
	v12 =	vld [tilespmem:s11+$0x20]  }
0xd1: {  	p1 =	slt.u32 s7, $0x7E;
	[tilespmem:s11+$0xFFFFFFB0] =	vst v9;
	v10 =	vadd.f32 v15, v3;
	v15 =	vld [tilespmem:s11+$0x30]  }
.Ltmp2:
0xd2: {  	[tilespmem:s11+$0xFFFFFFC0] =	vst v8;
	v8 =	vadd.f32 v13, v1;
	v9 =	vld [tilespmem:s11+$0x40];
	(pc) =	sbr.rel @p1 .LBB2_7-.Ltmp2, $4  }
0xd3: {  	[tilespmem:s11+$0xFFFFFFD0] =	vst v10;
	v13 =	vadd.f32 v14, v2;
	v10 =	vld [tilespmem:s11+$0x50]  }
0xd4: {  	[tilespmem:s11+$0xFFFFFFE0] =	vst v8;
	v14 =	vadd.f32 v11, v4;
	v11 =	vld [tilespmem:s11+$0x60]  }
0xd5: {  	[tilespmem:s11+$0x0] =	vst v13;
	v13 =	vadd.f32 v12, v6;
	v12 =	vld [tilespmem:s11+$0x70]  }
0xd6: {  	s11 =	sadd.s32 $0x100, s11;
	v8 =	vld [tilespmem:s24+$0xFFFFFFF0];
	[tilespmem:s24+$0x10] =	vst v14;
	v14 =	vadd.f32 v15, v7  }
0xd7: {  	[tilespmem:s24+$0x20] =	vst v13;
	v2 =	vadd.f32 v9, v5  }
0xd8: {  	[tilespmem:s24+$0x30] =	vst v14;
	v3 =	vadd.f32 v10, v3  }
0xd9: {  	s7 =	sand.u32 $0x300, s17;
	[tilespmem:s24+$0x40] =	vst v2;
	v1 =	vadd.f32 v11, v1  }
0xda: {  	s7 =	sor.u32 s7, s14;
	[tilespmem:s24+$0x50] =	vst v3;
	v2 =	vadd.f32 v12, v0  }
0xdb: {  	s7 =	sor.u32 s16, s7;
	v0 =	vadd.f32 v8, v0;
	[tilespmem:s24+$0x60] =	vst v1  }
0xdc: {  	s7 =	sshrl.u32 s7, $0x3;
	[tilespmem:s24+$0x70] =	vst v2  }
0xdd: {  	s7 =	sadd.s32 s6, s7;
	[tilespmem:s24+$0xFFFFFFF0] =	vst v0  }
0xde: {  	[hbm4b:s7+s21] =	stream.strided.scatter [tilespmem:s28], [sflag:$0xB], $0x4000, s31, s21, $0x38;
	[tilespmem:$0x12280] =	vst v63  }
0xdf: {  	s7 =	simm.s32 @!p0 $0x2  }
0xe0: {  	_ =	swait.ge @!p0 [sflag:s7], $0x80  }
0xe1: {  	[sflag:s7] =	ssyncset.done @!p0 $0x0  }
0xe2: {  	[sflag:s7] =	ssyncadd.s32 @!p0 $0xFFFFFF80;
	s7 =	simm.s32 @!p0 $0xA  }
0xe3: {  	_ =	swait.ge @!p0 [sflag:s7], $0x4000  }
0xe4: {  	s11 =	simm.s32 @!p0 $0x2100;
	[sflag:s7] =	ssyncset.done @!p0 $0x0  }
0xe5: {  	s17 =	simm.s32 @!p0 $0x6280;
	[sflag:s7] =	ssyncadd.s32 @!p0 $0xFFFFC000;
	s7 =	simm.s32 @!p0 $0x80  }
0xe6: {  	[tilespmem:s17], [sflag:$0x6] =	stream.indirect.gather @!p0 [hbm4b:s2+s7], $0x80, s11, s7, $0xb8;
	[tilespmem:$0x12280] =	vst v63  }
0xe7: {  	s7 =	sadd.s32 @!p0 s13, s8  }
0xe8: {  	s7 =	sshrl.u32 @!p0 s7, $0x3  }
0xe9: {  	s8 =	simm.s32 @!p0 $0x0;
	s11 =	simm.s32 @!p0 $0x2180;
	s7 =	sadd.s32 @!p0 s1, s7  }
0xea: {  	[tilespmem:s11], [sflag:$0x3] =	stream.linear.gather @!p0 [hbm4b:s7+s8], $0x80, $0x38;
	[tilespmem:$0x12280] =	vst v63  }
0xeb: {  	_ =	swait.ge [sflag:s10], $0x4000  }
0xec: {  	s8 =	sshll.u32 s15, $0x7;
	[sflag:s10] =	ssyncset.done $0x0  }
0xed: {  	s25 =	sand.u32 $0x3FFFFF80, s8;
	[sflag:s10] =	ssyncadd.s32 $0xFFFFC000  }
0xee: {  	v2 =	vld [tilespmem:s25+$0x0]  }
0xef: {  	v4 =	vld [tilespmem:s25+$0x10]  }
0xf0: {  	v6 =	vld [tilespmem:s25+$0x20]  }
0xf1: {  	v7 =	vld [tilespmem:s25+$0x30]  }
0xf2: {  	v5 =	vld [tilespmem:s25+$0x40]  }
0xf3: {  	v3 =	vld [tilespmem:s25+$0x50]  }
0xf4: {  	v1 =	vld [tilespmem:s25+$0x60]  }
0xf5: {  	s15 =	simm.s32 $0xE300;
	v0 =	vld [tilespmem:s25+$0x70]  }
0xf6: {  	v8 =	vld [tilespmem:s15+$0xFFFFFF80]  }
0xf7: {  	v9 =	vld [tilespmem:s15+$0xFFFFFF90]  }
0xf8: {  	v10 =	vld [tilespmem:s15+$0xFFFFFFA0]  }
0xf9: {  	v11 =	vld [tilespmem:s15+$0xFFFFFFB0]  }
0xfa: {  	v12 =	vld [tilespmem:s15+$0xFFFFFFC0]  }
0xfb: {  	v13 =	vld [tilespmem:s15+$0xFFFFFFD0];
	v8 =	vadd.f32 v8, v2  }
0xfc: {  	v14 =	vld [tilespmem:s15+$0xFFFFFFE0];
	v9 =	vadd.f32 v9, v4  }
0xfd: {  	[tilespmem:s15+$0xFFFFFF80] =	vst v8;
	v8 =	vadd.f32 v10, v6;
	v10 =	vld [tilespmem:s15+$0x0]  }
0xfe: {  	[tilespmem:s15+$0xFFFFFF90] =	vst v9;
	v9 =	vadd.f32 v11, v7;
	v11 =	vld [tilespmem:s15+$0x10]  }
0xff: {  	[tilespmem:s15+$0xFFFFFFA0] =	vst v8;
	v8 =	vadd.f32 v12, v5;
	v12 =	vld [tilespmem:s15+$0x20]  }
0x100: {  	v15 =	vld [tilespmem:s15+$0x30];
	v13 =	vadd.f32 v13, v3;
	[tilespmem:s15+$0xFFFFFFB0] =	vst v9  }
0x101: {  	v9 =	vld [tilespmem:s15+$0x40];
	[tilespmem:s15+$0xFFFFFFC0] =	vst v8;
	v8 =	vadd.f32 v14, v1  }
0x102: {  	[tilespmem:s15+$0xFFFFFFD0] =	vst v13;
	v13 =	vadd.f32 v10, v2;
	v10 =	vld [tilespmem:s15+$0x50]  }
0x103: {  	v14 =	vadd.f32 v11, v4;
	v11 =	vld [tilespmem:s15+$0x60];
	[tilespmem:s15+$0xFFFFFFE0] =	vst v8  }
0x104: {  	[tilespmem:s15+$0x0] =	vst v13;
	v13 =	vadd.f32 v12, v6;
	v12 =	vld [tilespmem:s15+$0x70]  }
0x105: {  	s7 =	simm.s32 $0x0;
	s11 =	simm.s32 $0xE400;
	v8 =	vld [tilespmem:s15+$0xFFFFFFF0];
	[tilespmem:s15+$0x10] =	vst v14;
	v14 =	vadd.f32 v15, v7  }
.LBB2_9:
0x106: {  	v15 =	vld [tilespmem:s11+$0xFFFFFF80];
	[tilespmem:s15+$0x20] =	vst v13;
	v9 =	vadd.f32 v9, v5  }
0x107: {  	v13 =	vld [tilespmem:s11+$0xFFFFFF90];
	[tilespmem:s15+$0x30] =	vst v14;
	v10 =	vadd.f32 v10, v3  }
0x108: {  	v14 =	vld [tilespmem:s11+$0xFFFFFFA0];
	[tilespmem:s15+$0x40] =	vst v9;
	v9 =	vadd.f32 v11, v1  }
0x109: {  	v11 =	vld [tilespmem:s11+$0xFFFFFFB0];
	[tilespmem:s15+$0x50] =	vst v10;
	v10 =	vadd.f32 v12, v0  }
0x10a: {  	v12 =	vld [tilespmem:s11+$0xFFFFFFC0];
	v8 =	vadd.f32 v8, v0;
	[tilespmem:s15+$0x60] =	vst v9  }
0x10b: {  	v9 =	vadd.f32 v15, v2;
	v15 =	vld [tilespmem:s11+$0xFFFFFFD0];
	[tilespmem:s15+$0x70] =	vst v10  }
0x10c: {  	v10 =	vadd.f32 v13, v4;
	v13 =	vld [tilespmem:s11+$0xFFFFFFE0];
	[tilespmem:s15+$0xFFFFFFF0] =	vst v8;
	s15 =	smov.u32 s11  }
0x10d: {  	[tilespmem:s11+$0xFFFFFF80] =	vst v9;
	v8 =	vadd.f32 v14, v6;
	v14 =	vld [tilespmem:s11+$0x0]  }
0x10e: {  	[tilespmem:s11+$0xFFFFFF90] =	vst v10;
	v9 =	vadd.f32 v11, v7;
	v11 =	vld [tilespmem:s11+$0x10]  }
0x10f: {  	s7 =	sadd.s32 $0x2, s7;
	[tilespmem:s11+$0xFFFFFFA0] =	vst v8;
	v8 =	vadd.f32 v12, v5;
	v12 =	vld [tilespmem:s11+$0x20]  }
0x110: {  	p0 =	slt.u32 s7, $0x7E;
	[tilespmem:s11+$0xFFFFFFB0] =	vst v9;
	v10 =	vadd.f32 v15, v3;
	v15 =	vld [tilespmem:s11+$0x30]  }
.Ltmp3:
0x111: {  	[tilespmem:s11+$0xFFFFFFC0] =	vst v8;
	v8 =	vadd.f32 v13, v1;
	v9 =	vld [tilespmem:s11+$0x40];
	(pc) =	sbr.rel @p0 .LBB2_9-.Ltmp3, $4  }
0x112: {  	[tilespmem:s11+$0xFFFFFFD0] =	vst v10;
	v13 =	vadd.f32 v14, v2;
	v10 =	vld [tilespmem:s11+$0x50]  }
0x113: {  	[tilespmem:s11+$0xFFFFFFE0] =	vst v8;
	v14 =	vadd.f32 v11, v4;
	v11 =	vld [tilespmem:s11+$0x60]  }
0x114: {  	[tilespmem:s11+$0x0] =	vst v13;
	v13 =	vadd.f32 v12, v6;
	v12 =	vld [tilespmem:s11+$0x70]  }
0x115: {  	s11 =	sadd.s32 $0x100, s11;
	v8 =	vld [tilespmem:s15+$0xFFFFFFF0];
	[tilespmem:s15+$0x10] =	vst v14;
	v14 =	vadd.f32 v15, v7  }
0x116: {  	[tilespmem:s15+$0x20] =	vst v13;
	v2 =	vadd.f32 v9, v5  }
0x117: {  	s23 =	sadd.s32 $0x1, s23;
	[tilespmem:s15+$0x30] =	vst v14;
	v3 =	vadd.f32 v10, v3  }
0x118: {  	s7 =	sand.u32 $0x380, s8;
	p0 =	sne.s32 s23, $0x10;
	[tilespmem:s15+$0x40] =	vst v2;
	v1 =	vadd.f32 v11, v1  }
.Ltmp4:
0x119: {  	s7 =	sor.u32 s7, s14;
	[tilespmem:s15+$0x50] =	vst v3;
	v62 =	vadd.f32 v12, v0;
	(pc) =	sbr.rel @p0 .LBB2_2-.Ltmp4, $4  }
0x11a: {  	s7 =	sor.u32 s16, s7;
	v63 =	vadd.f32 v8, v0;
	[tilespmem:s15+$0x60] =	vst v1  }
0x11b: {  	s7 =	sshrl.u32 s7, $0x3;
	[tilespmem:s15+$0x70] =	vst v62  }
0x11c: {  	s7 =	sadd.s32 s6, s7;
	[tilespmem:s15+$0xFFFFFFF0] =	vst v63  }
0x11d: {  	[hbm4b:s7+s21] =	stream.strided.scatter [tilespmem:s3], [sflag:$0xC], $0x4000, s31, s21, $0x38;
	[tilespmem:$0x12280] =	vst v63  }
0x11e: {  	_ =	swait.ge [sflag:s30], $0x4000  }
0x11f: {  	[sflag:s30] =	ssyncset.done $0x0  }
0x120: {  	[sflag:s30] =	ssyncadd.s32 $0xFFFFC000  }
0x121: {  	v2 =	vld [tilespmem:$0x2000]  }
0x122: {  	v4 =	vld [tilespmem:$0x2010]  }
0x123: {  	v6 =	vld [tilespmem:$0x2020]  }
0x124: {  	v7 =	vld [tilespmem:$0x2030]  }
0x125: {  	v5 =	vld [tilespmem:$0x2040]  }
0x126: {  	v3 =	vld [tilespmem:$0x2050]  }
0x127: {  	v1 =	vld [tilespmem:$0x2060]  }
0x128: {  	s8 =	simm.s32 $0x2300;
	v0 =	vld [tilespmem:$0x2070]  }
0x129: {  	v8 =	vld [tilespmem:s8+$0xFFFFFF80]  }
0x12a: {  	v9 =	vld [tilespmem:s8+$0xFFFFFF90]  }
0x12b: {  	v10 =	vld [tilespmem:s8+$0xFFFFFFA0]  }
0x12c: {  	v11 =	vld [tilespmem:s8+$0xFFFFFFB0]  }
0x12d: {  	v12 =	vld [tilespmem:s8+$0xFFFFFFC0]  }
0x12e: {  	v13 =	vld [tilespmem:s8+$0xFFFFFFD0];
	v8 =	vadd.f32 v8, v2  }
0x12f: {  	v14 =	vld [tilespmem:s8+$0xFFFFFFE0];
	v9 =	vadd.f32 v9, v4  }
0x130: {  	[tilespmem:s8+$0xFFFFFF80] =	vst v8;
	v8 =	vadd.f32 v10, v6;
	v10 =	vld [tilespmem:s8+$0x0]  }
0x131: {  	[tilespmem:s8+$0xFFFFFF90] =	vst v9;
	v9 =	vadd.f32 v11, v7;
	v11 =	vld [tilespmem:s8+$0x10]  }
0x132: {  	[tilespmem:s8+$0xFFFFFFA0] =	vst v8;
	v8 =	vadd.f32 v12, v5;
	v12 =	vld [tilespmem:s8+$0x20]  }
0x133: {  	v15 =	vld [tilespmem:s8+$0x30];
	[tilespmem:s8+$0xFFFFFFB0] =	vst v9;
	v9 =	vadd.f32 v13, v3  }
0x134: {  	v13 =	vadd.f32 v14, v1;
	[tilespmem:s8+$0xFFFFFFC0] =	vst v8;
	v8 =	vld [tilespmem:s8+$0x40]  }
0x135: {  	[tilespmem:s8+$0xFFFFFFD0] =	vst v9;
	v9 =	vld [tilespmem:s8+$0x50];
	v10 =	vadd.f32 v10, v2  }
0x136: {  	[tilespmem:s8+$0xFFFFFFE0] =	vst v13;
	v14 =	vadd.f32 v11, v4;
	v11 =	vld [tilespmem:s8+$0x60]  }
0x137: {  	[tilespmem:s8+$0x0] =	vst v10;
	v13 =	vadd.f32 v12, v6;
	v12 =	vld [tilespmem:s8+$0x70]  }
0x138: {  	s7 =	simm.s32 $0x0;
	s11 =	simm.s32 $0x2400;
	v10 =	vld [tilespmem:s8+$0xFFFFFFF0];
	[tilespmem:s8+$0x10] =	vst v14;
	v14 =	vadd.f32 v15, v7  }
.LBB2_12:
0x139: {  	v15 =	vld [tilespmem:s11+$0xFFFFFF80];
	[tilespmem:s8+$0x20] =	vst v13;
	v8 =	vadd.f32 v8, v5  }
0x13a: {  	v13 =	vld [tilespmem:s11+$0xFFFFFF90];
	[tilespmem:s8+$0x30] =	vst v14;
	v9 =	vadd.f32 v9, v3  }
0x13b: {  	v14 =	vld [tilespmem:s11+$0xFFFFFFA0];
	[tilespmem:s8+$0x40] =	vst v8;
	v8 =	vadd.f32 v11, v1  }
0x13c: {  	v11 =	vld [tilespmem:s11+$0xFFFFFFB0];
	[tilespmem:s8+$0x50] =	vst v9;
	v9 =	vadd.f32 v12, v0  }
0x13d: {  	v12 =	vld [tilespmem:s11+$0xFFFFFFC0];
	v10 =	vadd.f32 v10, v0;
	[tilespmem:s8+$0x60] =	vst v8  }
0x13e: {  	v8 =	vadd.f32 v15, v2;
	v15 =	vld [tilespmem:s11+$0xFFFFFFD0];
	[tilespmem:s8+$0x70] =	vst v9  }
0x13f: {  	v9 =	vadd.f32 v13, v4;
	v13 =	vld [tilespmem:s11+$0xFFFFFFE0];
	[tilespmem:s8+$0xFFFFFFF0] =	vst v10;
	s8 =	smov.u32 s11  }
0x140: {  	[tilespmem:s11+$0xFFFFFF80] =	vst v8;
	v8 =	vadd.f32 v14, v6;
	v10 =	vld [tilespmem:s11+$0x0]  }
0x141: {  	[tilespmem:s11+$0xFFFFFF90] =	vst v9;
	v9 =	vadd.f32 v11, v7;
	v11 =	vld [tilespmem:s11+$0x10]  }
0x142: {  	s7 =	sadd.s32 $0x2, s7;
	[tilespmem:s11+$0xFFFFFFA0] =	vst v8;
	v8 =	vadd.f32 v12, v5;
	v12 =	vld [tilespmem:s11+$0x20]  }
0x143: {  	p0 =	slt.u32 s7, $0x7E;
	[tilespmem:s11+$0xFFFFFFB0] =	vst v9;
	v9 =	vadd.f32 v15, v3;
	v14 =	vld [tilespmem:s11+$0x30]  }
.Ltmp5:
0x144: {  	[tilespmem:s11+$0xFFFFFFC0] =	vst v8;
	v13 =	vadd.f32 v13, v1;
	v8 =	vld [tilespmem:s11+$0x40];
	(pc) =	sbr.rel @p0 .LBB2_12-.Ltmp5, $4  }
0x145: {  	[tilespmem:s11+$0xFFFFFFD0] =	vst v9;
	v10 =	vadd.f32 v10, v2;
	v9 =	vld [tilespmem:s11+$0x50]  }
0x146: {  	[tilespmem:s11+$0xFFFFFFE0] =	vst v13;
	v15 =	vadd.f32 v11, v4;
	v11 =	vld [tilespmem:s11+$0x60]  }
0x147: {  	[tilespmem:s11+$0x0] =	vst v10;
	v13 =	vadd.f32 v12, v6;
	v12 =	vld [tilespmem:s11+$0x70]  }
0x148: {  	s11 =	sadd.s32 $0x100, s11;
	v10 =	vld [tilespmem:s8+$0xFFFFFFF0];
	[tilespmem:s8+$0x10] =	vst v15;
	v14 =	vadd.f32 v14, v7  }
0x149: {  	[tilespmem:s8+$0x20] =	vst v13;
	v2 =	vadd.f32 v8, v5  }
0x14a: {  	[tilespmem:s8+$0x30] =	vst v14;
	v3 =	vadd.f32 v9, v3  }
0x14b: {  	[tilespmem:s8+$0x40] =	vst v2;
	v1 =	vadd.f32 v11, v1  }
0x14c: {  	[tilespmem:s8+$0x50] =	vst v3;
	v62 =	vadd.f32 v12, v0  }
0x14d: {  	v63 =	vadd.f32 v10, v0;
	[tilespmem:s8+$0x60] =	vst v1  }
0x14e: {  	[tilespmem:s8+$0x70] =	vst v62  }
0x14f: {  	s7 =	rddreg [dreg:$0xa];
	s16 =	simm.s32 $0xA;
	[tilespmem:s8+$0xFFFFFFF0] =	vst v63  }
0x150: {  	[hbm4b:s7+s21] =	stream.strided.scatter [tilespmem:s22], [sflag:$0x9], $0x4000, s31, s21, $0x38;
	[tilespmem:$0x12280] =	vst v63  }
0x151: {  	_ =	swait.ge [sflag:s16], $0x4000  }
0x152: {  	[sflag:s16] =	ssyncset.done $0x0  }
0x153: {  	s17 =	simm.s32 $0xB;
	[sflag:s16] =	ssyncadd.s32 $0xFFFFC000  }
0x154: {  	_ =	swait.ge [sflag:s17], $0x4000  }
0x155: {  	[sflag:s17] =	ssyncset.done $0x0  }
0x156: {  	s23 =	simm.s32 $0xC;
	[sflag:s17] =	ssyncadd.s32 $0xFFFFC000  }
0x157: {  	_ =	swait.ge [sflag:s23], $0x4000  }
0x158: {  	[sflag:s23] =	ssyncset.done $0x0  }
0x159: {  	[sflag:s23] =	ssyncadd.s32 $0xFFFFC000  }
0x15a: {  	_ =	swait.ge [sflag:s19], $0x4000  }
0x15b: {  	s24 =	rddreg [dreg:$0xc]  }
0x15c: {  	s25 =	rddreg [dreg:$0xb];
	s8 =	sadd.s32 $0x1, s24  }
0x15d: {  	p0 =	sne.s32 s8, s25  }
.Ltmp6:
0x15e: {  	_ = 	snop;
	(pc) =	sbr.rel @p0 .LBB2_1-.Ltmp6, $3  }
0x15f: {  	_ =	sdelay $0x1  }
0x160: {  	[sflag:s19] =	ssyncset.done $0x0  }
0x161: {  	[sflag:s19] =	ssyncadd.s32 $0xFFFFC000  }
0x162: {  	_ =	sfence.sel $0x180000  }
0x163: {  	[bflag:$0x0] =	sbarrier.arrive $0xFFFF  }
0x164: {  	_ =	strace $0x90000047  }
0x165: {  	s0 =	stileid.u32;
	[bflag:$0x2] =	sbarrier.arrive $0xFFFF  }
0x166: {  	p0 =	sne.s32 s0, $0x0;
	s0 =	rddreg [dreg:$0x3]  }
0x167: {  	s0 =	sadd.s32 @!p0 $0x100000, s0  }
0x168: {  	[sflag:s0] =	ssyncadd.tile.s32 @!p0 $0x1;
	_ =	shalt  }
.Lfunc_end2:
_tile_overlayer_lowered:
.L_overlay_start_2:
0x169: {  	(tag) =	ssettag $0x2  }
0x16a: {  	s0 =	rddreg [dreg:$0x0];
	s2 =	stileid.u32  }
0x16b: {  	s1 =	rddreg [dreg:$0x1];
	p0 =	sne.s32 s2, $0x0  }
0x16c: {  	s3 =	rddreg [dreg:$0x2];
	[bflag:$0x3] =	sbarrier.arrive $0xFFFF;
	s2 =	simm.s32 @!p0 $0x1C0D  }
0x16d: {  	[timem:s3], [sflag:s2] =	dma.local @!p0 [hbm:s0], s1  }
0x16e: {  	s0 =	simm.s32 @!p0 $0xD  }
0x16f: {  	_ =	swait.ge @!p0 [sflag:s0], s1  }
0x170: {  	s1 =	ssub.s32 @!p0 $0x0, s1;
	[sflag:s0] =	ssyncset.done @!p0 $0x0  }
0x171: {  	[sflag:s0] =	ssyncadd.s32 @!p0 s1  }
0x172: {  	[bflag:$0x3] =	sbarrier.arrive $0xFFFF  }
0x173: {  	_ =	shalt  }

</sc_bundles>
